<compile_context>
chip_gen: v7x
topology: tpu7x:2x2x1
jax: 0.10.2.dev20260603
libtpu: 0.0.44.dev20260713+nightly
codegen_flags: <defaults>
</compile_context>

<pallas_src>
import functools

import jax
import jax.numpy as jnp
from jax import lax
from jax.experimental import pallas as pl
from jax.experimental.pallas import tpu as pltpu
from jax.experimental.pallas import tpu_sc as plsc

EMBED_DIM = 128
SEQ = 50
NROWS = 4096
NUM_CORES = 2
NUM_SUBCORES = 16
NUM_WORKERS = NUM_CORES * NUM_SUBCORES
BLOCK = NROWS // NUM_WORKERS
STEPS = SEQ
NBUF = 7
LOOK = 4
_LAST_STEADY = (STEPS - LOOK - NBUF) // NBUF

_mesh = plsc.VectorSubcoreMesh(core_axis_name="c", subcore_axis_name="s")


@functools.partial(
    pl.kernel,
    out_type=jax.ShapeDtypeStruct((SEQ, NROWS, EMBED_DIM), jnp.float32),
    mesh=_mesh,
    scratch_types=[
        pltpu.VMEM((STEPS, BLOCK), jnp.int32),
        pltpu.VMEM((NBUF, BLOCK, EMBED_DIM), jnp.float32),
    ] + [pltpu.SemaphoreType.DMA] * (2 * NBUF),
)
def _embedding_gather(idx_hbm, table_hbm, out_hbm, idx_v, rows_v, *sems):
    gsem = sems[:NBUF]
    ssem = sems[NBUF:2 * NBUF]
    wid = lax.axis_index("c") * NUM_SUBCORES + lax.axis_index("s")
    base = wid * BLOCK
    pltpu.sync_copy(idx_hbm.at[:, pl.ds(base, BLOCK)], idx_v)

    def start_gather(step, slot):
        pltpu.async_copy(table_hbm.at[idx_v.at[step]], rows_v.at[slot],
                         gsem[slot])

    def wait_gather(step, slot):
        pltpu.make_async_copy(table_hbm.at[idx_v.at[step]], rows_v.at[slot],
                              gsem[slot]).wait()

    def start_store(step, slot):
        pltpu.async_copy(rows_v.at[slot],
                         out_hbm.at[step].at[pl.ds(base, BLOCK)],
                         ssem[slot])

    def wait_store(step, slot):
        pltpu.make_async_copy(rows_v.at[slot],
                              out_hbm.at[step].at[pl.ds(base, BLOCK)],
                              ssem[slot]).wait()

    def step_body(t, b, prefetch, storewait):
        g = t + LOOK
        gs = (b + LOOK) % NBUF
        if prefetch:
            if storewait:
                wait_store(g - NBUF, gs)
            start_gather(g, gs)
        wait_gather(t, b)
        start_store(t, b)

    for t in range(LOOK):
        start_gather(t, t % NBUF)

    for b in range(NBUF):
        step_body(b, b, prefetch=True, storewait=(b + LOOK >= NBUF))

    def round_body(r, carry):
        for b in range(NBUF):
            step_body(r * NBUF + b, b, prefetch=True, storewait=True)
        return carry

    lax.fori_loop(1, _LAST_STEADY + 1, round_body, 0)

    for t in range((_LAST_STEADY + 1) * NBUF, STEPS):
        step_body(t, t % NBUF, prefetch=(t + LOOK < STEPS), storewait=True)

    for t in range(STEPS - NBUF, STEPS):
        wait_store(t, t % NBUF)


def kernel(token_ids, weight):
    idx_t = jnp.transpose(token_ids.astype(jnp.int32))
    out_t = _embedding_gather(idx_t, weight)
    return jnp.transpose(out_t, (1, 0, 2))

# --- scband reference (transcript-rebuilt; emitter-appended) ---
"""Pipeline reference for scband-embedding-13563506721123 (READ-ONLY COPY).

The authoritative reference and input builder live on the scoring server;
editing this copy changes nothing except your own understanding.
"""

import jax, jax.numpy as jnp
import numpy as np

NUM_EMBEDDINGS = 100000
EMBEDDING_DIM = 128

def setup_inputs(seed: int = 0) -> dict:
    key = jax.random.key(seed)
    k1, k2 = jax.random.split(key)
    token_ids = jax.random.randint(k1, (4096, 50), 0, NUM_EMBEDDINGS, dtype=jnp.int64 if jax.config.jax_enable_x64 else jnp.int32)
    # trunc_normal init: std=1.0, clipped to [-3, 3]
    weight = jnp.clip(jax.random.normal(k2, (NUM_EMBEDDINGS, EMBEDDING_DIM), dtype=jnp.float32), -3.0, 3.0)
    return {"token_ids": token_ids, "weight": weight}

def reference(token_ids, weight):
    # weight[token_ids] -> gather rows
    return jnp.take(weight, token_ids, axis=0)

if __name__ == "__main__":
    import jax
    _d = setup_inputs()
    print(jax.jit(kernel)(*tuple(_d.values())))

</pallas_src>

<mosaic_0001>
#map = affine_map<(d0, d1) -> (0, 0)>
#map1 = affine_map<(d0, d1) -> (0, 0, 0)>
module attributes {stable_mosaic.version = 14 : i64} {
  func.func @_embedding_gather(%arg0: i32, %arg1: i32, %arg2: memref<50x4096xi32, #tpu.memory_space<hbm>>, %arg3: memref<100000x128xf32, #tpu.memory_space<hbm>>, %arg4: memref<50x4096x128xf32, #tpu.memory_space<hbm>>, %arg5: memref<50x128xi32, #tpu.memory_space<vmem>>, %arg6: memref<7x128x128xf32, #tpu.memory_space<vmem>>, %arg7: memref<!tpu.dma_semaphore, #tpu.memory_space<semaphore_mem>>, %arg8: memref<!tpu.dma_semaphore, #tpu.memory_space<semaphore_mem>>, %arg9: memref<!tpu.dma_semaphore, #tpu.memory_space<semaphore_mem>>, %arg10: memref<!tpu.dma_semaphore, #tpu.memory_space<semaphore_mem>>, %arg11: memref<!tpu.dma_semaphore, #tpu.memory_space<semaphore_mem>>, %arg12: memref<!tpu.dma_semaphore, #tpu.memory_space<semaphore_mem>>, %arg13: memref<!tpu.dma_semaphore, #tpu.memory_space<semaphore_mem>>, %arg14: memref<!tpu.dma_semaphore, #tpu.memory_space<semaphore_mem>>, %arg15: memref<!tpu.dma_semaphore, #tpu.memory_space<semaphore_mem>>, %arg16: memref<!tpu.dma_semaphore, #tpu.memory_space<semaphore_mem>>, %arg17: memref<!tpu.dma_semaphore, #tpu.memory_space<semaphore_mem>>, %arg18: memref<!tpu.dma_semaphore, #tpu.memory_space<semaphore_mem>>, %arg19: memref<!tpu.dma_semaphore, #tpu.memory_space<semaphore_mem>>, %arg20: memref<!tpu.dma_semaphore, #tpu.memory_space<semaphore_mem>>) attributes {dimension_semantics = [#tpu.dimension_semantics<core_parallel>, #tpu.dimension_semantics<subcore_parallel>], iteration_bounds = array<i64: 2, 16>, scalar_prefetch = 0 : i64, scratch_operands = 16 : i64, tpu.core_type = #tpu.core_type<sc_vector_subcore>, window_params = [{transform_indices = #map}, {transform_indices = #map}, {transform_indices = #map1}]} {
    %mul3A = arith.constant 16 : i32
    %mul3A_0 = arith.muli %arg0, %mul3A : i32
    %add3A = arith.addi %mul3A_0, %arg1 : i32
    %mul3A_1 = arith.constant 128 : i32
    %mul3A_2 = arith.muli %add3A, %mul3A_1 : i32
    "tpu.region"() ({
      %run_scoped3A = tpu.sem_alloc : memref<!tpu.dma_semaphore, #tpu.memory_space<semaphore_mem>>
      %dma_start3A_1026 = arith.constant 0 : i32
      %dma_start3A_1027 = tpu.memref_slice %arg2[%dma_start3A_1026, %mul3A_2] : memref<50x4096xi32, #tpu.memory_space<hbm>> -> memref<50x128xi32, #tpu.memory_space<hbm>>
      %dma_start3A_1028 = arith.constant 0 : i32
      %dma_start3A_1029 = tpu.memref_slice %arg2[%dma_start3A_1028, %mul3A_2] : memref<50x4096xi32, #tpu.memory_space<hbm>> -> memref<50x128xi32, #tpu.memory_space<hbm>>
      tpu.enqueue_dma source(%dma_start3A_1029 : memref<50x128xi32, #tpu.memory_space<hbm>>) target(%arg5 : memref<50x128xi32, #tpu.memory_space<vmem>>) target_semaphore(%run_scoped3A : memref<!tpu.dma_semaphore, #tpu.memory_space<semaphore_mem>>)
      %dma_wait3A_1030 = arith.constant 0 : i32
      %dma_wait3A_1031 = tpu.memref_slice %arg2[%dma_wait3A_1030, %mul3A_2] : memref<50x4096xi32, #tpu.memory_space<hbm>> -> memref<50x128xi32, #tpu.memory_space<hbm>>
      %dma_wait3A_1032 = arith.constant 0 : i32
      %dma_wait3A_1033 = tpu.memref_slice %arg2[%dma_wait3A_1032, %mul3A_2] : memref<50x4096xi32, #tpu.memory_space<hbm>> -> memref<50x128xi32, #tpu.memory_space<hbm>>
      tpu.wait_dma2 semaphore(%run_scoped3A : memref<!tpu.dma_semaphore, #tpu.memory_space<semaphore_mem>>) src(%dma_wait3A_1033 : memref<50x128xi32, #tpu.memory_space<hbm>>) dst(%arg5 : memref<50x128xi32, #tpu.memory_space<vmem>>)
      tpu.yield
    }) : () -> ()
    %dma_start3A = arith.constant 0 : i32
    %dma_start3A_3 = arith.constant 0 : i32
    %dma_start3A_4 = arith.constant 0 : i32
    %dma_start3A_5 = arith.constant 0 : i32
    %dma_start3A_6 = tpu.memref_slice %arg6[%dma_start3A_3, %dma_start3A_4, %dma_start3A_5] : memref<7x128x128xf32, #tpu.memory_space<vmem>> -> memref<1x128x128xf32, #tpu.memory_space<vmem>>
    %dma_start3A_7 = tpu.memref_squeeze %dma_start3A_6 : memref<1x128x128xf32, #tpu.memory_space<vmem>> -> memref<128x128xf32, #tpu.memory_space<vmem>>
    %dma_start3A_8 = arith.constant 0 : i32
    %dma_start3A_9 = tpu.memref_slice %arg5[%dma_start3A, %dma_start3A_8] : memref<50x128xi32, #tpu.memory_space<vmem>> -> memref<1x128xi32, #tpu.memory_space<vmem>>
    %dma_start3A_10 = tpu.memref_squeeze %dma_start3A_9 : memref<1x128xi32, #tpu.memory_space<vmem>> -> memref<128xi32, #tpu.memory_space<vmem>>
    %dma_start3A_11 = arith.constant 0 : i32
    %dma_start3A_12 = arith.constant 0 : i32
    %dma_start3A_13 = tpu.memref_slice %arg3[%dma_start3A_11, %dma_start3A_12] : memref<100000x128xf32, #tpu.memory_space<hbm>> -> memref<100000x128xf32, #tpu.memory_space<hbm>>
    tpu.enqueue_indirect_dma source(%dma_start3A_13 : memref<100000x128xf32, #tpu.memory_space<hbm>>) target(%dma_start3A_7 : memref<128x128xf32, #tpu.memory_space<vmem>>) offsets(%dma_start3A_10 : memref<128xi32, #tpu.memory_space<vmem>>) semaphore(%arg7 : memref<!tpu.dma_semaphore, #tpu.memory_space<semaphore_mem>>)
    %dma_start3A_14 = arith.constant 1 : i32
    %dma_start3A_15 = arith.constant 1 : i32
    %dma_start3A_16 = arith.constant 0 : i32
    %dma_start3A_17 = arith.constant 0 : i32
    %dma_start3A_18 = tpu.memref_slice %arg6[%dma_start3A_15, %dma_start3A_16, %dma_start3A_17] : memref<7x128x128xf32, #tpu.memory_space<vmem>> -> memref<1x128x128xf32, #tpu.memory_space<vmem>>
    %dma_start3A_19 = tpu.memref_squeeze %dma_start3A_18 : memref<1x128x128xf32, #tpu.memory_space<vmem>> -> memref<128x128xf32, #tpu.memory_space<vmem>>
    %dma_start3A_20 = arith.constant 0 : i32
    %dma_start3A_21 = tpu.memref_slice %arg5[%dma_start3A_14, %dma_start3A_20] : memref<50x128xi32, #tpu.memory_space<vmem>> -> memref<1x128xi32, #tpu.memory_space<vmem>>
    %dma_start3A_22 = tpu.memref_squeeze %dma_start3A_21 : memref<1x128xi32, #tpu.memory_space<vmem>> -> memref<128xi32, #tpu.memory_space<vmem>>
    %dma_start3A_23 = arith.constant 0 : i32
    %dma_start3A_24 = arith.constant 0 : i32
    %dma_start3A_25 = tpu.memref_slice %arg3[%dma_start3A_23, %dma_start3A_24] : memref<100000x128xf32, #tpu.memory_space<hbm>> -> memref<100000x128xf32, #tpu.memory_space<hbm>>
    tpu.enqueue_indirect_dma source(%dma_start3A_25 : memref<100000x128xf32, #tpu.memory_space<hbm>>) target(%dma_start3A_19 : memref<128x128xf32, #tpu.memory_space<vmem>>) offsets(%dma_start3A_22 : memref<128xi32, #tpu.memory_space<vmem>>) semaphore(%arg8 : memref<!tpu.dma_semaphore, #tpu.memory_space<semaphore_mem>>)
    %dma_start3A_26 = arith.constant 2 : i32
    %dma_start3A_27 = arith.constant 2 : i32
    %dma_start3A_28 = arith.constant 0 : i32
    %dma_start3A_29 = arith.constant 0 : i32
    %dma_start3A_30 = tpu.memref_slice %arg6[%dma_start3A_27, %dma_start3A_28, %dma_start3A_29] : memref<7x128x128xf32, #tpu.memory_space<vmem>> -> memref<1x128x128xf32, #tpu.memory_space<vmem>>
    %dma_start3A_31 = tpu.memref_squeeze %dma_start3A_30 : memref<1x128x128xf32, #tpu.memory_space<vmem>> -> memref<128x128xf32, #tpu.memory_space<vmem>>
    %dma_start3A_32 = arith.constant 0 : i32
    %dma_start3A_33 = tpu.memref_slice %arg5[%dma_start3A_26, %dma_start3A_32] : memref<50x128xi32, #tpu.memory_space<vmem>> -> memref<1x128xi32, #tpu.memory_space<vmem>>
    %dma_start3A_34 = tpu.memref_squeeze %dma_start3A_33 : memref<1x128xi32, #tpu.memory_space<vmem>> -> memref<128xi32, #tpu.memory_space<vmem>>
    %dma_start3A_35 = arith.constant 0 : i32
    %dma_start3A_36 = arith.constant 0 : i32
    %dma_start3A_37 = tpu.memref_slice %arg3[%dma_start3A_35, %dma_start3A_36] : memref<100000x128xf32, #tpu.memory_space<hbm>> -> memref<100000x128xf32, #tpu.memory_space<hbm>>
    tpu.enqueue_indirect_dma source(%dma_start3A_37 : memref<100000x128xf32, #tpu.memory_space<hbm>>) target(%dma_start3A_31 : memref<128x128xf32, #tpu.memory_space<vmem>>) offsets(%dma_start3A_34 : memref<128xi32, #tpu.memory_space<vmem>>) semaphore(%arg9 : memref<!tpu.dma_semaphore, #tpu.memory_space<semaphore_mem>>)
    %dma_start3A_38 = arith.constant 3 : i32
    %dma_start3A_39 = arith.constant 3 : i32
    %dma_start3A_40 = arith.constant 0 : i32
    %dma_start3A_41 = arith.constant 0 : i32
    %dma_start3A_42 = tpu.memref_slice %arg6[%dma_start3A_39, %dma_start3A_40, %dma_start3A_41] : memref<7x128x128xf32, #tpu.memory_space<vmem>> -> memref<1x128x128xf32, #tpu.memory_space<vmem>>
    %dma_start3A_43 = tpu.memref_squeeze %dma_start3A_42 : memref<1x128x128xf32, #tpu.memory_space<vmem>> -> memref<128x128xf32, #tpu.memory_space<vmem>>
    %dma_start3A_44 = arith.constant 0 : i32
    %dma_start3A_45 = tpu.memref_slice %arg5[%dma_start3A_38, %dma_start3A_44] : memref<50x128xi32, #tpu.memory_space<vmem>> -> memref<1x128xi32, #tpu.memory_space<vmem>>
    %dma_start3A_46 = tpu.memref_squeeze %dma_start3A_45 : memref<1x128xi32, #tpu.memory_space<vmem>> -> memref<128xi32, #tpu.memory_space<vmem>>
    %dma_start3A_47 = arith.constant 0 : i32
    %dma_start3A_48 = arith.constant 0 : i32
    %dma_start3A_49 = tpu.memref_slice %arg3[%dma_start3A_47, %dma_start3A_48] : memref<100000x128xf32, #tpu.memory_space<hbm>> -> memref<100000x128xf32, #tpu.memory_space<hbm>>
    tpu.enqueue_indirect_dma source(%dma_start3A_49 : memref<100000x128xf32, #tpu.memory_space<hbm>>) target(%dma_start3A_43 : memref<128x128xf32, #tpu.memory_space<vmem>>) offsets(%dma_start3A_46 : memref<128xi32, #tpu.memory_space<vmem>>) semaphore(%arg10 : memref<!tpu.dma_semaphore, #tpu.memory_space<semaphore_mem>>)
    %dma_start3A_50 = arith.constant 4 : i32
    %dma_start3A_51 = arith.constant 4 : i32
    %dma_start3A_52 = arith.constant 0 : i32
    %dma_start3A_53 = arith.constant 0 : i32
    %dma_start3A_54 = tpu.memref_slice %arg6[%dma_start3A_51, %dma_start3A_52, %dma_start3A_53] : memref<7x128x128xf32, #tpu.memory_space<vmem>> -> memref<1x128x128xf32, #tpu.memory_space<vmem>>
    %dma_start3A_55 = tpu.memref_squeeze %dma_start3A_54 : memref<1x128x128xf32, #tpu.memory_space<vmem>> -> memref<128x128xf32, #tpu.memory_space<vmem>>
    %dma_start3A_56 = arith.constant 0 : i32
    %dma_start3A_57 = tpu.memref_slice %arg5[%dma_start3A_50, %dma_start3A_56] : memref<50x128xi32, #tpu.memory_space<vmem>> -> memref<1x128xi32, #tpu.memory_space<vmem>>
    %dma_start3A_58 = tpu.memref_squeeze %dma_start3A_57 : memref<1x128xi32, #tpu.memory_space<vmem>> -> memref<128xi32, #tpu.memory_space<vmem>>
    %dma_start3A_59 = arith.constant 0 : i32
    %dma_start3A_60 = arith.constant 0 : i32
    %dma_start3A_61 = tpu.memref_slice %arg3[%dma_start3A_59, %dma_start3A_60] : memref<100000x128xf32, #tpu.memory_space<hbm>> -> memref<100000x128xf32, #tpu.memory_space<hbm>>
    tpu.enqueue_indirect_dma source(%dma_start3A_61 : memref<100000x128xf32, #tpu.memory_space<hbm>>) target(%dma_start3A_55 : memref<128x128xf32, #tpu.memory_space<vmem>>) offsets(%dma_start3A_58 : memref<128xi32, #tpu.memory_space<vmem>>) semaphore(%arg11 : memref<!tpu.dma_semaphore, #tpu.memory_space<semaphore_mem>>)
    %dma_wait3A = arith.constant 0 : i32
    %dma_wait3A_62 = arith.constant 0 : i32
    %dma_wait3A_63 = arith.constant 0 : i32
    %dma_wait3A_64 = arith.constant 0 : i32
    %dma_wait3A_65 = tpu.memref_slice %arg6[%dma_wait3A_62, %dma_wait3A_63, %dma_wait3A_64] : memref<7x128x128xf32, #tpu.memory_space<vmem>> -> memref<1x128x128xf32, #tpu.memory_space<vmem>>
    %dma_wait3A_66 = tpu.memref_squeeze %dma_wait3A_65 : memref<1x128x128xf32, #tpu.memory_space<vmem>> -> memref<128x128xf32, #tpu.memory_space<vmem>>
    %dma_wait3A_67 = arith.constant 0 : i32
    %dma_wait3A_68 = tpu.memref_slice %arg5[%dma_wait3A, %dma_wait3A_67] : memref<50x128xi32, #tpu.memory_space<vmem>> -> memref<1x128xi32, #tpu.memory_space<vmem>>
    %dma_wait3A_69 = tpu.memref_squeeze %dma_wait3A_68 : memref<1x128xi32, #tpu.memory_space<vmem>> -> memref<128xi32, #tpu.memory_space<vmem>>
    %dma_wait3A_70 = arith.constant 0 : i32
    %dma_wait3A_71 = arith.constant 0 : i32
    %dma_wait3A_72 = tpu.memref_slice %arg3[%dma_wait3A_70, %dma_wait3A_71] : memref<100000x128xf32, #tpu.memory_space<hbm>> -> memref<100000x128xf32, #tpu.memory_space<hbm>>
    tpu.wait_indirect_dma semaphore(%arg7 : memref<!tpu.dma_semaphore, #tpu.memory_space<semaphore_mem>>) src(%dma_wait3A_72 : memref<100000x128xf32, #tpu.memory_space<hbm>>) dst(%dma_wait3A_66 : memref<128x128xf32, #tpu.memory_space<vmem>>)
    %dma_start3A_73 = arith.constant 0 : i32
    %dma_start3A_74 = arith.constant 0 : i32
    %dma_start3A_75 = arith.constant 0 : i32
    %dma_start3A_76 = arith.constant 0 : i32
    %dma_start3A_77 = tpu.memref_slice %arg6[%dma_start3A_73, %dma_start3A_75, %dma_start3A_76] : memref<7x128x128xf32, #tpu.memory_space<vmem>> -> memref<1x128x128xf32, #tpu.memory_space<vmem>>
    %dma_start3A_78 = tpu.memref_squeeze %dma_start3A_77 : memref<1x128x128xf32, #tpu.memory_space<vmem>> -> memref<128x128xf32, #tpu.memory_space<vmem>>
    %dma_start3A_79 = arith.constant 0 : i32
    %dma_start3A_80 = arith.constant 0 : i32
    %dma_start3A_81 = tpu.memref_slice %arg4[%dma_start3A_74, %dma_start3A_79, %dma_start3A_80] : memref<50x4096x128xf32, #tpu.memory_space<hbm>> -> memref<1x4096x128xf32, #tpu.memory_space<hbm>>
    %dma_start3A_82 = tpu.memref_squeeze %dma_start3A_81 : memref<1x4096x128xf32, #tpu.memory_space<hbm>> -> memref<4096x128xf32, #tpu.memory_space<hbm>>
    %dma_start3A_83 = arith.constant 0 : i32
    %dma_start3A_84 = tpu.memref_slice %dma_start3A_82[%mul3A_2, %dma_start3A_83] : memref<4096x128xf32, #tpu.memory_space<hbm>> -> memref<128x128xf32, #tpu.memory_space<hbm>>
    %dma_start3A_85 = arith.constant 0 : i32
    %dma_start3A_86 = arith.constant 0 : i32
    %dma_start3A_87 = tpu.memref_slice %arg4[%dma_start3A_74, %dma_start3A_85, %dma_start3A_86] : memref<50x4096x128xf32, #tpu.memory_space<hbm>> -> memref<1x4096x128xf32, #tpu.memory_space<hbm>>
    %dma_start3A_88 = tpu.memref_squeeze %dma_start3A_87 : memref<1x4096x128xf32, #tpu.memory_space<hbm>> -> memref<4096x128xf32, #tpu.memory_space<hbm>>
    %dma_start3A_89 = arith.constant 0 : i32
    %dma_start3A_90 = tpu.memref_slice %dma_start3A_88[%mul3A_2, %dma_start3A_89] : memref<4096x128xf32, #tpu.memory_space<hbm>> -> memref<128x128xf32, #tpu.memory_space<hbm>>
    %dma_start3A_91 = arith.constant 0 : i32
    %dma_start3A_92 = arith.constant 0 : i32
    %dma_start3A_93 = tpu.memref_slice %arg6[%dma_start3A_73, %dma_start3A_91, %dma_start3A_92] : memref<7x128x128xf32, #tpu.memory_space<vmem>> -> memref<1x128x128xf32, #tpu.memory_space<vmem>>
    %dma_start3A_94 = tpu.memref_squeeze %dma_start3A_93 : memref<1x128x128xf32, #tpu.memory_space<vmem>> -> memref<128x128xf32, #tpu.memory_space<vmem>>
    tpu.enqueue_dma source(%dma_start3A_94 : memref<128x128xf32, #tpu.memory_space<vmem>>) target(%dma_start3A_90 : memref<128x128xf32, #tpu.memory_space<hbm>>) target_semaphore(%arg14 : memref<!tpu.dma_semaphore, #tpu.memory_space<semaphore_mem>>)
    %dma_start3A_95 = arith.constant 5 : i32
    %dma_start3A_96 = arith.constant 5 : i32
    %dma_start3A_97 = arith.constant 0 : i32
    %dma_start3A_98 = arith.constant 0 : i32
    %dma_start3A_99 = tpu.memref_slice %arg6[%dma_start3A_96, %dma_start3A_97, %dma_start3A_98] : memref<7x128x128xf32, #tpu.memory_space<vmem>> -> memref<1x128x128xf32, #tpu.memory_space<vmem>>
    %dma_start3A_100 = tpu.memref_squeeze %dma_start3A_99 : memref<1x128x128xf32, #tpu.memory_space<vmem>> -> memref<128x128xf32, #tpu.memory_space<vmem>>
    %dma_start3A_101 = arith.constant 0 : i32
    %dma_start3A_102 = tpu.memref_slice %arg5[%dma_start3A_95, %dma_start3A_101] : memref<50x128xi32, #tpu.memory_space<vmem>> -> memref<1x128xi32, #tpu.memory_space<vmem>>
    %dma_start3A_103 = tpu.memref_squeeze %dma_start3A_102 : memref<1x128xi32, #tpu.memory_space<vmem>> -> memref<128xi32, #tpu.memory_space<vmem>>
    %dma_start3A_104 = arith.constant 0 : i32
    %dma_start3A_105 = arith.constant 0 : i32
    %dma_start3A_106 = tpu.memref_slice %arg3[%dma_start3A_104, %dma_start3A_105] : memref<100000x128xf32, #tpu.memory_space<hbm>> -> memref<100000x128xf32, #tpu.memory_space<hbm>>
    tpu.enqueue_indirect_dma source(%dma_start3A_106 : memref<100000x128xf32, #tpu.memory_space<hbm>>) target(%dma_start3A_100 : memref<128x128xf32, #tpu.memory_space<vmem>>) offsets(%dma_start3A_103 : memref<128xi32, #tpu.memory_space<vmem>>) semaphore(%arg12 : memref<!tpu.dma_semaphore, #tpu.memory_space<semaphore_mem>>)
    %dma_wait3A_107 = arith.constant 1 : i32
    %dma_wait3A_108 = arith.constant 1 : i32
    %dma_wait3A_109 = arith.constant 0 : i32
    %dma_wait3A_110 = arith.constant 0 : i32
    %dma_wait3A_111 = tpu.memref_slice %arg6[%dma_wait3A_108, %dma_wait3A_109, %dma_wait3A_110] : memref<7x128x128xf32, #tpu.memory_space<vmem>> -> memref<1x128x128xf32, #tpu.memory_space<vmem>>
    %dma_wait3A_112 = tpu.memref_squeeze %dma_wait3A_111 : memref<1x128x128xf32, #tpu.memory_space<vmem>> -> memref<128x128xf32, #tpu.memory_space<vmem>>
    %dma_wait3A_113 = arith.constant 0 : i32
    %dma_wait3A_114 = tpu.memref_slice %arg5[%dma_wait3A_107, %dma_wait3A_113] : memref<50x128xi32, #tpu.memory_space<vmem>> -> memref<1x128xi32, #tpu.memory_space<vmem>>
    %dma_wait3A_115 = tpu.memref_squeeze %dma_wait3A_114 : memref<1x128xi32, #tpu.memory_space<vmem>> -> memref<128xi32, #tpu.memory_space<vmem>>
    %dma_wait3A_116 = arith.constant 0 : i32
    %dma_wait3A_117 = arith.constant 0 : i32
    %dma_wait3A_118 = tpu.memref_slice %arg3[%dma_wait3A_116, %dma_wait3A_117] : memref<100000x128xf32, #tpu.memory_space<hbm>> -> memref<100000x128xf32, #tpu.memory_space<hbm>>
    tpu.wait_indirect_dma semaphore(%arg8 : memref<!tpu.dma_semaphore, #tpu.memory_space<semaphore_mem>>) src(%dma_wait3A_118 : memref<100000x128xf32, #tpu.memory_space<hbm>>) dst(%dma_wait3A_112 : memref<128x128xf32, #tpu.memory_space<vmem>>)
    %dma_start3A_119 = arith.constant 1 : i32
    %dma_start3A_120 = arith.constant 1 : i32
    %dma_start3A_121 = arith.constant 0 : i32
    %dma_start3A_122 = arith.constant 0 : i32
    %dma_start3A_123 = tpu.memref_slice %arg6[%dma_start3A_119, %dma_start3A_121, %dma_start3A_122] : memref<7x128x128xf32, #tpu.memory_space<vmem>> -> memref<1x128x128xf32, #tpu.memory_space<vmem>>
    %dma_start3A_124 = tpu.memref_squeeze %dma_start3A_123 : memref<1x128x128xf32, #tpu.memory_space<vmem>> -> memref<128x128xf32, #tpu.memory_space<vmem>>
    %dma_start3A_125 = arith.constant 0 : i32
    %dma_start3A_126 = arith.constant 0 : i32
    %dma_start3A_127 = tpu.memref_slice %arg4[%dma_start3A_120, %dma_start3A_125, %dma_start3A_126] : memref<50x4096x128xf32, #tpu.memory_space<hbm>> -> memref<1x4096x128xf32, #tpu.memory_space<hbm>>
    %dma_start3A_128 = tpu.memref_squeeze %dma_start3A_127 : memref<1x4096x128xf32, #tpu.memory_space<hbm>> -> memref<4096x128xf32, #tpu.memory_space<hbm>>
    %dma_start3A_129 = arith.constant 0 : i32
    %dma_start3A_130 = tpu.memref_slice %dma_start3A_128[%mul3A_2, %dma_start3A_129] : memref<4096x128xf32, #tpu.memory_space<hbm>> -> memref<128x128xf32, #tpu.memory_space<hbm>>
    %dma_start3A_131 = arith.constant 0 : i32
    %dma_start3A_132 = arith.constant 0 : i32
    %dma_start3A_133 = tpu.memref_slice %arg4[%dma_start3A_120, %dma_start3A_131, %dma_start3A_132] : memref<50x4096x128xf32, #tpu.memory_space<hbm>> -> memref<1x4096x128xf32, #tpu.memory_space<hbm>>
    %dma_start3A_134 = tpu.memref_squeeze %dma_start3A_133 : memref<1x4096x128xf32, #tpu.memory_space<hbm>> -> memref<4096x128xf32, #tpu.memory_space<hbm>>
    %dma_start3A_135 = arith.constant 0 : i32
    %dma_start3A_136 = tpu.memref_slice %dma_start3A_134[%mul3A_2, %dma_start3A_135] : memref<4096x128xf32, #tpu.memory_space<hbm>> -> memref<128x128xf32, #tpu.memory_space<hbm>>
    %dma_start3A_137 = arith.constant 0 : i32
    %dma_start3A_138 = arith.constant 0 : i32
    %dma_start3A_139 = tpu.memref_slice %arg6[%dma_start3A_119, %dma_start3A_137, %dma_start3A_138] : memref<7x128x128xf32, #tpu.memory_space<vmem>> -> memref<1x128x128xf32, #tpu.memory_space<vmem>>
    %dma_start3A_140 = tpu.memref_squeeze %dma_start3A_139 : memref<1x128x128xf32, #tpu.memory_space<vmem>> -> memref<128x128xf32, #tpu.memory_space<vmem>>
    tpu.enqueue_dma source(%dma_start3A_140 : memref<128x128xf32, #tpu.memory_space<vmem>>) target(%dma_start3A_136 : memref<128x128xf32, #tpu.memory_space<hbm>>) target_semaphore(%arg15 : memref<!tpu.dma_semaphore, #tpu.memory_space<semaphore_mem>>)
    %dma_start3A_141 = arith.constant 6 : i32
    %dma_start3A_142 = arith.constant 6 : i32
    %dma_start3A_143 = arith.constant 0 : i32
    %dma_start3A_144 = arith.constant 0 : i32
    %dma_start3A_145 = tpu.memref_slice %arg6[%dma_start3A_142, %dma_start3A_143, %dma_start3A_144] : memref<7x128x128xf32, #tpu.memory_space<vmem>> -> memref<1x128x128xf32, #tpu.memory_space<vmem>>
    %dma_start3A_146 = tpu.memref_squeeze %dma_start3A_145 : memref<1x128x128xf32, #tpu.memory_space<vmem>> -> memref<128x128xf32, #tpu.memory_space<vmem>>
    %dma_start3A_147 = arith.constant 0 : i32
    %dma_start3A_148 = tpu.memref_slice %arg5[%dma_start3A_141, %dma_start3A_147] : memref<50x128xi32, #tpu.memory_space<vmem>> -> memref<1x128xi32, #tpu.memory_space<vmem>>
    %dma_start3A_149 = tpu.memref_squeeze %dma_start3A_148 : memref<1x128xi32, #tpu.memory_space<vmem>> -> memref<128xi32, #tpu.memory_space<vmem>>
    %dma_start3A_150 = arith.constant 0 : i32
    %dma_start3A_151 = arith.constant 0 : i32
    %dma_start3A_152 = tpu.memref_slice %arg3[%dma_start3A_150, %dma_start3A_151] : memref<100000x128xf32, #tpu.memory_space<hbm>> -> memref<100000x128xf32, #tpu.memory_space<hbm>>
    tpu.enqueue_indirect_dma source(%dma_start3A_152 : memref<100000x128xf32, #tpu.memory_space<hbm>>) target(%dma_start3A_146 : memref<128x128xf32, #tpu.memory_space<vmem>>) offsets(%dma_start3A_149 : memref<128xi32, #tpu.memory_space<vmem>>) semaphore(%arg13 : memref<!tpu.dma_semaphore, #tpu.memory_space<semaphore_mem>>)
    %dma_wait3A_153 = arith.constant 2 : i32
    %dma_wait3A_154 = arith.constant 2 : i32
    %dma_wait3A_155 = arith.constant 0 : i32
    %dma_wait3A_156 = arith.constant 0 : i32
    %dma_wait3A_157 = tpu.memref_slice %arg6[%dma_wait3A_154, %dma_wait3A_155, %dma_wait3A_156] : memref<7x128x128xf32, #tpu.memory_space<vmem>> -> memref<1x128x128xf32, #tpu.memory_space<vmem>>
    %dma_wait3A_158 = tpu.memref_squeeze %dma_wait3A_157 : memref<1x128x128xf32, #tpu.memory_space<vmem>> -> memref<128x128xf32, #tpu.memory_space<vmem>>
    %dma_wait3A_159 = arith.constant 0 : i32
    %dma_wait3A_160 = tpu.memref_slice %arg5[%dma_wait3A_153, %dma_wait3A_159] : memref<50x128xi32, #tpu.memory_space<vmem>> -> memref<1x128xi32, #tpu.memory_space<vmem>>
    %dma_wait3A_161 = tpu.memref_squeeze %dma_wait3A_160 : memref<1x128xi32, #tpu.memory_space<vmem>> -> memref<128xi32, #tpu.memory_space<vmem>>
    %dma_wait3A_162 = arith.constant 0 : i32
    %dma_wait3A_163 = arith.constant 0 : i32
    %dma_wait3A_164 = tpu.memref_slice %arg3[%dma_wait3A_162, %dma_wait3A_163] : memref<100000x128xf32, #tpu.memory_space<hbm>> -> memref<100000x128xf32, #tpu.memory_space<hbm>>
    tpu.wait_indirect_dma semaphore(%arg9 : memref<!tpu.dma_semaphore, #tpu.memory_space<semaphore_mem>>) src(%dma_wait3A_164 : memref<100000x128xf32, #tpu.memory_space<hbm>>) dst(%dma_wait3A_158 : memref<128x128xf32, #tpu.memory_space<vmem>>)
    %dma_start3A_165 = arith.constant 2 : i32
    %dma_start3A_166 = arith.constant 2 : i32
    %dma_start3A_167 = arith.constant 0 : i32
    %dma_start3A_168 = arith.constant 0 : i32
    %dma_start3A_169 = tpu.memref_slice %arg6[%dma_start3A_165, %dma_start3A_167, %dma_start3A_168] : memref<7x128x128xf32, #tpu.memory_space<vmem>> -> memref<1x128x128xf32, #tpu.memory_space<vmem>>
    %dma_start3A_170 = tpu.memref_squeeze %dma_start3A_169 : memref<1x128x128xf32, #tpu.memory_space<vmem>> -> memref<128x128xf32, #tpu.memory_space<vmem>>
    %dma_start3A_171 = arith.constant 0 : i32
    %dma_start3A_172 = arith.constant 0 : i32
    %dma_start3A_173 = tpu.memref_slice %arg4[%dma_start3A_166, %dma_start3A_171, %dma_start3A_172] : memref<50x4096x128xf32, #tpu.memory_space<hbm>> -> memref<1x4096x128xf32, #tpu.memory_space<hbm>>
    %dma_start3A_174 = tpu.memref_squeeze %dma_start3A_173 : memref<1x4096x128xf32, #tpu.memory_space<hbm>> -> memref<4096x128xf32, #tpu.memory_space<hbm>>
    %dma_start3A_175 = arith.constant 0 : i32
    %dma_start3A_176 = tpu.memref_slice %dma_start3A_174[%mul3A_2, %dma_start3A_175] : memref<4096x128xf32, #tpu.memory_space<hbm>> -> memref<128x128xf32, #tpu.memory_space<hbm>>
    %dma_start3A_177 = arith.constant 0 : i32
    %dma_start3A_178 = arith.constant 0 : i32
    %dma_start3A_179 = tpu.memref_slice %arg4[%dma_start3A_166, %dma_start3A_177, %dma_start3A_178] : memref<50x4096x128xf32, #tpu.memory_space<hbm>> -> memref<1x4096x128xf32, #tpu.memory_space<hbm>>
    %dma_start3A_180 = tpu.memref_squeeze %dma_start3A_179 : memref<1x4096x128xf32, #tpu.memory_space<hbm>> -> memref<4096x128xf32, #tpu.memory_space<hbm>>
    %dma_start3A_181 = arith.constant 0 : i32
    %dma_start3A_182 = tpu.memref_slice %dma_start3A_180[%mul3A_2, %dma_start3A_181] : memref<4096x128xf32, #tpu.memory_space<hbm>> -> memref<128x128xf32, #tpu.memory_space<hbm>>
    %dma_start3A_183 = arith.constant 0 : i32
    %dma_start3A_184 = arith.constant 0 : i32
    %dma_start3A_185 = tpu.memref_slice %arg6[%dma_start3A_165, %dma_start3A_183, %dma_start3A_184] : memref<7x128x128xf32, #tpu.memory_space<vmem>> -> memref<1x128x128xf32, #tpu.memory_space<vmem>>
    %dma_start3A_186 = tpu.memref_squeeze %dma_start3A_185 : memref<1x128x128xf32, #tpu.memory_space<vmem>> -> memref<128x128xf32, #tpu.memory_space<vmem>>
    tpu.enqueue_dma source(%dma_start3A_186 : memref<128x128xf32, #tpu.memory_space<vmem>>) target(%dma_start3A_182 : memref<128x128xf32, #tpu.memory_space<hbm>>) target_semaphore(%arg16 : memref<!tpu.dma_semaphore, #tpu.memory_space<semaphore_mem>>)
    %dma_wait3A_187 = arith.constant 0 : i32
    %dma_wait3A_188 = arith.constant 0 : i32
    %dma_wait3A_189 = arith.constant 0 : i32
    %dma_wait3A_190 = arith.constant 0 : i32
    %dma_wait3A_191 = tpu.memref_slice %arg6[%dma_wait3A_187, %dma_wait3A_189, %dma_wait3A_190] : memref<7x128x128xf32, #tpu.memory_space<vmem>> -> memref<1x128x128xf32, #tpu.memory_space<vmem>>
    %dma_wait3A_192 = tpu.memref_squeeze %dma_wait3A_191 : memref<1x128x128xf32, #tpu.memory_space<vmem>> -> memref<128x128xf32, #tpu.memory_space<vmem>>
    %dma_wait3A_193 = arith.constant 0 : i32
    %dma_wait3A_194 = arith.constant 0 : i32
    %dma_wait3A_195 = tpu.memref_slice %arg4[%dma_wait3A_188, %dma_wait3A_193, %dma_wait3A_194] : memref<50x4096x128xf32, #tpu.memory_space<hbm>> -> memref<1x4096x128xf32, #tpu.memory_space<hbm>>
    %dma_wait3A_196 = tpu.memref_squeeze %dma_wait3A_195 : memref<1x4096x128xf32, #tpu.memory_space<hbm>> -> memref<4096x128xf32, #tpu.memory_space<hbm>>
    %dma_wait3A_197 = arith.constant 0 : i32
    %dma_wait3A_198 = tpu.memref_slice %dma_wait3A_196[%mul3A_2, %dma_wait3A_197] : memref<4096x128xf32, #tpu.memory_space<hbm>> -> memref<128x128xf32, #tpu.memory_space<hbm>>
    %dma_wait3A_199 = arith.constant 0 : i32
    %dma_wait3A_200 = arith.constant 0 : i32
    %dma_wait3A_201 = tpu.memref_slice %arg4[%dma_wait3A_188, %dma_wait3A_199, %dma_wait3A_200] : memref<50x4096x128xf32, #tpu.memory_space<hbm>> -> memref<1x4096x128xf32, #tpu.memory_space<hbm>>
    %dma_wait3A_202 = tpu.memref_squeeze %dma_wait3A_201 : memref<1x4096x128xf32, #tpu.memory_space<hbm>> -> memref<4096x128xf32, #tpu.memory_space<hbm>>
    %dma_wait3A_203 = arith.constant 0 : i32
    %dma_wait3A_204 = tpu.memref_slice %dma_wait3A_202[%mul3A_2, %dma_wait3A_203] : memref<4096x128xf32, #tpu.memory_space<hbm>> -> memref<128x128xf32, #tpu.memory_space<hbm>>
    %dma_wait3A_205 = arith.constant 0 : i32
    %dma_wait3A_206 = arith.constant 0 : i32
    %dma_wait3A_207 = tpu.memref_slice %arg6[%dma_wait3A_187, %dma_wait3A_205, %dma_wait3A_206] : memref<7x128x128xf32, #tpu.memory_space<vmem>> -> memref<1x128x128xf32, #tpu.memory_space<vmem>>
    %dma_wait3A_208 = tpu.memref_squeeze %dma_wait3A_207 : memref<1x128x128xf32, #tpu.memory_space<vmem>> -> memref<128x128xf32, #tpu.memory_space<vmem>>
    tpu.wait_dma2 semaphore(%arg14 : memref<!tpu.dma_semaphore, #tpu.memory_space<semaphore_mem>>) src(%dma_wait3A_208 : memref<128x128xf32, #tpu.memory_space<vmem>>) dst(%dma_wait3A_204 : memref<128x128xf32, #tpu.memory_space<hbm>>)
    %dma_start3A_209 = arith.constant 7 : i32
    %dma_start3A_210 = arith.constant 0 : i32
    %dma_start3A_211 = arith.constant 0 : i32
    %dma_start3A_212 = arith.constant 0 : i32
    %dma_start3A_213 = tpu.memref_slice %arg6[%dma_start3A_210, %dma_start3A_211, %dma_start3A_212] : memref<7x128x128xf32, #tpu.memory_space<vmem>> -> memref<1x128x128xf32, #tpu.memory_space<vmem>>
    %dma_start3A_214 = tpu.memref_squeeze %dma_start3A_213 : memref<1x128x128xf32, #tpu.memory_space<vmem>> -> memref<128x128xf32, #tpu.memory_space<vmem>>
    %dma_start3A_215 = arith.constant 0 : i32
    %dma_start3A_216 = tpu.memref_slice %arg5[%dma_start3A_209, %dma_start3A_215] : memref<50x128xi32, #tpu.memory_space<vmem>> -> memref<1x128xi32, #tpu.memory_space<vmem>>
    %dma_start3A_217 = tpu.memref_squeeze %dma_start3A_216 : memref<1x128xi32, #tpu.memory_space<vmem>> -> memref<128xi32, #tpu.memory_space<vmem>>
    %dma_start3A_218 = arith.constant 0 : i32
    %dma_start3A_219 = arith.constant 0 : i32
    %dma_start3A_220 = tpu.memref_slice %arg3[%dma_start3A_218, %dma_start3A_219] : memref<100000x128xf32, #tpu.memory_space<hbm>> -> memref<100000x128xf32, #tpu.memory_space<hbm>>
    tpu.enqueue_indirect_dma source(%dma_start3A_220 : memref<100000x128xf32, #tpu.memory_space<hbm>>) target(%dma_start3A_214 : memref<128x128xf32, #tpu.memory_space<vmem>>) offsets(%dma_start3A_217 : memref<128xi32, #tpu.memory_space<vmem>>) semaphore(%arg7 : memref<!tpu.dma_semaphore, #tpu.memory_space<semaphore_mem>>)
    %dma_wait3A_221 = arith.constant 3 : i32
    %dma_wait3A_222 = arith.constant 3 : i32
    %dma_wait3A_223 = arith.constant 0 : i32
    %dma_wait3A_224 = arith.constant 0 : i32
    %dma_wait3A_225 = tpu.memref_slice %arg6[%dma_wait3A_222, %dma_wait3A_223, %dma_wait3A_224] : memref<7x128x128xf32, #tpu.memory_space<vmem>> -> memref<1x128x128xf32, #tpu.memory_space<vmem>>
    %dma_wait3A_226 = tpu.memref_squeeze %dma_wait3A_225 : memref<1x128x128xf32, #tpu.memory_space<vmem>> -> memref<128x128xf32, #tpu.memory_space<vmem>>
    %dma_wait3A_227 = arith.constant 0 : i32
    %dma_wait3A_228 = tpu.memref_slice %arg5[%dma_wait3A_221, %dma_wait3A_227] : memref<50x128xi32, #tpu.memory_space<vmem>> -> memref<1x128xi32, #tpu.memory_space<vmem>>
    %dma_wait3A_229 = tpu.memref_squeeze %dma_wait3A_228 : memref<1x128xi32, #tpu.memory_space<vmem>> -> memref<128xi32, #tpu.memory_space<vmem>>
    %dma_wait3A_230 = arith.constant 0 : i32
    %dma_wait3A_231 = arith.constant 0 : i32
    %dma_wait3A_232 = tpu.memref_slice %arg3[%dma_wait3A_230, %dma_wait3A_231] : memref<100000x128xf32, #tpu.memory_space<hbm>> -> memref<100000x128xf32, #tpu.memory_space<hbm>>
    tpu.wait_indirect_dma semaphore(%arg10 : memref<!tpu.dma_semaphore, #tpu.memory_space<semaphore_mem>>) src(%dma_wait3A_232 : memref<100000x128xf32, #tpu.memory_space<hbm>>) dst(%dma_wait3A_226 : memref<128x128xf32, #tpu.memory_space<vmem>>)
    %dma_start3A_233 = arith.constant 3 : i32
    %dma_start3A_234 = arith.constant 3 : i32
    %dma_start3A_235 = arith.constant 0 : i32
    %dma_start3A_236 = arith.constant 0 : i32
    %dma_start3A_237 = tpu.memref_slice %arg6[%dma_start3A_233, %dma_start3A_235, %dma_start3A_236] : memref<7x128x128xf32, #tpu.memory_space<vmem>> -> memref<1x128x128xf32, #tpu.memory_space<vmem>>
    %dma_start3A_238 = tpu.memref_squeeze %dma_start3A_237 : memref<1x128x128xf32, #tpu.memory_space<vmem>> -> memref<128x128xf32, #tpu.memory_space<vmem>>
    %dma_start3A_239 = arith.constant 0 : i32
    %dma_start3A_240 = arith.constant 0 : i32
    %dma_start3A_241 = tpu.memref_slice %arg4[%dma_start3A_234, %dma_start3A_239, %dma_start3A_240] : memref<50x4096x128xf32, #tpu.memory_space<hbm>> -> memref<1x4096x128xf32, #tpu.memory_space<hbm>>
    %dma_start3A_242 = tpu.memref_squeeze %dma_start3A_241 : memref<1x4096x128xf32, #tpu.memory_space<hbm>> -> memref<4096x128xf32, #tpu.memory_space<hbm>>
    %dma_start3A_243 = arith.constant 0 : i32
    %dma_start3A_244 = tpu.memref_slice %dma_start3A_242[%mul3A_2, %dma_start3A_243] : memref<4096x128xf32, #tpu.memory_space<hbm>> -> memref<128x128xf32, #tpu.memory_space<hbm>>
    %dma_start3A_245 = arith.constant 0 : i32
    %dma_start3A_246 = arith.constant 0 : i32
    %dma_start3A_247 = tpu.memref_slice %arg4[%dma_start3A_234, %dma_start3A_245, %dma_start3A_246] : memref<50x4096x128xf32, #tpu.memory_space<hbm>> -> memref<1x4096x128xf32, #tpu.memory_space<hbm>>
    %dma_start3A_248 = tpu.memref_squeeze %dma_start3A_247 : memref<1x4096x128xf32, #tpu.memory_space<hbm>> -> memref<4096x128xf32, #tpu.memory_space<hbm>>
    %dma_start3A_249 = arith.constant 0 : i32
    %dma_start3A_250 = tpu.memref_slice %dma_start3A_248[%mul3A_2, %dma_start3A_249] : memref<4096x128xf32, #tpu.memory_space<hbm>> -> memref<128x128xf32, #tpu.memory_space<hbm>>
    %dma_start3A_251 = arith.constant 0 : i32
    %dma_start3A_252 = arith.constant 0 : i32
    %dma_start3A_253 = tpu.memref_slice %arg6[%dma_start3A_233, %dma_start3A_251, %dma_start3A_252] : memref<7x128x128xf32, #tpu.memory_space<vmem>> -> memref<1x128x128xf32, #tpu.memory_space<vmem>>
    %dma_start3A_254 = tpu.memref_squeeze %dma_start3A_253 : memref<1x128x128xf32, #tpu.memory_space<vmem>> -> memref<128x128xf32, #tpu.memory_space<vmem>>
    tpu.enqueue_dma source(%dma_start3A_254 : memref<128x128xf32, #tpu.memory_space<vmem>>) target(%dma_start3A_250 : memref<128x128xf32, #tpu.memory_space<hbm>>) target_semaphore(%arg17 : memref<!tpu.dma_semaphore, #tpu.memory_space<semaphore_mem>>)
    %dma_wait3A_255 = arith.constant 1 : i32
    %dma_wait3A_256 = arith.constant 1 : i32
    %dma_wait3A_257 = arith.constant 0 : i32
    %dma_wait3A_258 = arith.constant 0 : i32
    %dma_wait3A_259 = tpu.memref_slice %arg6[%dma_wait3A_255, %dma_wait3A_257, %dma_wait3A_258] : memref<7x128x128xf32, #tpu.memory_space<vmem>> -> memref<1x128x128xf32, #tpu.memory_space<vmem>>
    %dma_wait3A_260 = tpu.memref_squeeze %dma_wait3A_259 : memref<1x128x128xf32, #tpu.memory_space<vmem>> -> memref<128x128xf32, #tpu.memory_space<vmem>>
    %dma_wait3A_261 = arith.constant 0 : i32
    %dma_wait3A_262 = arith.constant 0 : i32
    %dma_wait3A_263 = tpu.memref_slice %arg4[%dma_wait3A_256, %dma_wait3A_261, %dma_wait3A_262] : memref<50x4096x128xf32, #tpu.memory_space<hbm>> -> memref<1x4096x128xf32, #tpu.memory_space<hbm>>
    %dma_wait3A_264 = tpu.memref_squeeze %dma_wait3A_263 : memref<1x4096x128xf32, #tpu.memory_space<hbm>> -> memref<4096x128xf32, #tpu.memory_space<hbm>>
    %dma_wait3A_265 = arith.constant 0 : i32
    %dma_wait3A_266 = tpu.memref_slice %dma_wait3A_264[%mul3A_2, %dma_wait3A_265] : memref<4096x128xf32, #tpu.memory_space<hbm>> -> memref<128x128xf32, #tpu.memory_space<hbm>>
    %dma_wait3A_267 = arith.constant 0 : i32
    %dma_wait3A_268 = arith.constant 0 : i32
    %dma_wait3A_269 = tpu.memref_slice %arg4[%dma_wait3A_256, %dma_wait3A_267, %dma_wait3A_268] : memref<50x4096x128xf32, #tpu.memory_space<hbm>> -> memref<1x4096x128xf32, #tpu.memory_space<hbm>>
    %dma_wait3A_270 = tpu.memref_squeeze %dma_wait3A_269 : memref<1x4096x128xf32, #tpu.memory_space<hbm>> -> memref<4096x128xf32, #tpu.memory_space<hbm>>
    %dma_wait3A_271 = arith.constant 0 : i32
    %dma_wait3A_272 = tpu.memref_slice %dma_wait3A_270[%mul3A_2, %dma_wait3A_271] : memref<4096x128xf32, #tpu.memory_space<hbm>> -> memref<128x128xf32, #tpu.memory_space<hbm>>
    %dma_wait3A_273 = arith.constant 0 : i32
    %dma_wait3A_274 = arith.constant 0 : i32
    %dma_wait3A_275 = tpu.memref_slice %arg6[%dma_wait3A_255, %dma_wait3A_273, %dma_wait3A_274] : memref<7x128x128xf32, #tpu.memory_space<vmem>> -> memref<1x128x128xf32, #tpu.memory_space<vmem>>
    %dma_wait3A_276 = tpu.memref_squeeze %dma_wait3A_275 : memref<1x128x128xf32, #tpu.memory_space<vmem>> -> memref<128x128xf32, #tpu.memory_space<vmem>>
    tpu.wait_dma2 semaphore(%arg15 : memref<!tpu.dma_semaphore, #tpu.memory_space<semaphore_mem>>) src(%dma_wait3A_276 : memref<128x128xf32, #tpu.memory_space<vmem>>) dst(%dma_wait3A_272 : memref<128x128xf32, #tpu.memory_space<hbm>>)
    %dma_start3A_277 = arith.constant 8 : i32
    %dma_start3A_278 = arith.constant 1 : i32
    %dma_start3A_279 = arith.constant 0 : i32
    %dma_start3A_280 = arith.constant 0 : i32
    %dma_start3A_281 = tpu.memref_slice %arg6[%dma_start3A_278, %dma_start3A_279, %dma_start3A_280] : memref<7x128x128xf32, #tpu.memory_space<vmem>> -> memref<1x128x128xf32, #tpu.memory_space<vmem>>
    %dma_start3A_282 = tpu.memref_squeeze %dma_start3A_281 : memref<1x128x128xf32, #tpu.memory_space<vmem>> -> memref<128x128xf32, #tpu.memory_space<vmem>>
    %dma_start3A_283 = arith.constant 0 : i32
    %dma_start3A_284 = tpu.memref_slice %arg5[%dma_start3A_277, %dma_start3A_283] : memref<50x128xi32, #tpu.memory_space<vmem>> -> memref<1x128xi32, #tpu.memory_space<vmem>>
    %dma_start3A_285 = tpu.memref_squeeze %dma_start3A_284 : memref<1x128xi32, #tpu.memory_space<vmem>> -> memref<128xi32, #tpu.memory_space<vmem>>
    %dma_start3A_286 = arith.constant 0 : i32
    %dma_start3A_287 = arith.constant 0 : i32
    %dma_start3A_288 = tpu.memref_slice %arg3[%dma_start3A_286, %dma_start3A_287] : memref<100000x128xf32, #tpu.memory_space<hbm>> -> memref<100000x128xf32, #tpu.memory_space<hbm>>
    tpu.enqueue_indirect_dma source(%dma_start3A_288 : memref<100000x128xf32, #tpu.memory_space<hbm>>) target(%dma_start3A_282 : memref<128x128xf32, #tpu.memory_space<vmem>>) offsets(%dma_start3A_285 : memref<128xi32, #tpu.memory_space<vmem>>) semaphore(%arg8 : memref<!tpu.dma_semaphore, #tpu.memory_space<semaphore_mem>>)
    %dma_wait3A_289 = arith.constant 4 : i32
    %dma_wait3A_290 = arith.constant 4 : i32
    %dma_wait3A_291 = arith.constant 0 : i32
    %dma_wait3A_292 = arith.constant 0 : i32
    %dma_wait3A_293 = tpu.memref_slice %arg6[%dma_wait3A_290, %dma_wait3A_291, %dma_wait3A_292] : memref<7x128x128xf32, #tpu.memory_space<vmem>> -> memref<1x128x128xf32, #tpu.memory_space<vmem>>
    %dma_wait3A_294 = tpu.memref_squeeze %dma_wait3A_293 : memref<1x128x128xf32, #tpu.memory_space<vmem>> -> memref<128x128xf32, #tpu.memory_space<vmem>>
    %dma_wait3A_295 = arith.constant 0 : i32
    %dma_wait3A_296 = tpu.memref_slice %arg5[%dma_wait3A_289, %dma_wait3A_295] : memref<50x128xi32, #tpu.memory_space<vmem>> -> memref<1x128xi32, #tpu.memory_space<vmem>>
    %dma_wait3A_297 = tpu.memref_squeeze %dma_wait3A_296 : memref<1x128xi32, #tpu.memory_space<vmem>> -> memref<128xi32, #tpu.memory_space<vmem>>
    %dma_wait3A_298 = arith.constant 0 : i32
    %dma_wait3A_299 = arith.constant 0 : i32
    %dma_wait3A_300 = tpu.memref_slice %arg3[%dma_wait3A_298, %dma_wait3A_299] : memref<100000x128xf32, #tpu.memory_space<hbm>> -> memref<100000x128xf32, #tpu.memory_space<hbm>>
    tpu.wait_indirect_dma semaphore(%arg11 : memref<!tpu.dma_semaphore, #tpu.memory_space<semaphore_mem>>) src(%dma_wait3A_300 : memref<100000x128xf32, #tpu.memory_space<hbm>>) dst(%dma_wait3A_294 : memref<128x128xf32, #tpu.memory_space<vmem>>)
    %dma_start3A_301 = arith.constant 4 : i32
    %dma_start3A_302 = arith.constant 4 : i32
    %dma_start3A_303 = arith.constant 0 : i32
    %dma_start3A_304 = arith.constant 0 : i32
    %dma_start3A_305 = tpu.memref_slice %arg6[%dma_start3A_301, %dma_start3A_303, %dma_start3A_304] : memref<7x128x128xf32, #tpu.memory_space<vmem>> -> memref<1x128x128xf32, #tpu.memory_space<vmem>>
    %dma_start3A_306 = tpu.memref_squeeze %dma_start3A_305 : memref<1x128x128xf32, #tpu.memory_space<vmem>> -> memref<128x128xf32, #tpu.memory_space<vmem>>
    %dma_start3A_307 = arith.constant 0 : i32
    %dma_start3A_308 = arith.constant 0 : i32
    %dma_start3A_309 = tpu.memref_slice %arg4[%dma_start3A_302, %dma_start3A_307, %dma_start3A_308] : memref<50x4096x128xf32, #tpu.memory_space<hbm>> -> memref<1x4096x128xf32, #tpu.memory_space<hbm>>
    %dma_start3A_310 = tpu.memref_squeeze %dma_start3A_309 : memref<1x4096x128xf32, #tpu.memory_space<hbm>> -> memref<4096x128xf32, #tpu.memory_space<hbm>>
    %dma_start3A_311 = arith.constant 0 : i32
    %dma_start3A_312 = tpu.memref_slice %dma_start3A_310[%mul3A_2, %dma_start3A_311] : memref<4096x128xf32, #tpu.memory_space<hbm>> -> memref<128x128xf32, #tpu.memory_space<hbm>>
    %dma_start3A_313 = arith.constant 0 : i32
    %dma_start3A_314 = arith.constant 0 : i32
    %dma_start3A_315 = tpu.memref_slice %arg4[%dma_start3A_302, %dma_start3A_313, %dma_start3A_314] : memref<50x4096x128xf32, #tpu.memory_space<hbm>> -> memref<1x4096x128xf32, #tpu.memory_space<hbm>>
    %dma_start3A_316 = tpu.memref_squeeze %dma_start3A_315 : memref<1x4096x128xf32, #tpu.memory_space<hbm>> -> memref<4096x128xf32, #tpu.memory_space<hbm>>
    %dma_start3A_317 = arith.constant 0 : i32
    %dma_start3A_318 = tpu.memref_slice %dma_start3A_316[%mul3A_2, %dma_start3A_317] : memref<4096x128xf32, #tpu.memory_space<hbm>> -> memref<128x128xf32, #tpu.memory_space<hbm>>
    %dma_start3A_319 = arith.constant 0 : i32
    %dma_start3A_320 = arith.constant 0 : i32
    %dma_start3A_321 = tpu.memref_slice %arg6[%dma_start3A_301, %dma_start3A_319, %dma_start3A_320] : memref<7x128x128xf32, #tpu.memory_space<vmem>> -> memref<1x128x128xf32, #tpu.memory_space<vmem>>
    %dma_start3A_322 = tpu.memref_squeeze %dma_start3A_321 : memref<1x128x128xf32, #tpu.memory_space<vmem>> -> memref<128x128xf32, #tpu.memory_space<vmem>>
    tpu.enqueue_dma source(%dma_start3A_322 : memref<128x128xf32, #tpu.memory_space<vmem>>) target(%dma_start3A_318 : memref<128x128xf32, #tpu.memory_space<hbm>>) target_semaphore(%arg18 : memref<!tpu.dma_semaphore, #tpu.memory_space<semaphore_mem>>)
    %dma_wait3A_323 = arith.constant 2 : i32
    %dma_wait3A_324 = arith.constant 2 : i32
    %dma_wait3A_325 = arith.constant 0 : i32
    %dma_wait3A_326 = arith.constant 0 : i32
    %dma_wait3A_327 = tpu.memref_slice %arg6[%dma_wait3A_323, %dma_wait3A_325, %dma_wait3A_326] : memref<7x128x128xf32, #tpu.memory_space<vmem>> -> memref<1x128x128xf32, #tpu.memory_space<vmem>>
    %dma_wait3A_328 = tpu.memref_squeeze %dma_wait3A_327 : memref<1x128x128xf32, #tpu.memory_space<vmem>> -> memref<128x128xf32, #tpu.memory_space<vmem>>
    %dma_wait3A_329 = arith.constant 0 : i32
    %dma_wait3A_330 = arith.constant 0 : i32
    %dma_wait3A_331 = tpu.memref_slice %arg4[%dma_wait3A_324, %dma_wait3A_329, %dma_wait3A_330] : memref<50x4096x128xf32, #tpu.memory_space<hbm>> -> memref<1x4096x128xf32, #tpu.memory_space<hbm>>
    %dma_wait3A_332 = tpu.memref_squeeze %dma_wait3A_331 : memref<1x4096x128xf32, #tpu.memory_space<hbm>> -> memref<4096x128xf32, #tpu.memory_space<hbm>>
    %dma_wait3A_333 = arith.constant 0 : i32
    %dma_wait3A_334 = tpu.memref_slice %dma_wait3A_332[%mul3A_2, %dma_wait3A_333] : memref<4096x128xf32, #tpu.memory_space<hbm>> -> memref<128x128xf32, #tpu.memory_space<hbm>>
    %dma_wait3A_335 = arith.constant 0 : i32
    %dma_wait3A_336 = arith.constant 0 : i32
    %dma_wait3A_337 = tpu.memref_slice %arg4[%dma_wait3A_324, %dma_wait3A_335, %dma_wait3A_336] : memref<50x4096x128xf32, #tpu.memory_space<hbm>> -> memref<1x4096x128xf32, #tpu.memory_space<hbm>>
    %dma_wait3A_338 = tpu.memref_squeeze %dma_wait3A_337 : memref<1x4096x128xf32, #tpu.memory_space<hbm>> -> memref<4096x128xf32, #tpu.memory_space<hbm>>
    %dma_wait3A_339 = arith.constant 0 : i32
    %dma_wait3A_340 = tpu.memref_slice %dma_wait3A_338[%mul3A_2, %dma_wait3A_339] : memref<4096x128xf32, #tpu.memory_space<hbm>> -> memref<128x128xf32, #tpu.memory_space<hbm>>
    %dma_wait3A_341 = arith.constant 0 : i32
    %dma_wait3A_342 = arith.constant 0 : i32
    %dma_wait3A_343 = tpu.memref_slice %arg6[%dma_wait3A_323, %dma_wait3A_341, %dma_wait3A_342] : memref<7x128x128xf32, #tpu.memory_space<vmem>> -> memref<1x128x128xf32, #tpu.memory_space<vmem>>
    %dma_wait3A_344 = tpu.memref_squeeze %dma_wait3A_343 : memref<1x128x128xf32, #tpu.memory_space<vmem>> -> memref<128x128xf32, #tpu.memory_space<vmem>>
    tpu.wait_dma2 semaphore(%arg16 : memref<!tpu.dma_semaphore, #tpu.memory_space<semaphore_mem>>) src(%dma_wait3A_344 : memref<128x128xf32, #tpu.memory_space<vmem>>) dst(%dma_wait3A_340 : memref<128x128xf32, #tpu.memory_space<hbm>>)
    %dma_start3A_345 = arith.constant 9 : i32
    %dma_start3A_346 = arith.constant 2 : i32
    %dma_start3A_347 = arith.constant 0 : i32
    %dma_start3A_348 = arith.constant 0 : i32
    %dma_start3A_349 = tpu.memref_slice %arg6[%dma_start3A_346, %dma_start3A_347, %dma_start3A_348] : memref<7x128x128xf32, #tpu.memory_space<vmem>> -> memref<1x128x128xf32, #tpu.memory_space<vmem>>
    %dma_start3A_350 = tpu.memref_squeeze %dma_start3A_349 : memref<1x128x128xf32, #tpu.memory_space<vmem>> -> memref<128x128xf32, #tpu.memory_space<vmem>>
    %dma_start3A_351 = arith.constant 0 : i32
    %dma_start3A_352 = tpu.memref_slice %arg5[%dma_start3A_345, %dma_start3A_351] : memref<50x128xi32, #tpu.memory_space<vmem>> -> memref<1x128xi32, #tpu.memory_space<vmem>>
    %dma_start3A_353 = tpu.memref_squeeze %dma_start3A_352 : memref<1x128xi32, #tpu.memory_space<vmem>> -> memref<128xi32, #tpu.memory_space<vmem>>
    %dma_start3A_354 = arith.constant 0 : i32
    %dma_start3A_355 = arith.constant 0 : i32
    %dma_start3A_356 = tpu.memref_slice %arg3[%dma_start3A_354, %dma_start3A_355] : memref<100000x128xf32, #tpu.memory_space<hbm>> -> memref<100000x128xf32, #tpu.memory_space<hbm>>
    tpu.enqueue_indirect_dma source(%dma_start3A_356 : memref<100000x128xf32, #tpu.memory_space<hbm>>) target(%dma_start3A_350 : memref<128x128xf32, #tpu.memory_space<vmem>>) offsets(%dma_start3A_353 : memref<128xi32, #tpu.memory_space<vmem>>) semaphore(%arg9 : memref<!tpu.dma_semaphore, #tpu.memory_space<semaphore_mem>>)
    %dma_wait3A_357 = arith.constant 5 : i32
    %dma_wait3A_358 = arith.constant 5 : i32
    %dma_wait3A_359 = arith.constant 0 : i32
    %dma_wait3A_360 = arith.constant 0 : i32
    %dma_wait3A_361 = tpu.memref_slice %arg6[%dma_wait3A_358, %dma_wait3A_359, %dma_wait3A_360] : memref<7x128x128xf32, #tpu.memory_space<vmem>> -> memref<1x128x128xf32, #tpu.memory_space<vmem>>
    %dma_wait3A_362 = tpu.memref_squeeze %dma_wait3A_361 : memref<1x128x128xf32, #tpu.memory_space<vmem>> -> memref<128x128xf32, #tpu.memory_space<vmem>>
    %dma_wait3A_363 = arith.constant 0 : i32
    %dma_wait3A_364 = tpu.memref_slice %arg5[%dma_wait3A_357, %dma_wait3A_363] : memref<50x128xi32, #tpu.memory_space<vmem>> -> memref<1x128xi32, #tpu.memory_space<vmem>>
    %dma_wait3A_365 = tpu.memref_squeeze %dma_wait3A_364 : memref<1x128xi32, #tpu.memory_space<vmem>> -> memref<128xi32, #tpu.memory_space<vmem>>
    %dma_wait3A_366 = arith.constant 0 : i32
    %dma_wait3A_367 = arith.constant 0 : i32
    %dma_wait3A_368 = tpu.memref_slice %arg3[%dma_wait3A_366, %dma_wait3A_367] : memref<100000x128xf32, #tpu.memory_space<hbm>> -> memref<100000x128xf32, #tpu.memory_space<hbm>>
    tpu.wait_indirect_dma semaphore(%arg12 : memref<!tpu.dma_semaphore, #tpu.memory_space<semaphore_mem>>) src(%dma_wait3A_368 : memref<100000x128xf32, #tpu.memory_space<hbm>>) dst(%dma_wait3A_362 : memref<128x128xf32, #tpu.memory_space<vmem>>)
    %dma_start3A_369 = arith.constant 5 : i32
    %dma_start3A_370 = arith.constant 5 : i32
    %dma_start3A_371 = arith.constant 0 : i32
    %dma_start3A_372 = arith.constant 0 : i32
    %dma_start3A_373 = tpu.memref_slice %arg6[%dma_start3A_369, %dma_start3A_371, %dma_start3A_372] : memref<7x128x128xf32, #tpu.memory_space<vmem>> -> memref<1x128x128xf32, #tpu.memory_space<vmem>>
    %dma_start3A_374 = tpu.memref_squeeze %dma_start3A_373 : memref<1x128x128xf32, #tpu.memory_space<vmem>> -> memref<128x128xf32, #tpu.memory_space<vmem>>
    %dma_start3A_375 = arith.constant 0 : i32
    %dma_start3A_376 = arith.constant 0 : i32
    %dma_start3A_377 = tpu.memref_slice %arg4[%dma_start3A_370, %dma_start3A_375, %dma_start3A_376] : memref<50x4096x128xf32, #tpu.memory_space<hbm>> -> memref<1x4096x128xf32, #tpu.memory_space<hbm>>
    %dma_start3A_378 = tpu.memref_squeeze %dma_start3A_377 : memref<1x4096x128xf32, #tpu.memory_space<hbm>> -> memref<4096x128xf32, #tpu.memory_space<hbm>>
    %dma_start3A_379 = arith.constant 0 : i32
    %dma_start3A_380 = tpu.memref_slice %dma_start3A_378[%mul3A_2, %dma_start3A_379] : memref<4096x128xf32, #tpu.memory_space<hbm>> -> memref<128x128xf32, #tpu.memory_space<hbm>>
    %dma_start3A_381 = arith.constant 0 : i32
    %dma_start3A_382 = arith.constant 0 : i32
    %dma_start3A_383 = tpu.memref_slice %arg4[%dma_start3A_370, %dma_start3A_381, %dma_start3A_382] : memref<50x4096x128xf32, #tpu.memory_space<hbm>> -> memref<1x4096x128xf32, #tpu.memory_space<hbm>>
    %dma_start3A_384 = tpu.memref_squeeze %dma_start3A_383 : memref<1x4096x128xf32, #tpu.memory_space<hbm>> -> memref<4096x128xf32, #tpu.memory_space<hbm>>
    %dma_start3A_385 = arith.constant 0 : i32
    %dma_start3A_386 = tpu.memref_slice %dma_start3A_384[%mul3A_2, %dma_start3A_385] : memref<4096x128xf32, #tpu.memory_space<hbm>> -> memref<128x128xf32, #tpu.memory_space<hbm>>
    %dma_start3A_387 = arith.constant 0 : i32
    %dma_start3A_388 = arith.constant 0 : i32
    %dma_start3A_389 = tpu.memref_slice %arg6[%dma_start3A_369, %dma_start3A_387, %dma_start3A_388] : memref<7x128x128xf32, #tpu.memory_space<vmem>> -> memref<1x128x128xf32, #tpu.memory_space<vmem>>
    %dma_start3A_390 = tpu.memref_squeeze %dma_start3A_389 : memref<1x128x128xf32, #tpu.memory_space<vmem>> -> memref<128x128xf32, #tpu.memory_space<vmem>>
    tpu.enqueue_dma source(%dma_start3A_390 : memref<128x128xf32, #tpu.memory_space<vmem>>) target(%dma_start3A_386 : memref<128x128xf32, #tpu.memory_space<hbm>>) target_semaphore(%arg19 : memref<!tpu.dma_semaphore, #tpu.memory_space<semaphore_mem>>)
    %dma_wait3A_391 = arith.constant 3 : i32
    %dma_wait3A_392 = arith.constant 3 : i32
    %dma_wait3A_393 = arith.constant 0 : i32
    %dma_wait3A_394 = arith.constant 0 : i32
    %dma_wait3A_395 = tpu.memref_slice %arg6[%dma_wait3A_391, %dma_wait3A_393, %dma_wait3A_394] : memref<7x128x128xf32, #tpu.memory_space<vmem>> -> memref<1x128x128xf32, #tpu.memory_space<vmem>>
    %dma_wait3A_396 = tpu.memref_squeeze %dma_wait3A_395 : memref<1x128x128xf32, #tpu.memory_space<vmem>> -> memref<128x128xf32, #tpu.memory_space<vmem>>
    %dma_wait3A_397 = arith.constant 0 : i32
    %dma_wait3A_398 = arith.constant 0 : i32
    %dma_wait3A_399 = tpu.memref_slice %arg4[%dma_wait3A_392, %dma_wait3A_397, %dma_wait3A_398] : memref<50x4096x128xf32, #tpu.memory_space<hbm>> -> memref<1x4096x128xf32, #tpu.memory_space<hbm>>
    %dma_wait3A_400 = tpu.memref_squeeze %dma_wait3A_399 : memref<1x4096x128xf32, #tpu.memory_space<hbm>> -> memref<4096x128xf32, #tpu.memory_space<hbm>>
    %dma_wait3A_401 = arith.constant 0 : i32
    %dma_wait3A_402 = tpu.memref_slice %dma_wait3A_400[%mul3A_2, %dma_wait3A_401] : memref<4096x128xf32, #tpu.memory_space<hbm>> -> memref<128x128xf32, #tpu.memory_space<hbm>>
    %dma_wait3A_403 = arith.constant 0 : i32
    %dma_wait3A_404 = arith.constant 0 : i32
    %dma_wait3A_405 = tpu.memref_slice %arg4[%dma_wait3A_392, %dma_wait3A_403, %dma_wait3A_404] : memref<50x4096x128xf32, #tpu.memory_space<hbm>> -> memref<1x4096x128xf32, #tpu.memory_space<hbm>>
    %dma_wait3A_406 = tpu.memref_squeeze %dma_wait3A_405 : memref<1x4096x128xf32, #tpu.memory_space<hbm>> -> memref<4096x128xf32, #tpu.memory_space<hbm>>
    %dma_wait3A_407 = arith.constant 0 : i32
    %dma_wait3A_408 = tpu.memref_slice %dma_wait3A_406[%mul3A_2, %dma_wait3A_407] : memref<4096x128xf32, #tpu.memory_space<hbm>> -> memref<128x128xf32, #tpu.memory_space<hbm>>
    %dma_wait3A_409 = arith.constant 0 : i32
    %dma_wait3A_410 = arith.constant 0 : i32
    %dma_wait3A_411 = tpu.memref_slice %arg6[%dma_wait3A_391, %dma_wait3A_409, %dma_wait3A_410] : memref<7x128x128xf32, #tpu.memory_space<vmem>> -> memref<1x128x128xf32, #tpu.memory_space<vmem>>
    %dma_wait3A_412 = tpu.memref_squeeze %dma_wait3A_411 : memref<1x128x128xf32, #tpu.memory_space<vmem>> -> memref<128x128xf32, #tpu.memory_space<vmem>>
    tpu.wait_dma2 semaphore(%arg17 : memref<!tpu.dma_semaphore, #tpu.memory_space<semaphore_mem>>) src(%dma_wait3A_412 : memref<128x128xf32, #tpu.memory_space<vmem>>) dst(%dma_wait3A_408 : memref<128x128xf32, #tpu.memory_space<hbm>>)
    %dma_start3A_413 = arith.constant 10 : i32
    %dma_start3A_414 = arith.constant 3 : i32
    %dma_start3A_415 = arith.constant 0 : i32
    %dma_start3A_416 = arith.constant 0 : i32
    %dma_start3A_417 = tpu.memref_slice %arg6[%dma_start3A_414, %dma_start3A_415, %dma_start3A_416] : memref<7x128x128xf32, #tpu.memory_space<vmem>> -> memref<1x128x128xf32, #tpu.memory_space<vmem>>
    %dma_start3A_418 = tpu.memref_squeeze %dma_start3A_417 : memref<1x128x128xf32, #tpu.memory_space<vmem>> -> memref<128x128xf32, #tpu.memory_space<vmem>>
    %dma_start3A_419 = arith.constant 0 : i32
    %dma_start3A_420 = tpu.memref_slice %arg5[%dma_start3A_413, %dma_start3A_419] : memref<50x128xi32, #tpu.memory_space<vmem>> -> memref<1x128xi32, #tpu.memory_space<vmem>>
    %dma_start3A_421 = tpu.memref_squeeze %dma_start3A_420 : memref<1x128xi32, #tpu.memory_space<vmem>> -> memref<128xi32, #tpu.memory_space<vmem>>
    %dma_start3A_422 = arith.constant 0 : i32
    %dma_start3A_423 = arith.constant 0 : i32
    %dma_start3A_424 = tpu.memref_slice %arg3[%dma_start3A_422, %dma_start3A_423] : memref<100000x128xf32, #tpu.memory_space<hbm>> -> memref<100000x128xf32, #tpu.memory_space<hbm>>
    tpu.enqueue_indirect_dma source(%dma_start3A_424 : memref<100000x128xf32, #tpu.memory_space<hbm>>) target(%dma_start3A_418 : memref<128x128xf32, #tpu.memory_space<vmem>>) offsets(%dma_start3A_421 : memref<128xi32, #tpu.memory_space<vmem>>) semaphore(%arg10 : memref<!tpu.dma_semaphore, #tpu.memory_space<semaphore_mem>>)
    %dma_wait3A_425 = arith.constant 6 : i32
    %dma_wait3A_426 = arith.constant 6 : i32
    %dma_wait3A_427 = arith.constant 0 : i32
    %dma_wait3A_428 = arith.constant 0 : i32
    %dma_wait3A_429 = tpu.memref_slice %arg6[%dma_wait3A_426, %dma_wait3A_427, %dma_wait3A_428] : memref<7x128x128xf32, #tpu.memory_space<vmem>> -> memref<1x128x128xf32, #tpu.memory_space<vmem>>
    %dma_wait3A_430 = tpu.memref_squeeze %dma_wait3A_429 : memref<1x128x128xf32, #tpu.memory_space<vmem>> -> memref<128x128xf32, #tpu.memory_space<vmem>>
    %dma_wait3A_431 = arith.constant 0 : i32
    %dma_wait3A_432 = tpu.memref_slice %arg5[%dma_wait3A_425, %dma_wait3A_431] : memref<50x128xi32, #tpu.memory_space<vmem>> -> memref<1x128xi32, #tpu.memory_space<vmem>>
    %dma_wait3A_433 = tpu.memref_squeeze %dma_wait3A_432 : memref<1x128xi32, #tpu.memory_space<vmem>> -> memref<128xi32, #tpu.memory_space<vmem>>
    %dma_wait3A_434 = arith.constant 0 : i32
    %dma_wait3A_435 = arith.constant 0 : i32
    %dma_wait3A_436 = tpu.memref_slice %arg3[%dma_wait3A_434, %dma_wait3A_435] : memref<100000x128xf32, #tpu.memory_space<hbm>> -> memref<100000x128xf32, #tpu.memory_space<hbm>>
    tpu.wait_indirect_dma semaphore(%arg13 : memref<!tpu.dma_semaphore, #tpu.memory_space<semaphore_mem>>) src(%dma_wait3A_436 : memref<100000x128xf32, #tpu.memory_space<hbm>>) dst(%dma_wait3A_430 : memref<128x128xf32, #tpu.memory_space<vmem>>)
    %dma_start3A_437 = arith.constant 6 : i32
    %dma_start3A_438 = arith.constant 6 : i32
    %dma_start3A_439 = arith.constant 0 : i32
    %dma_start3A_440 = arith.constant 0 : i32
    %dma_start3A_441 = tpu.memref_slice %arg6[%dma_start3A_437, %dma_start3A_439, %dma_start3A_440] : memref<7x128x128xf32, #tpu.memory_space<vmem>> -> memref<1x128x128xf32, #tpu.memory_space<vmem>>
    %dma_start3A_442 = tpu.memref_squeeze %dma_start3A_441 : memref<1x128x128xf32, #tpu.memory_space<vmem>> -> memref<128x128xf32, #tpu.memory_space<vmem>>
    %dma_start3A_443 = arith.constant 0 : i32
    %dma_start3A_444 = arith.constant 0 : i32
    %dma_start3A_445 = tpu.memref_slice %arg4[%dma_start3A_438, %dma_start3A_443, %dma_start3A_444] : memref<50x4096x128xf32, #tpu.memory_space<hbm>> -> memref<1x4096x128xf32, #tpu.memory_space<hbm>>
    %dma_start3A_446 = tpu.memref_squeeze %dma_start3A_445 : memref<1x4096x128xf32, #tpu.memory_space<hbm>> -> memref<4096x128xf32, #tpu.memory_space<hbm>>
    %dma_start3A_447 = arith.constant 0 : i32
    %dma_start3A_448 = tpu.memref_slice %dma_start3A_446[%mul3A_2, %dma_start3A_447] : memref<4096x128xf32, #tpu.memory_space<hbm>> -> memref<128x128xf32, #tpu.memory_space<hbm>>
    %dma_start3A_449 = arith.constant 0 : i32
    %dma_start3A_450 = arith.constant 0 : i32
    %dma_start3A_451 = tpu.memref_slice %arg4[%dma_start3A_438, %dma_start3A_449, %dma_start3A_450] : memref<50x4096x128xf32, #tpu.memory_space<hbm>> -> memref<1x4096x128xf32, #tpu.memory_space<hbm>>
    %dma_start3A_452 = tpu.memref_squeeze %dma_start3A_451 : memref<1x4096x128xf32, #tpu.memory_space<hbm>> -> memref<4096x128xf32, #tpu.memory_space<hbm>>
    %dma_start3A_453 = arith.constant 0 : i32
    %dma_start3A_454 = tpu.memref_slice %dma_start3A_452[%mul3A_2, %dma_start3A_453] : memref<4096x128xf32, #tpu.memory_space<hbm>> -> memref<128x128xf32, #tpu.memory_space<hbm>>
    %dma_start3A_455 = arith.constant 0 : i32
    %dma_start3A_456 = arith.constant 0 : i32
    %dma_start3A_457 = tpu.memref_slice %arg6[%dma_start3A_437, %dma_start3A_455, %dma_start3A_456] : memref<7x128x128xf32, #tpu.memory_space<vmem>> -> memref<1x128x128xf32, #tpu.memory_space<vmem>>
    %dma_start3A_458 = tpu.memref_squeeze %dma_start3A_457 : memref<1x128x128xf32, #tpu.memory_space<vmem>> -> memref<128x128xf32, #tpu.memory_space<vmem>>
    tpu.enqueue_dma source(%dma_start3A_458 : memref<128x128xf32, #tpu.memory_space<vmem>>) target(%dma_start3A_454 : memref<128x128xf32, #tpu.memory_space<hbm>>) target_semaphore(%arg20 : memref<!tpu.dma_semaphore, #tpu.memory_space<semaphore_mem>>)
    %scan3A = arith.constant 0 : i32
    %scan3A_459 = arith.constant 1 : i32
    %scan3A_460 = arith.constant 5 : i32
    %scan3A_461 = arith.addi %scan3A_459, %scan3A_460 : i32
    %scan3A_462 = arith.constant 1 : i32
    scf.for %scan3A_1026 = %scan3A_459 to %scan3A_461 step %scan3A_462  : i32 {
      %mul3A_1027 = arith.constant 7 : i32
      %mul3A_1028 = arith.muli %scan3A_1026, %mul3A_1027 : i32
      %add3A_1029 = arith.constant 0 : i32
      %add3A_1030 = arith.addi %mul3A_1028, %add3A_1029 : i32
      %add3A_1031 = arith.constant 4 : i32
      %add3A_1032 = arith.addi %add3A_1030, %add3A_1031 : i32
      %sub3A = arith.constant 7 : i32
      %sub3A_1033 = arith.subi %add3A_1032, %sub3A : i32
      %dma_wait3A_1034 = arith.constant 4 : i32
      %dma_wait3A_1035 = arith.constant 0 : i32
      %dma_wait3A_1036 = arith.constant 0 : i32
      %dma_wait3A_1037 = tpu.memref_slice %arg6[%dma_wait3A_1034, %dma_wait3A_1035, %dma_wait3A_1036] : memref<7x128x128xf32, #tpu.memory_space<vmem>> -> memref<1x128x128xf32, #tpu.memory_space<vmem>>
      %dma_wait3A_1038 = tpu.memref_squeeze %dma_wait3A_1037 : memref<1x128x128xf32, #tpu.memory_space<vmem>> -> memref<128x128xf32, #tpu.memory_space<vmem>>
      %dma_wait3A_1039 = arith.constant 0 : i32
      %dma_wait3A_1040 = arith.constant 0 : i32
      %dma_wait3A_1041 = tpu.memref_slice %arg4[%sub3A_1033, %dma_wait3A_1039, %dma_wait3A_1040] : memref<50x4096x128xf32, #tpu.memory_space<hbm>> -> memref<1x4096x128xf32, #tpu.memory_space<hbm>>
      %dma_wait3A_1042 = tpu.memref_squeeze %dma_wait3A_1041 : memref<1x4096x128xf32, #tpu.memory_space<hbm>> -> memref<4096x128xf32, #tpu.memory_space<hbm>>
      %dma_wait3A_1043 = arith.constant 0 : i32
      %dma_wait3A_1044 = tpu.memref_slice %dma_wait3A_1042[%mul3A_2, %dma_wait3A_1043] : memref<4096x128xf32, #tpu.memory_space<hbm>> -> memref<128x128xf32, #tpu.memory_space<hbm>>
      %dma_wait3A_1045 = arith.constant 0 : i32
      %dma_wait3A_1046 = arith.constant 0 : i32
      %dma_wait3A_1047 = tpu.memref_slice %arg4[%sub3A_1033, %dma_wait3A_1045, %dma_wait3A_1046] : memref<50x4096x128xf32, #tpu.memory_space<hbm>> -> memref<1x4096x128xf32, #tpu.memory_space<hbm>>
      %dma_wait3A_1048 = tpu.memref_squeeze %dma_wait3A_1047 : memref<1x4096x128xf32, #tpu.memory_space<hbm>> -> memref<4096x128xf32, #tpu.memory_space<hbm>>
      %dma_wait3A_1049 = arith.constant 0 : i32
      %dma_wait3A_1050 = tpu.memref_slice %dma_wait3A_1048[%mul3A_2, %dma_wait3A_1049] : memref<4096x128xf32, #tpu.memory_space<hbm>> -> memref<128x128xf32, #tpu.memory_space<hbm>>
      %dma_wait3A_1051 = arith.constant 0 : i32
      %dma_wait3A_1052 = arith.constant 0 : i32
      %dma_wait3A_1053 = tpu.memref_slice %arg6[%dma_wait3A_1034, %dma_wait3A_1051, %dma_wait3A_1052] : memref<7x128x128xf32, #tpu.memory_space<vmem>> -> memref<1x128x128xf32, #tpu.memory_space<vmem>>
      %dma_wait3A_1054 = tpu.memref_squeeze %dma_wait3A_1053 : memref<1x128x128xf32, #tpu.memory_space<vmem>> -> memref<128x128xf32, #tpu.memory_space<vmem>>
      tpu.wait_dma2 semaphore(%arg18 : memref<!tpu.dma_semaphore, #tpu.memory_space<semaphore_mem>>) src(%dma_wait3A_1054 : memref<128x128xf32, #tpu.memory_space<vmem>>) dst(%dma_wait3A_1050 : memref<128x128xf32, #tpu.memory_space<hbm>>)
      %dma_start3A_1055 = arith.constant 4 : i32
      %dma_start3A_1056 = arith.constant 0 : i32
      %dma_start3A_1057 = arith.constant 0 : i32
      %dma_start3A_1058 = tpu.memref_slice %arg6[%dma_start3A_1055, %dma_start3A_1056, %dma_start3A_1057] : memref<7x128x128xf32, #tpu.memory_space<vmem>> -> memref<1x128x128xf32, #tpu.memory_space<vmem>>
      %dma_start3A_1059 = tpu.memref_squeeze %dma_start3A_1058 : memref<1x128x128xf32, #tpu.memory_space<vmem>> -> memref<128x128xf32, #tpu.memory_space<vmem>>
      %dma_start3A_1060 = arith.constant 0 : i32
      %dma_start3A_1061 = tpu.memref_slice %arg5[%add3A_1032, %dma_start3A_1060] : memref<50x128xi32, #tpu.memory_space<vmem>> -> memref<1x128xi32, #tpu.memory_space<vmem>>
      %dma_start3A_1062 = tpu.memref_squeeze %dma_start3A_1061 : memref<1x128xi32, #tpu.memory_space<vmem>> -> memref<128xi32, #tpu.memory_space<vmem>>
      %dma_start3A_1063 = arith.constant 0 : i32
      %dma_start3A_1064 = arith.constant 0 : i32
      %dma_start3A_1065 = tpu.memref_slice %arg3[%dma_start3A_1063, %dma_start3A_1064] : memref<100000x128xf32, #tpu.memory_space<hbm>> -> memref<100000x128xf32, #tpu.memory_space<hbm>>
      tpu.enqueue_indirect_dma source(%dma_start3A_1065 : memref<100000x128xf32, #tpu.memory_space<hbm>>) target(%dma_start3A_1059 : memref<128x128xf32, #tpu.memory_space<vmem>>) offsets(%dma_start3A_1062 : memref<128xi32, #tpu.memory_space<vmem>>) semaphore(%arg11 : memref<!tpu.dma_semaphore, #tpu.memory_space<semaphore_mem>>)
      %dma_wait3A_1066 = arith.constant 0 : i32
      %dma_wait3A_1067 = arith.constant 0 : i32
      %dma_wait3A_1068 = arith.constant 0 : i32
      %dma_wait3A_1069 = tpu.memref_slice %arg6[%dma_wait3A_1066, %dma_wait3A_1067, %dma_wait3A_1068] : memref<7x128x128xf32, #tpu.memory_space<vmem>> -> memref<1x128x128xf32, #tpu.memory_space<vmem>>
      %dma_wait3A_1070 = tpu.memref_squeeze %dma_wait3A_1069 : memref<1x128x128xf32, #tpu.memory_space<vmem>> -> memref<128x128xf32, #tpu.memory_space<vmem>>
      %dma_wait3A_1071 = arith.constant 0 : i32
      %dma_wait3A_1072 = tpu.memref_slice %arg5[%add3A_1030, %dma_wait3A_1071] : memref<50x128xi32, #tpu.memory_space<vmem>> -> memref<1x128xi32, #tpu.memory_space<vmem>>
      %dma_wait3A_1073 = tpu.memref_squeeze %dma_wait3A_1072 : memref<1x128xi32, #tpu.memory_space<vmem>> -> memref<128xi32, #tpu.memory_space<vmem>>
      %dma_wait3A_1074 = arith.constant 0 : i32
      %dma_wait3A_1075 = arith.constant 0 : i32
      %dma_wait3A_1076 = tpu.memref_slice %arg3[%dma_wait3A_1074, %dma_wait3A_1075] : memref<100000x128xf32, #tpu.memory_space<hbm>> -> memref<100000x128xf32, #tpu.memory_space<hbm>>
      tpu.wait_indirect_dma semaphore(%arg7 : memref<!tpu.dma_semaphore, #tpu.memory_space<semaphore_mem>>) src(%dma_wait3A_1076 : memref<100000x128xf32, #tpu.memory_space<hbm>>) dst(%dma_wait3A_1070 : memref<128x128xf32, #tpu.memory_space<vmem>>)
      %dma_start3A_1077 = arith.constant 0 : i32
      %dma_start3A_1078 = arith.constant 0 : i32
      %dma_start3A_1079 = arith.constant 0 : i32
      %dma_start3A_1080 = tpu.memref_slice %arg6[%dma_start3A_1077, %dma_start3A_1078, %dma_start3A_1079] : memref<7x128x128xf32, #tpu.memory_space<vmem>> -> memref<1x128x128xf32, #tpu.memory_space<vmem>>
      %dma_start3A_1081 = tpu.memref_squeeze %dma_start3A_1080 : memref<1x128x128xf32, #tpu.memory_space<vmem>> -> memref<128x128xf32, #tpu.memory_space<vmem>>
      %dma_start3A_1082 = arith.constant 0 : i32
      %dma_start3A_1083 = arith.constant 0 : i32
      %dma_start3A_1084 = tpu.memref_slice %arg4[%add3A_1030, %dma_start3A_1082, %dma_start3A_1083] : memref<50x4096x128xf32, #tpu.memory_space<hbm>> -> memref<1x4096x128xf32, #tpu.memory_space<hbm>>
      %dma_start3A_1085 = tpu.memref_squeeze %dma_start3A_1084 : memref<1x4096x128xf32, #tpu.memory_space<hbm>> -> memref<4096x128xf32, #tpu.memory_space<hbm>>
      %dma_start3A_1086 = arith.constant 0 : i32
      %dma_start3A_1087 = tpu.memref_slice %dma_start3A_1085[%mul3A_2, %dma_start3A_1086] : memref<4096x128xf32, #tpu.memory_space<hbm>> -> memref<128x128xf32, #tpu.memory_space<hbm>>
      %dma_start3A_1088 = arith.constant 0 : i32
      %dma_start3A_1089 = arith.constant 0 : i32
      %dma_start3A_1090 = tpu.memref_slice %arg4[%add3A_1030, %dma_start3A_1088, %dma_start3A_1089] : memref<50x4096x128xf32, #tpu.memory_space<hbm>> -> memref<1x4096x128xf32, #tpu.memory_space<hbm>>
      %dma_start3A_1091 = tpu.memref_squeeze %dma_start3A_1090 : memref<1x4096x128xf32, #tpu.memory_space<hbm>> -> memref<4096x128xf32, #tpu.memory_space<hbm>>
      %dma_start3A_1092 = arith.constant 0 : i32
      %dma_start3A_1093 = tpu.memref_slice %dma_start3A_1091[%mul3A_2, %dma_start3A_1092] : memref<4096x128xf32, #tpu.memory_space<hbm>> -> memref<128x128xf32, #tpu.memory_space<hbm>>
      %dma_start3A_1094 = arith.constant 0 : i32
      %dma_start3A_1095 = arith.constant 0 : i32
      %dma_start3A_1096 = tpu.memref_slice %arg6[%dma_start3A_1077, %dma_start3A_1094, %dma_start3A_1095] : memref<7x128x128xf32, #tpu.memory_space<vmem>> -> memref<1x128x128xf32, #tpu.memory_space<vmem>>
      %dma_start3A_1097 = tpu.memref_squeeze %dma_start3A_1096 : memref<1x128x128xf32, #tpu.memory_space<vmem>> -> memref<128x128xf32, #tpu.memory_space<vmem>>
      tpu.enqueue_dma source(%dma_start3A_1097 : memref<128x128xf32, #tpu.memory_space<vmem>>) target(%dma_start3A_1093 : memref<128x128xf32, #tpu.memory_space<hbm>>) target_semaphore(%arg14 : memref<!tpu.dma_semaphore, #tpu.memory_space<semaphore_mem>>)
      %mul3A_1098 = arith.constant 7 : i32
      %mul3A_1099 = arith.muli %scan3A_1026, %mul3A_1098 : i32
      %add3A_1100 = arith.constant 1 : i32
      %add3A_1101 = arith.addi %mul3A_1099, %add3A_1100 : i32
      %add3A_1102 = arith.constant 4 : i32
      %add3A_1103 = arith.addi %add3A_1101, %add3A_1102 : i32
      %sub3A_1104 = arith.constant 7 : i32
      %sub3A_1105 = arith.subi %add3A_1103, %sub3A_1104 : i32
      %dma_wait3A_1106 = arith.constant 5 : i32
      %dma_wait3A_1107 = arith.constant 0 : i32
      %dma_wait3A_1108 = arith.constant 0 : i32
      %dma_wait3A_1109 = tpu.memref_slice %arg6[%dma_wait3A_1106, %dma_wait3A_1107, %dma_wait3A_1108] : memref<7x128x128xf32, #tpu.memory_space<vmem>> -> memref<1x128x128xf32, #tpu.memory_space<vmem>>
      %dma_wait3A_1110 = tpu.memref_squeeze %dma_wait3A_1109 : memref<1x128x128xf32, #tpu.memory_space<vmem>> -> memref<128x128xf32, #tpu.memory_space<vmem>>
      %dma_wait3A_1111 = arith.constant 0 : i32
      %dma_wait3A_1112 = arith.constant 0 : i32
      %dma_wait3A_1113 = tpu.memref_slice %arg4[%sub3A_1105, %dma_wait3A_1111, %dma_wait3A_1112] : memref<50x4096x128xf32, #tpu.memory_space<hbm>> -> memref<1x4096x128xf32, #tpu.memory_space<hbm>>
      %dma_wait3A_1114 = tpu.memref_squeeze %dma_wait3A_1113 : memref<1x4096x128xf32, #tpu.memory_space<hbm>> -> memref<4096x128xf32, #tpu.memory_space<hbm>>
      %dma_wait3A_1115 = arith.constant 0 : i32
      %dma_wait3A_1116 = tpu.memref_slice %dma_wait3A_1114[%mul3A_2, %dma_wait3A_1115] : memref<4096x128xf32, #tpu.memory_space<hbm>> -> memref<128x128xf32, #tpu.memory_space<hbm>>
      %dma_wait3A_1117 = arith.constant 0 : i32
      %dma_wait3A_1118 = arith.constant 0 : i32
      %dma_wait3A_1119 = tpu.memref_slice %arg4[%sub3A_1105, %dma_wait3A_1117, %dma_wait3A_1118] : memref<50x4096x128xf32, #tpu.memory_space<hbm>> -> memref<1x4096x128xf32, #tpu.memory_space<hbm>>
      %dma_wait3A_1120 = tpu.memref_squeeze %dma_wait3A_1119 : memref<1x4096x128xf32, #tpu.memory_space<hbm>> -> memref<4096x128xf32, #tpu.memory_space<hbm>>
      %dma_wait3A_1121 = arith.constant 0 : i32
      %dma_wait3A_1122 = tpu.memref_slice %dma_wait3A_1120[%mul3A_2, %dma_wait3A_1121] : memref<4096x128xf32, #tpu.memory_space<hbm>> -> memref<128x128xf32, #tpu.memory_space<hbm>>
      %dma_wait3A_1123 = arith.constant 0 : i32
      %dma_wait3A_1124 = arith.constant 0 : i32
      %dma_wait3A_1125 = tpu.memref_slice %arg6[%dma_wait3A_1106, %dma_wait3A_1123, %dma_wait3A_1124] : memref<7x128x128xf32, #tpu.memory_space<vmem>> -> memref<1x128x128xf32, #tpu.memory_space<vmem>>
      %dma_wait3A_1126 = tpu.memref_squeeze %dma_wait3A_1125 : memref<1x128x128xf32, #tpu.memory_space<vmem>> -> memref<128x128xf32, #tpu.memory_space<vmem>>
      tpu.wait_dma2 semaphore(%arg19 : memref<!tpu.dma_semaphore, #tpu.memory_space<semaphore_mem>>) src(%dma_wait3A_1126 : memref<128x128xf32, #tpu.memory_space<vmem>>) dst(%dma_wait3A_1122 : memref<128x128xf32, #tpu.memory_space<hbm>>)
      %dma_start3A_1127 = arith.constant 5 : i32
      %dma_start3A_1128 = arith.constant 0 : i32
      %dma_start3A_1129 = arith.constant 0 : i32
      %dma_start3A_1130 = tpu.memref_slice %arg6[%dma_start3A_1127, %dma_start3A_1128, %dma_start3A_1129] : memref<7x128x128xf32, #tpu.memory_space<vmem>> -> memref<1x128x128xf32, #tpu.memory_space<vmem>>
      %dma_start3A_1131 = tpu.memref_squeeze %dma_start3A_1130 : memref<1x128x128xf32, #tpu.memory_space<vmem>> -> memref<128x128xf32, #tpu.memory_space<vmem>>
      %dma_start3A_1132 = arith.constant 0 : i32
      %dma_start3A_1133 = tpu.memref_slice %arg5[%add3A_1103, %dma_start3A_1132] : memref<50x128xi32, #tpu.memory_space<vmem>> -> memref<1x128xi32, #tpu.memory_space<vmem>>
      %dma_start3A_1134 = tpu.memref_squeeze %dma_start3A_1133 : memref<1x128xi32, #tpu.memory_space<vmem>> -> memref<128xi32, #tpu.memory_space<vmem>>
      %dma_start3A_1135 = arith.constant 0 : i32
      %dma_start3A_1136 = arith.constant 0 : i32
      %dma_start3A_1137 = tpu.memref_slice %arg3[%dma_start3A_1135, %dma_start3A_1136] : memref<100000x128xf32, #tpu.memory_space<hbm>> -> memref<100000x128xf32, #tpu.memory_space<hbm>>
      tpu.enqueue_indirect_dma source(%dma_start3A_1137 : memref<100000x128xf32, #tpu.memory_space<hbm>>) target(%dma_start3A_1131 : memref<128x128xf32, #tpu.memory_space<vmem>>) offsets(%dma_start3A_1134 : memref<128xi32, #tpu.memory_space<vmem>>) semaphore(%arg12 : memref<!tpu.dma_semaphore, #tpu.memory_space<semaphore_mem>>)
      %dma_wait3A_1138 = arith.constant 1 : i32
      %dma_wait3A_1139 = arith.constant 0 : i32
      %dma_wait3A_1140 = arith.constant 0 : i32
      %dma_wait3A_1141 = tpu.memref_slice %arg6[%dma_wait3A_1138, %dma_wait3A_1139, %dma_wait3A_1140] : memref<7x128x128xf32, #tpu.memory_space<vmem>> -> memref<1x128x128xf32, #tpu.memory_space<vmem>>
      %dma_wait3A_1142 = tpu.memref_squeeze %dma_wait3A_1141 : memref<1x128x128xf32, #tpu.memory_space<vmem>> -> memref<128x128xf32, #tpu.memory_space<vmem>>
      %dma_wait3A_1143 = arith.constant 0 : i32
      %dma_wait3A_1144 = tpu.memref_slice %arg5[%add3A_1101, %dma_wait3A_1143] : memref<50x128xi32, #tpu.memory_space<vmem>> -> memref<1x128xi32, #tpu.memory_space<vmem>>
      %dma_wait3A_1145 = tpu.memref_squeeze %dma_wait3A_1144 : memref<1x128xi32, #tpu.memory_space<vmem>> -> memref<128xi32, #tpu.memory_space<vmem>>
      %dma_wait3A_1146 = arith.constant 0 : i32
      %dma_wait3A_1147 = arith.constant 0 : i32
      %dma_wait3A_1148 = tpu.memref_slice %arg3[%dma_wait3A_1146, %dma_wait3A_1147] : memref<100000x128xf32, #tpu.memory_space<hbm>> -> memref<100000x128xf32, #tpu.memory_space<hbm>>
      tpu.wait_indirect_dma semaphore(%arg8 : memref<!tpu.dma_semaphore, #tpu.memory_space<semaphore_mem>>) src(%dma_wait3A_1148 : memref<100000x128xf32, #tpu.memory_space<hbm>>) dst(%dma_wait3A_1142 : memref<128x128xf32, #tpu.memory_space<vmem>>)
      %dma_start3A_1149 = arith.constant 1 : i32
      %dma_start3A_1150 = arith.constant 0 : i32
      %dma_start3A_1151 = arith.constant 0 : i32
      %dma_start3A_1152 = tpu.memref_slice %arg6[%dma_start3A_1149, %dma_start3A_1150, %dma_start3A_1151] : memref<7x128x128xf32, #tpu.memory_space<vmem>> -> memref<1x128x128xf32, #tpu.memory_space<vmem>>
      %dma_start3A_1153 = tpu.memref_squeeze %dma_start3A_1152 : memref<1x128x128xf32, #tpu.memory_space<vmem>> -> memref<128x128xf32, #tpu.memory_space<vmem>>
      %dma_start3A_1154 = arith.constant 0 : i32
      %dma_start3A_1155 = arith.constant 0 : i32
      %dma_start3A_1156 = tpu.memref_slice %arg4[%add3A_1101, %dma_start3A_1154, %dma_start3A_1155] : memref<50x4096x128xf32, #tpu.memory_space<hbm>> -> memref<1x4096x128xf32, #tpu.memory_space<hbm>>
      %dma_start3A_1157 = tpu.memref_squeeze %dma_start3A_1156 : memref<1x4096x128xf32, #tpu.memory_space<hbm>> -> memref<4096x128xf32, #tpu.memory_space<hbm>>
      %dma_start3A_1158 = arith.constant 0 : i32
      %dma_start3A_1159 = tpu.memref_slice %dma_start3A_1157[%mul3A_2, %dma_start3A_1158] : memref<4096x128xf32, #tpu.memory_space<hbm>> -> memref<128x128xf32, #tpu.memory_space<hbm>>
      %dma_start3A_1160 = arith.constant 0 : i32
      %dma_start3A_1161 = arith.constant 0 : i32
      %dma_start3A_1162 = tpu.memref_slice %arg4[%add3A_1101, %dma_start3A_1160, %dma_start3A_1161] : memref<50x4096x128xf32, #tpu.memory_space<hbm>> -> memref<1x4096x128xf32, #tpu.memory_space<hbm>>
      %dma_start3A_1163 = tpu.memref_squeeze %dma_start3A_1162 : memref<1x4096x128xf32, #tpu.memory_space<hbm>> -> memref<4096x128xf32, #tpu.memory_space<hbm>>
      %dma_start3A_1164 = arith.constant 0 : i32
      %dma_start3A_1165 = tpu.memref_slice %dma_start3A_1163[%mul3A_2, %dma_start3A_1164] : memref<4096x128xf32, #tpu.memory_space<hbm>> -> memref<128x128xf32, #tpu.memory_space<hbm>>
      %dma_start3A_1166 = arith.constant 0 : i32
      %dma_start3A_1167 = arith.constant 0 : i32
      %dma_start3A_1168 = tpu.memref_slice %arg6[%dma_start3A_1149, %dma_start3A_1166, %dma_start3A_1167] : memref<7x128x128xf32, #tpu.memory_space<vmem>> -> memref<1x128x128xf32, #tpu.memory_space<vmem>>
      %dma_start3A_1169 = tpu.memref_squeeze %dma_start3A_1168 : memref<1x128x128xf32, #tpu.memory_space<vmem>> -> memref<128x128xf32, #tpu.memory_space<vmem>>
      tpu.enqueue_dma source(%dma_start3A_1169 : memref<128x128xf32, #tpu.memory_space<vmem>>) target(%dma_start3A_1165 : memref<128x128xf32, #tpu.memory_space<hbm>>) target_semaphore(%arg15 : memref<!tpu.dma_semaphore, #tpu.memory_space<semaphore_mem>>)
      %mul3A_1170 = arith.constant 7 : i32
      %mul3A_1171 = arith.muli %scan3A_1026, %mul3A_1170 : i32
      %add3A_1172 = arith.constant 2 : i32
      %add3A_1173 = arith.addi %mul3A_1171, %add3A_1172 : i32
      %add3A_1174 = arith.constant 4 : i32
      %add3A_1175 = arith.addi %add3A_1173, %add3A_1174 : i32
      %sub3A_1176 = arith.constant 7 : i32
      %sub3A_1177 = arith.subi %add3A_1175, %sub3A_1176 : i32
      %dma_wait3A_1178 = arith.constant 6 : i32
      %dma_wait3A_1179 = arith.constant 0 : i32
      %dma_wait3A_1180 = arith.constant 0 : i32
      %dma_wait3A_1181 = tpu.memref_slice %arg6[%dma_wait3A_1178, %dma_wait3A_1179, %dma_wait3A_1180] : memref<7x128x128xf32, #tpu.memory_space<vmem>> -> memref<1x128x128xf32, #tpu.memory_space<vmem>>
      %dma_wait3A_1182 = tpu.memref_squeeze %dma_wait3A_1181 : memref<1x128x128xf32, #tpu.memory_space<vmem>> -> memref<128x128xf32, #tpu.memory_space<vmem>>
      %dma_wait3A_1183 = arith.constant 0 : i32
      %dma_wait3A_1184 = arith.constant 0 : i32
      %dma_wait3A_1185 = tpu.memref_slice %arg4[%sub3A_1177, %dma_wait3A_1183, %dma_wait3A_1184] : memref<50x4096x128xf32, #tpu.memory_space<hbm>> -> memref<1x4096x128xf32, #tpu.memory_space<hbm>>
      %dma_wait3A_1186 = tpu.memref_squeeze %dma_wait3A_1185 : memref<1x4096x128xf32, #tpu.memory_space<hbm>> -> memref<4096x128xf32, #tpu.memory_space<hbm>>
      %dma_wait3A_1187 = arith.constant 0 : i32
      %dma_wait3A_1188 = tpu.memref_slice %dma_wait3A_1186[%mul3A_2, %dma_wait3A_1187] : memref<4096x128xf32, #tpu.memory_space<hbm>> -> memref<128x128xf32, #tpu.memory_space<hbm>>
      %dma_wait3A_1189 = arith.constant 0 : i32
      %dma_wait3A_1190 = arith.constant 0 : i32
      %dma_wait3A_1191 = tpu.memref_slice %arg4[%sub3A_1177, %dma_wait3A_1189, %dma_wait3A_1190] : memref<50x4096x128xf32, #tpu.memory_space<hbm>> -> memref<1x4096x128xf32, #tpu.memory_space<hbm>>
      %dma_wait3A_1192 = tpu.memref_squeeze %dma_wait3A_1191 : memref<1x4096x128xf32, #tpu.memory_space<hbm>> -> memref<4096x128xf32, #tpu.memory_space<hbm>>
      %dma_wait3A_1193 = arith.constant 0 : i32
      %dma_wait3A_1194 = tpu.memref_slice %dma_wait3A_1192[%mul3A_2, %dma_wait3A_1193] : memref<4096x128xf32, #tpu.memory_space<hbm>> -> memref<128x128xf32, #tpu.memory_space<hbm>>
      %dma_wait3A_1195 = arith.constant 0 : i32
      %dma_wait3A_1196 = arith.constant 0 : i32
      %dma_wait3A_1197 = tpu.memref_slice %arg6[%dma_wait3A_1178, %dma_wait3A_1195, %dma_wait3A_1196] : memref<7x128x128xf32, #tpu.memory_space<vmem>> -> memref<1x128x128xf32, #tpu.memory_space<vmem>>
      %dma_wait3A_1198 = tpu.memref_squeeze %dma_wait3A_1197 : memref<1x128x128xf32, #tpu.memory_space<vmem>> -> memref<128x128xf32, #tpu.memory_space<vmem>>
      tpu.wait_dma2 semaphore(%arg20 : memref<!tpu.dma_semaphore, #tpu.memory_space<semaphore_mem>>) src(%dma_wait3A_1198 : memref<128x128xf32, #tpu.memory_space<vmem>>) dst(%dma_wait3A_1194 : memref<128x128xf32, #tpu.memory_space<hbm>>)
      %dma_start3A_1199 = arith.constant 6 : i32
      %dma_start3A_1200 = arith.constant 0 : i32
      %dma_start3A_1201 = arith.constant 0 : i32
      %dma_start3A_1202 = tpu.memref_slice %arg6[%dma_start3A_1199, %dma_start3A_1200, %dma_start3A_1201] : memref<7x128x128xf32, #tpu.memory_space<vmem>> -> memref<1x128x128xf32, #tpu.memory_space<vmem>>
      %dma_start3A_1203 = tpu.memref_squeeze %dma_start3A_1202 : memref<1x128x128xf32, #tpu.memory_space<vmem>> -> memref<128x128xf32, #tpu.memory_space<vmem>>
      %dma_start3A_1204 = arith.constant 0 : i32
      %dma_start3A_1205 = tpu.memref_slice %arg5[%add3A_1175, %dma_start3A_1204] : memref<50x128xi32, #tpu.memory_space<vmem>> -> memref<1x128xi32, #tpu.memory_space<vmem>>
      %dma_start3A_1206 = tpu.memref_squeeze %dma_start3A_1205 : memref<1x128xi32, #tpu.memory_space<vmem>> -> memref<128xi32, #tpu.memory_space<vmem>>
      %dma_start3A_1207 = arith.constant 0 : i32
      %dma_start3A_1208 = arith.constant 0 : i32
      %dma_start3A_1209 = tpu.memref_slice %arg3[%dma_start3A_1207, %dma_start3A_1208] : memref<100000x128xf32, #tpu.memory_space<hbm>> -> memref<100000x128xf32, #tpu.memory_space<hbm>>
      tpu.enqueue_indirect_dma source(%dma_start3A_1209 : memref<100000x128xf32, #tpu.memory_space<hbm>>) target(%dma_start3A_1203 : memref<128x128xf32, #tpu.memory_space<vmem>>) offsets(%dma_start3A_1206 : memref<128xi32, #tpu.memory_space<vmem>>) semaphore(%arg13 : memref<!tpu.dma_semaphore, #tpu.memory_space<semaphore_mem>>)
      %dma_wait3A_1210 = arith.constant 2 : i32
      %dma_wait3A_1211 = arith.constant 0 : i32
      %dma_wait3A_1212 = arith.constant 0 : i32
      %dma_wait3A_1213 = tpu.memref_slice %arg6[%dma_wait3A_1210, %dma_wait3A_1211, %dma_wait3A_1212] : memref<7x128x128xf32, #tpu.memory_space<vmem>> -> memref<1x128x128xf32, #tpu.memory_space<vmem>>
      %dma_wait3A_1214 = tpu.memref_squeeze %dma_wait3A_1213 : memref<1x128x128xf32, #tpu.memory_space<vmem>> -> memref<128x128xf32, #tpu.memory_space<vmem>>
      %dma_wait3A_1215 = arith.constant 0 : i32
      %dma_wait3A_1216 = tpu.memref_slice %arg5[%add3A_1173, %dma_wait3A_1215] : memref<50x128xi32, #tpu.memory_space<vmem>> -> memref<1x128xi32, #tpu.memory_space<vmem>>
      %dma_wait3A_1217 = tpu.memref_squeeze %dma_wait3A_1216 : memref<1x128xi32, #tpu.memory_space<vmem>> -> memref<128xi32, #tpu.memory_space<vmem>>
      %dma_wait3A_1218 = arith.constant 0 : i32
      %dma_wait3A_1219 = arith.constant 0 : i32
      %dma_wait3A_1220 = tpu.memref_slice %arg3[%dma_wait3A_1218, %dma_wait3A_1219] : memref<100000x128xf32, #tpu.memory_space<hbm>> -> memref<100000x128xf32, #tpu.memory_space<hbm>>
      tpu.wait_indirect_dma semaphore(%arg9 : memref<!tpu.dma_semaphore, #tpu.memory_space<semaphore_mem>>) src(%dma_wait3A_1220 : memref<100000x128xf32, #tpu.memory_space<hbm>>) dst(%dma_wait3A_1214 : memref<128x128xf32, #tpu.memory_space<vmem>>)
      %dma_start3A_1221 = arith.constant 2 : i32
      %dma_start3A_1222 = arith.constant 0 : i32
      %dma_start3A_1223 = arith.constant 0 : i32
      %dma_start3A_1224 = tpu.memref_slice %arg6[%dma_start3A_1221, %dma_start3A_1222, %dma_start3A_1223] : memref<7x128x128xf32, #tpu.memory_space<vmem>> -> memref<1x128x128xf32, #tpu.memory_space<vmem>>
      %dma_start3A_1225 = tpu.memref_squeeze %dma_start3A_1224 : memref<1x128x128xf32, #tpu.memory_space<vmem>> -> memref<128x128xf32, #tpu.memory_space<vmem>>
      %dma_start3A_1226 = arith.constant 0 : i32
      %dma_start3A_1227 = arith.constant 0 : i32
      %dma_start3A_1228 = tpu.memref_slice %arg4[%add3A_1173, %dma_start3A_1226, %dma_start3A_1227] : memref<50x4096x128xf32, #tpu.memory_space<hbm>> -> memref<1x4096x128xf32, #tpu.memory_space<hbm>>
      %dma_start3A_1229 = tpu.memref_squeeze %dma_start3A_1228 : memref<1x4096x128xf32, #tpu.memory_space<hbm>> -> memref<4096x128xf32, #tpu.memory_space<hbm>>
      %dma_start3A_1230 = arith.constant 0 : i32
      %dma_start3A_1231 = tpu.memref_slice %dma_start3A_1229[%mul3A_2, %dma_start3A_1230] : memref<4096x128xf32, #tpu.memory_space<hbm>> -> memref<128x128xf32, #tpu.memory_space<hbm>>
      %dma_start3A_1232 = arith.constant 0 : i32
      %dma_start3A_1233 = arith.constant 0 : i32
      %dma_start3A_1234 = tpu.memref_slice %arg4[%add3A_1173, %dma_start3A_1232, %dma_start3A_1233] : memref<50x4096x128xf32, #tpu.memory_space<hbm>> -> memref<1x4096x128xf32, #tpu.memory_space<hbm>>
      %dma_start3A_1235 = tpu.memref_squeeze %dma_start3A_1234 : memref<1x4096x128xf32, #tpu.memory_space<hbm>> -> memref<4096x128xf32, #tpu.memory_space<hbm>>
      %dma_start3A_1236 = arith.constant 0 : i32
      %dma_start3A_1237 = tpu.memref_slice %dma_start3A_1235[%mul3A_2, %dma_start3A_1236] : memref<4096x128xf32, #tpu.memory_space<hbm>> -> memref<128x128xf32, #tpu.memory_space<hbm>>
      %dma_start3A_1238 = arith.constant 0 : i32
      %dma_start3A_1239 = arith.constant 0 : i32
      %dma_start3A_1240 = tpu.memref_slice %arg6[%dma_start3A_1221, %dma_start3A_1238, %dma_start3A_1239] : memref<7x128x128xf32, #tpu.memory_space<vmem>> -> memref<1x128x128xf32, #tpu.memory_space<vmem>>
      %dma_start3A_1241 = tpu.memref_squeeze %dma_start3A_1240 : memref<1x128x128xf32, #tpu.memory_space<vmem>> -> memref<128x128xf32, #tpu.memory_space<vmem>>
      tpu.enqueue_dma source(%dma_start3A_1241 : memref<128x128xf32, #tpu.memory_space<vmem>>) target(%dma_start3A_1237 : memref<128x128xf32, #tpu.memory_space<hbm>>) target_semaphore(%arg16 : memref<!tpu.dma_semaphore, #tpu.memory_space<semaphore_mem>>)
      %mul3A_1242 = arith.constant 7 : i32
      %mul3A_1243 = arith.muli %scan3A_1026, %mul3A_1242 : i32
      %add3A_1244 = arith.constant 3 : i32
      %add3A_1245 = arith.addi %mul3A_1243, %add3A_1244 : i32
      %add3A_1246 = arith.constant 4 : i32
      %add3A_1247 = arith.addi %add3A_1245, %add3A_1246 : i32
      %sub3A_1248 = arith.constant 7 : i32
      %sub3A_1249 = arith.subi %add3A_1247, %sub3A_1248 : i32
      %dma_wait3A_1250 = arith.constant 0 : i32
      %dma_wait3A_1251 = arith.constant 0 : i32
      %dma_wait3A_1252 = arith.constant 0 : i32
      %dma_wait3A_1253 = tpu.memref_slice %arg6[%dma_wait3A_1250, %dma_wait3A_1251, %dma_wait3A_1252] : memref<7x128x128xf32, #tpu.memory_space<vmem>> -> memref<1x128x128xf32, #tpu.memory_space<vmem>>
      %dma_wait3A_1254 = tpu.memref_squeeze %dma_wait3A_1253 : memref<1x128x128xf32, #tpu.memory_space<vmem>> -> memref<128x128xf32, #tpu.memory_space<vmem>>
      %dma_wait3A_1255 = arith.constant 0 : i32
      %dma_wait3A_1256 = arith.constant 0 : i32
      %dma_wait3A_1257 = tpu.memref_slice %arg4[%sub3A_1249, %dma_wait3A_1255, %dma_wait3A_1256] : memref<50x4096x128xf32, #tpu.memory_space<hbm>> -> memref<1x4096x128xf32, #tpu.memory_space<hbm>>
      %dma_wait3A_1258 = tpu.memref_squeeze %dma_wait3A_1257 : memref<1x4096x128xf32, #tpu.memory_space<hbm>> -> memref<4096x128xf32, #tpu.memory_space<hbm>>
      %dma_wait3A_1259 = arith.constant 0 : i32
      %dma_wait3A_1260 = tpu.memref_slice %dma_wait3A_1258[%mul3A_2, %dma_wait3A_1259] : memref<4096x128xf32, #tpu.memory_space<hbm>> -> memref<128x128xf32, #tpu.memory_space<hbm>>
      %dma_wait3A_1261 = arith.constant 0 : i32
      %dma_wait3A_1262 = arith.constant 0 : i32
      %dma_wait3A_1263 = tpu.memref_slice %arg4[%sub3A_1249, %dma_wait3A_1261, %dma_wait3A_1262] : memref<50x4096x128xf32, #tpu.memory_space<hbm>> -> memref<1x4096x128xf32, #tpu.memory_space<hbm>>
      %dma_wait3A_1264 = tpu.memref_squeeze %dma_wait3A_1263 : memref<1x4096x128xf32, #tpu.memory_space<hbm>> -> memref<4096x128xf32, #tpu.memory_space<hbm>>
      %dma_wait3A_1265 = arith.constant 0 : i32
      %dma_wait3A_1266 = tpu.memref_slice %dma_wait3A_1264[%mul3A_2, %dma_wait3A_1265] : memref<4096x128xf32, #tpu.memory_space<hbm>> -> memref<128x128xf32, #tpu.memory_space<hbm>>
      %dma_wait3A_1267 = arith.constant 0 : i32
      %dma_wait3A_1268 = arith.constant 0 : i32
      %dma_wait3A_1269 = tpu.memref_slice %arg6[%dma_wait3A_1250, %dma_wait3A_1267, %dma_wait3A_1268] : memref<7x128x128xf32, #tpu.memory_space<vmem>> -> memref<1x128x128xf32, #tpu.memory_space<vmem>>
      %dma_wait3A_1270 = tpu.memref_squeeze %dma_wait3A_1269 : memref<1x128x128xf32, #tpu.memory_space<vmem>> -> memref<128x128xf32, #tpu.memory_space<vmem>>
      tpu.wait_dma2 semaphore(%arg14 : memref<!tpu.dma_semaphore, #tpu.memory_space<semaphore_mem>>) src(%dma_wait3A_1270 : memref<128x128xf32, #tpu.memory_space<vmem>>) dst(%dma_wait3A_1266 : memref<128x128xf32, #tpu.memory_space<hbm>>)
      %dma_start3A_1271 = arith.constant 0 : i32
      %dma_start3A_1272 = arith.constant 0 : i32
      %dma_start3A_1273 = arith.constant 0 : i32
      %dma_start3A_1274 = tpu.memref_slice %arg6[%dma_start3A_1271, %dma_start3A_1272, %dma_start3A_1273] : memref<7x128x128xf32, #tpu.memory_space<vmem>> -> memref<1x128x128xf32, #tpu.memory_space<vmem>>
      %dma_start3A_1275 = tpu.memref_squeeze %dma_start3A_1274 : memref<1x128x128xf32, #tpu.memory_space<vmem>> -> memref<128x128xf32, #tpu.memory_space<vmem>>
      %dma_start3A_1276 = arith.constant 0 : i32
      %dma_start3A_1277 = tpu.memref_slice %arg5[%add3A_1247, %dma_start3A_1276] : memref<50x128xi32, #tpu.memory_space<vmem>> -> memref<1x128xi32, #tpu.memory_space<vmem>>
      %dma_start3A_1278 = tpu.memref_squeeze %dma_start3A_1277 : memref<1x128xi32, #tpu.memory_space<vmem>> -> memref<128xi32, #tpu.memory_space<vmem>>
      %dma_start3A_1279 = arith.constant 0 : i32
      %dma_start3A_1280 = arith.constant 0 : i32
      %dma_start3A_1281 = tpu.memref_slice %arg3[%dma_start3A_1279, %dma_start3A_1280] : memref<100000x128xf32, #tpu.memory_space<hbm>> -> memref<100000x128xf32, #tpu.memory_space<hbm>>
      tpu.enqueue_indirect_dma source(%dma_start3A_1281 : memref<100000x128xf32, #tpu.memory_space<hbm>>) target(%dma_start3A_1275 : memref<128x128xf32, #tpu.memory_space<vmem>>) offsets(%dma_start3A_1278 : memref<128xi32, #tpu.memory_space<vmem>>) semaphore(%arg7 : memref<!tpu.dma_semaphore, #tpu.memory_space<semaphore_mem>>)
      %dma_wait3A_1282 = arith.constant 3 : i32
      %dma_wait3A_1283 = arith.constant 0 : i32
      %dma_wait3A_1284 = arith.constant 0 : i32
      %dma_wait3A_1285 = tpu.memref_slice %arg6[%dma_wait3A_1282, %dma_wait3A_1283, %dma_wait3A_1284] : memref<7x128x128xf32, #tpu.memory_space<vmem>> -> memref<1x128x128xf32, #tpu.memory_space<vmem>>
      %dma_wait3A_1286 = tpu.memref_squeeze %dma_wait3A_1285 : memref<1x128x128xf32, #tpu.memory_space<vmem>> -> memref<128x128xf32, #tpu.memory_space<vmem>>
      %dma_wait3A_1287 = arith.constant 0 : i32
      %dma_wait3A_1288 = tpu.memref_slice %arg5[%add3A_1245, %dma_wait3A_1287] : memref<50x128xi32, #tpu.memory_space<vmem>> -> memref<1x128xi32, #tpu.memory_space<vmem>>
      %dma_wait3A_1289 = tpu.memref_squeeze %dma_wait3A_1288 : memref<1x128xi32, #tpu.memory_space<vmem>> -> memref<128xi32, #tpu.memory_space<vmem>>
      %dma_wait3A_1290 = arith.constant 0 : i32
      %dma_wait3A_1291 = arith.constant 0 : i32
      %dma_wait3A_1292 = tpu.memref_slice %arg3[%dma_wait3A_1290, %dma_wait3A_1291] : memref<100000x128xf32, #tpu.memory_space<hbm>> -> memref<100000x128xf32, #tpu.memory_space<hbm>>
      tpu.wait_indirect_dma semaphore(%arg10 : memref<!tpu.dma_semaphore, #tpu.memory_space<semaphore_mem>>) src(%dma_wait3A_1292 : memref<100000x128xf32, #tpu.memory_space<hbm>>) dst(%dma_wait3A_1286 : memref<128x128xf32, #tpu.memory_space<vmem>>)
      %dma_start3A_1293 = arith.constant 3 : i32
      %dma_start3A_1294 = arith.constant 0 : i32
      %dma_start3A_1295 = arith.constant 0 : i32
      %dma_start3A_1296 = tpu.memref_slice %arg6[%dma_start3A_1293, %dma_start3A_1294, %dma_start3A_1295] : memref<7x128x128xf32, #tpu.memory_space<vmem>> -> memref<1x128x128xf32, #tpu.memory_space<vmem>>
      %dma_start3A_1297 = tpu.memref_squeeze %dma_start3A_1296 : memref<1x128x128xf32, #tpu.memory_space<vmem>> -> memref<128x128xf32, #tpu.memory_space<vmem>>
      %dma_start3A_1298 = arith.constant 0 : i32
      %dma_start3A_1299 = arith.constant 0 : i32
      %dma_start3A_1300 = tpu.memref_slice %arg4[%add3A_1245, %dma_start3A_1298, %dma_start3A_1299] : memref<50x4096x128xf32, #tpu.memory_space<hbm>> -> memref<1x4096x128xf32, #tpu.memory_space<hbm>>
      %dma_start3A_1301 = tpu.memref_squeeze %dma_start3A_1300 : memref<1x4096x128xf32, #tpu.memory_space<hbm>> -> memref<4096x128xf32, #tpu.memory_space<hbm>>
      %dma_start3A_1302 = arith.constant 0 : i32
      %dma_start3A_1303 = tpu.memref_slice %dma_start3A_1301[%mul3A_2, %dma_start3A_1302] : memref<4096x128xf32, #tpu.memory_space<hbm>> -> memref<128x128xf32, #tpu.memory_space<hbm>>
      %dma_start3A_1304 = arith.constant 0 : i32
      %dma_start3A_1305 = arith.constant 0 : i32
      %dma_start3A_1306 = tpu.memref_slice %arg4[%add3A_1245, %dma_start3A_1304, %dma_start3A_1305] : memref<50x4096x128xf32, #tpu.memory_space<hbm>> -> memref<1x4096x128xf32, #tpu.memory_space<hbm>>
      %dma_start3A_1307 = tpu.memref_squeeze %dma_start3A_1306 : memref<1x4096x128xf32, #tpu.memory_space<hbm>> -> memref<4096x128xf32, #tpu.memory_space<hbm>>
      %dma_start3A_1308 = arith.constant 0 : i32
      %dma_start3A_1309 = tpu.memref_slice %dma_start3A_1307[%mul3A_2, %dma_start3A_1308] : memref<4096x128xf32, #tpu.memory_space<hbm>> -> memref<128x128xf32, #tpu.memory_space<hbm>>
      %dma_start3A_1310 = arith.constant 0 : i32
      %dma_start3A_1311 = arith.constant 0 : i32
      %dma_start3A_1312 = tpu.memref_slice %arg6[%dma_start3A_1293, %dma_start3A_1310, %dma_start3A_1311] : memref<7x128x128xf32, #tpu.memory_space<vmem>> -> memref<1x128x128xf32, #tpu.memory_space<vmem>>
      %dma_start3A_1313 = tpu.memref_squeeze %dma_start3A_1312 : memref<1x128x128xf32, #tpu.memory_space<vmem>> -> memref<128x128xf32, #tpu.memory_space<vmem>>
      tpu.enqueue_dma source(%dma_start3A_1313 : memref<128x128xf32, #tpu.memory_space<vmem>>) target(%dma_start3A_1309 : memref<128x128xf32, #tpu.memory_space<hbm>>) target_semaphore(%arg17 : memref<!tpu.dma_semaphore, #tpu.memory_space<semaphore_mem>>)
      %mul3A_1314 = arith.constant 7 : i32
      %mul3A_1315 = arith.muli %scan3A_1026, %mul3A_1314 : i32
      %add3A_1316 = arith.constant 4 : i32
      %add3A_1317 = arith.addi %mul3A_1315, %add3A_1316 : i32
      %add3A_1318 = arith.constant 4 : i32
      %add3A_1319 = arith.addi %add3A_1317, %add3A_1318 : i32
      %sub3A_1320 = arith.constant 7 : i32
      %sub3A_1321 = arith.subi %add3A_1319, %sub3A_1320 : i32
      %dma_wait3A_1322 = arith.constant 1 : i32
      %dma_wait3A_1323 = arith.constant 0 : i32
      %dma_wait3A_1324 = arith.constant 0 : i32
      %dma_wait3A_1325 = tpu.memref_slice %arg6[%dma_wait3A_1322, %dma_wait3A_1323, %dma_wait3A_1324] : memref<7x128x128xf32, #tpu.memory_space<vmem>> -> memref<1x128x128xf32, #tpu.memory_space<vmem>>
      %dma_wait3A_1326 = tpu.memref_squeeze %dma_wait3A_1325 : memref<1x128x128xf32, #tpu.memory_space<vmem>> -> memref<128x128xf32, #tpu.memory_space<vmem>>
      %dma_wait3A_1327 = arith.constant 0 : i32
      %dma_wait3A_1328 = arith.constant 0 : i32
      %dma_wait3A_1329 = tpu.memref_slice %arg4[%sub3A_1321, %dma_wait3A_1327, %dma_wait3A_1328] : memref<50x4096x128xf32, #tpu.memory_space<hbm>> -> memref<1x4096x128xf32, #tpu.memory_space<hbm>>
      %dma_wait3A_1330 = tpu.memref_squeeze %dma_wait3A_1329 : memref<1x4096x128xf32, #tpu.memory_space<hbm>> -> memref<4096x128xf32, #tpu.memory_space<hbm>>
      %dma_wait3A_1331 = arith.constant 0 : i32
      %dma_wait3A_1332 = tpu.memref_slice %dma_wait3A_1330[%mul3A_2, %dma_wait3A_1331] : memref<4096x128xf32, #tpu.memory_space<hbm>> -> memref<128x128xf32, #tpu.memory_space<hbm>>
      %dma_wait3A_1333 = arith.constant 0 : i32
      %dma_wait3A_1334 = arith.constant 0 : i32
      %dma_wait3A_1335 = tpu.memref_slice %arg4[%sub3A_1321, %dma_wait3A_1333, %dma_wait3A_1334] : memref<50x4096x128xf32, #tpu.memory_space<hbm>> -> memref<1x4096x128xf32, #tpu.memory_space<hbm>>
      %dma_wait3A_1336 = tpu.memref_squeeze %dma_wait3A_1335 : memref<1x4096x128xf32, #tpu.memory_space<hbm>> -> memref<4096x128xf32, #tpu.memory_space<hbm>>
      %dma_wait3A_1337 = arith.constant 0 : i32
      %dma_wait3A_1338 = tpu.memref_slice %dma_wait3A_1336[%mul3A_2, %dma_wait3A_1337] : memref<4096x128xf32, #tpu.memory_space<hbm>> -> memref<128x128xf32, #tpu.memory_space<hbm>>
      %dma_wait3A_1339 = arith.constant 0 : i32
      %dma_wait3A_1340 = arith.constant 0 : i32
      %dma_wait3A_1341 = tpu.memref_slice %arg6[%dma_wait3A_1322, %dma_wait3A_1339, %dma_wait3A_1340] : memref<7x128x128xf32, #tpu.memory_space<vmem>> -> memref<1x128x128xf32, #tpu.memory_space<vmem>>
      %dma_wait3A_1342 = tpu.memref_squeeze %dma_wait3A_1341 : memref<1x128x128xf32, #tpu.memory_space<vmem>> -> memref<128x128xf32, #tpu.memory_space<vmem>>
      tpu.wait_dma2 semaphore(%arg15 : memref<!tpu.dma_semaphore, #tpu.memory_space<semaphore_mem>>) src(%dma_wait3A_1342 : memref<128x128xf32, #tpu.memory_space<vmem>>) dst(%dma_wait3A_1338 : memref<128x128xf32, #tpu.memory_space<hbm>>)
      %dma_start3A_1343 = arith.constant 1 : i32
      %dma_start3A_1344 = arith.constant 0 : i32
      %dma_start3A_1345 = arith.constant 0 : i32
      %dma_start3A_1346 = tpu.memref_slice %arg6[%dma_start3A_1343, %dma_start3A_1344, %dma_start3A_1345] : memref<7x128x128xf32, #tpu.memory_space<vmem>> -> memref<1x128x128xf32, #tpu.memory_space<vmem>>
      %dma_start3A_1347 = tpu.memref_squeeze %dma_start3A_1346 : memref<1x128x128xf32, #tpu.memory_space<vmem>> -> memref<128x128xf32, #tpu.memory_space<vmem>>
      %dma_start3A_1348 = arith.constant 0 : i32
      %dma_start3A_1349 = tpu.memref_slice %arg5[%add3A_1319, %dma_start3A_1348] : memref<50x128xi32, #tpu.memory_space<vmem>> -> memref<1x128xi32, #tpu.memory_space<vmem>>
      %dma_start3A_1350 = tpu.memref_squeeze %dma_start3A_1349 : memref<1x128xi32, #tpu.memory_space<vmem>> -> memref<128xi32, #tpu.memory_space<vmem>>
      %dma_start3A_1351 = arith.constant 0 : i32
      %dma_start3A_1352 = arith.constant 0 : i32
      %dma_start3A_1353 = tpu.memref_slice %arg3[%dma_start3A_1351, %dma_start3A_1352] : memref<100000x128xf32, #tpu.memory_space<hbm>> -> memref<100000x128xf32, #tpu.memory_space<hbm>>
      tpu.enqueue_indirect_dma source(%dma_start3A_1353 : memref<100000x128xf32, #tpu.memory_space<hbm>>) target(%dma_start3A_1347 : memref<128x128xf32, #tpu.memory_space<vmem>>) offsets(%dma_start3A_1350 : memref<128xi32, #tpu.memory_space<vmem>>) semaphore(%arg8 : memref<!tpu.dma_semaphore, #tpu.memory_space<semaphore_mem>>)
      %dma_wait3A_1354 = arith.constant 4 : i32
      %dma_wait3A_1355 = arith.constant 0 : i32
      %dma_wait3A_1356 = arith.constant 0 : i32
      %dma_wait3A_1357 = tpu.memref_slice %arg6[%dma_wait3A_1354, %dma_wait3A_1355, %dma_wait3A_1356] : memref<7x128x128xf32, #tpu.memory_space<vmem>> -> memref<1x128x128xf32, #tpu.memory_space<vmem>>
      %dma_wait3A_1358 = tpu.memref_squeeze %dma_wait3A_1357 : memref<1x128x128xf32, #tpu.memory_space<vmem>> -> memref<128x128xf32, #tpu.memory_space<vmem>>
      %dma_wait3A_1359 = arith.constant 0 : i32
      %dma_wait3A_1360 = tpu.memref_slice %arg5[%add3A_1317, %dma_wait3A_1359] : memref<50x128xi32, #tpu.memory_space<vmem>> -> memref<1x128xi32, #tpu.memory_space<vmem>>
      %dma_wait3A_1361 = tpu.memref_squeeze %dma_wait3A_1360 : memref<1x128xi32, #tpu.memory_space<vmem>> -> memref<128xi32, #tpu.memory_space<vmem>>
      %dma_wait3A_1362 = arith.constant 0 : i32
      %dma_wait3A_1363 = arith.constant 0 : i32
      %dma_wait3A_1364 = tpu.memref_slice %arg3[%dma_wait3A_1362, %dma_wait3A_1363] : memref<100000x128xf32, #tpu.memory_space<hbm>> -> memref<100000x128xf32, #tpu.memory_space<hbm>>
      tpu.wait_indirect_dma semaphore(%arg11 : memref<!tpu.dma_semaphore, #tpu.memory_space<semaphore_mem>>) src(%dma_wait3A_1364 : memref<100000x128xf32, #tpu.memory_space<hbm>>) dst(%dma_wait3A_1358 : memref<128x128xf32, #tpu.memory_space<vmem>>)
      %dma_start3A_1365 = arith.constant 4 : i32
      %dma_start3A_1366 = arith.constant 0 : i32
      %dma_start3A_1367 = arith.constant 0 : i32
      %dma_start3A_1368 = tpu.memref_slice %arg6[%dma_start3A_1365, %dma_start3A_1366, %dma_start3A_1367] : memref<7x128x128xf32, #tpu.memory_space<vmem>> -> memref<1x128x128xf32, #tpu.memory_space<vmem>>
      %dma_start3A_1369 = tpu.memref_squeeze %dma_start3A_1368 : memref<1x128x128xf32, #tpu.memory_space<vmem>> -> memref<128x128xf32, #tpu.memory_space<vmem>>
      %dma_start3A_1370 = arith.constant 0 : i32
      %dma_start3A_1371 = arith.constant 0 : i32
      %dma_start3A_1372 = tpu.memref_slice %arg4[%add3A_1317, %dma_start3A_1370, %dma_start3A_1371] : memref<50x4096x128xf32, #tpu.memory_space<hbm>> -> memref<1x4096x128xf32, #tpu.memory_space<hbm>>
      %dma_start3A_1373 = tpu.memref_squeeze %dma_start3A_1372 : memref<1x4096x128xf32, #tpu.memory_space<hbm>> -> memref<4096x128xf32, #tpu.memory_space<hbm>>
      %dma_start3A_1374 = arith.constant 0 : i32
      %dma_start3A_1375 = tpu.memref_slice %dma_start3A_1373[%mul3A_2, %dma_start3A_1374] : memref<4096x128xf32, #tpu.memory_space<hbm>> -> memref<128x128xf32, #tpu.memory_space<hbm>>
      %dma_start3A_1376 = arith.constant 0 : i32
      %dma_start3A_1377 = arith.constant 0 : i32
      %dma_start3A_1378 = tpu.memref_slice %arg4[%add3A_1317, %dma_start3A_1376, %dma_start3A_1377] : memref<50x4096x128xf32, #tpu.memory_space<hbm>> -> memref<1x4096x128xf32, #tpu.memory_space<hbm>>
      %dma_start3A_1379 = tpu.memref_squeeze %dma_start3A_1378 : memref<1x4096x128xf32, #tpu.memory_space<hbm>> -> memref<4096x128xf32, #tpu.memory_space<hbm>>
      %dma_start3A_1380 = arith.constant 0 : i32
      %dma_start3A_1381 = tpu.memref_slice %dma_start3A_1379[%mul3A_2, %dma_start3A_1380] : memref<4096x128xf32, #tpu.memory_space<hbm>> -> memref<128x128xf32, #tpu.memory_space<hbm>>
      %dma_start3A_1382 = arith.constant 0 : i32
      %dma_start3A_1383 = arith.constant 0 : i32
      %dma_start3A_1384 = tpu.memref_slice %arg6[%dma_start3A_1365, %dma_start3A_1382, %dma_start3A_1383] : memref<7x128x128xf32, #tpu.memory_space<vmem>> -> memref<1x128x128xf32, #tpu.memory_space<vmem>>
      %dma_start3A_1385 = tpu.memref_squeeze %dma_start3A_1384 : memref<1x128x128xf32, #tpu.memory_space<vmem>> -> memref<128x128xf32, #tpu.memory_space<vmem>>
      tpu.enqueue_dma source(%dma_start3A_1385 : memref<128x128xf32, #tpu.memory_space<vmem>>) target(%dma_start3A_1381 : memref<128x128xf32, #tpu.memory_space<hbm>>) target_semaphore(%arg18 : memref<!tpu.dma_semaphore, #tpu.memory_space<semaphore_mem>>)
      %mul3A_1386 = arith.constant 7 : i32
      %mul3A_1387 = arith.muli %scan3A_1026, %mul3A_1386 : i32
      %add3A_1388 = arith.constant 5 : i32
      %add3A_1389 = arith.addi %mul3A_1387, %add3A_1388 : i32
      %add3A_1390 = arith.constant 4 : i32
      %add3A_1391 = arith.addi %add3A_1389, %add3A_1390 : i32
      %sub3A_1392 = arith.constant 7 : i32
      %sub3A_1393 = arith.subi %add3A_1391, %sub3A_1392 : i32
      %dma_wait3A_1394 = arith.constant 2 : i32
      %dma_wait3A_1395 = arith.constant 0 : i32
      %dma_wait3A_1396 = arith.constant 0 : i32
      %dma_wait3A_1397 = tpu.memref_slice %arg6[%dma_wait3A_1394, %dma_wait3A_1395, %dma_wait3A_1396] : memref<7x128x128xf32, #tpu.memory_space<vmem>> -> memref<1x128x128xf32, #tpu.memory_space<vmem>>
      %dma_wait3A_1398 = tpu.memref_squeeze %dma_wait3A_1397 : memref<1x128x128xf32, #tpu.memory_space<vmem>> -> memref<128x128xf32, #tpu.memory_space<vmem>>
      %dma_wait3A_1399 = arith.constant 0 : i32
      %dma_wait3A_1400 = arith.constant 0 : i32
      %dma_wait3A_1401 = tpu.memref_slice %arg4[%sub3A_1393, %dma_wait3A_1399, %dma_wait3A_1400] : memref<50x4096x128xf32, #tpu.memory_space<hbm>> -> memref<1x4096x128xf32, #tpu.memory_space<hbm>>
      %dma_wait3A_1402 = tpu.memref_squeeze %dma_wait3A_1401 : memref<1x4096x128xf32, #tpu.memory_space<hbm>> -> memref<4096x128xf32, #tpu.memory_space<hbm>>
      %dma_wait3A_1403 = arith.constant 0 : i32
      %dma_wait3A_1404 = tpu.memref_slice %dma_wait3A_1402[%mul3A_2, %dma_wait3A_1403] : memref<4096x128xf32, #tpu.memory_space<hbm>> -> memref<128x128xf32, #tpu.memory_space<hbm>>
      %dma_wait3A_1405 = arith.constant 0 : i32
      %dma_wait3A_1406 = arith.constant 0 : i32
      %dma_wait3A_1407 = tpu.memref_slice %arg4[%sub3A_1393, %dma_wait3A_1405, %dma_wait3A_1406] : memref<50x4096x128xf32, #tpu.memory_space<hbm>> -> memref<1x4096x128xf32, #tpu.memory_space<hbm>>
      %dma_wait3A_1408 = tpu.memref_squeeze %dma_wait3A_1407 : memref<1x4096x128xf32, #tpu.memory_space<hbm>> -> memref<4096x128xf32, #tpu.memory_space<hbm>>
      %dma_wait3A_1409 = arith.constant 0 : i32
      %dma_wait3A_1410 = tpu.memref_slice %dma_wait3A_1408[%mul3A_2, %dma_wait3A_1409] : memref<4096x128xf32, #tpu.memory_space<hbm>> -> memref<128x128xf32, #tpu.memory_space<hbm>>
      %dma_wait3A_1411 = arith.constant 0 : i32
      %dma_wait3A_1412 = arith.constant 0 : i32
      %dma_wait3A_1413 = tpu.memref_slice %arg6[%dma_wait3A_1394, %dma_wait3A_1411, %dma_wait3A_1412] : memref<7x128x128xf32, #tpu.memory_space<vmem>> -> memref<1x128x128xf32, #tpu.memory_space<vmem>>
      %dma_wait3A_1414 = tpu.memref_squeeze %dma_wait3A_1413 : memref<1x128x128xf32, #tpu.memory_space<vmem>> -> memref<128x128xf32, #tpu.memory_space<vmem>>
      tpu.wait_dma2 semaphore(%arg16 : memref<!tpu.dma_semaphore, #tpu.memory_space<semaphore_mem>>) src(%dma_wait3A_1414 : memref<128x128xf32, #tpu.memory_space<vmem>>) dst(%dma_wait3A_1410 : memref<128x128xf32, #tpu.memory_space<hbm>>)
      %dma_start3A_1415 = arith.constant 2 : i32
      %dma_start3A_1416 = arith.constant 0 : i32
      %dma_start3A_1417 = arith.constant 0 : i32
      %dma_start3A_1418 = tpu.memref_slice %arg6[%dma_start3A_1415, %dma_start3A_1416, %dma_start3A_1417] : memref<7x128x128xf32, #tpu.memory_space<vmem>> -> memref<1x128x128xf32, #tpu.memory_space<vmem>>
      %dma_start3A_1419 = tpu.memref_squeeze %dma_start3A_1418 : memref<1x128x128xf32, #tpu.memory_space<vmem>> -> memref<128x128xf32, #tpu.memory_space<vmem>>
      %dma_start3A_1420 = arith.constant 0 : i32
      %dma_start3A_1421 = tpu.memref_slice %arg5[%add3A_1391, %dma_start3A_1420] : memref<50x128xi32, #tpu.memory_space<vmem>> -> memref<1x128xi32, #tpu.memory_space<vmem>>
      %dma_start3A_1422 = tpu.memref_squeeze %dma_start3A_1421 : memref<1x128xi32, #tpu.memory_space<vmem>> -> memref<128xi32, #tpu.memory_space<vmem>>
      %dma_start3A_1423 = arith.constant 0 : i32
      %dma_start3A_1424 = arith.constant 0 : i32
      %dma_start3A_1425 = tpu.memref_slice %arg3[%dma_start3A_1423, %dma_start3A_1424] : memref<100000x128xf32, #tpu.memory_space<hbm>> -> memref<100000x128xf32, #tpu.memory_space<hbm>>
      tpu.enqueue_indirect_dma source(%dma_start3A_1425 : memref<100000x128xf32, #tpu.memory_space<hbm>>) target(%dma_start3A_1419 : memref<128x128xf32, #tpu.memory_space<vmem>>) offsets(%dma_start3A_1422 : memref<128xi32, #tpu.memory_space<vmem>>) semaphore(%arg9 : memref<!tpu.dma_semaphore, #tpu.memory_space<semaphore_mem>>)
      %dma_wait3A_1426 = arith.constant 5 : i32
      %dma_wait3A_1427 = arith.constant 0 : i32
      %dma_wait3A_1428 = arith.constant 0 : i32
      %dma_wait3A_1429 = tpu.memref_slice %arg6[%dma_wait3A_1426, %dma_wait3A_1427, %dma_wait3A_1428] : memref<7x128x128xf32, #tpu.memory_space<vmem>> -> memref<1x128x128xf32, #tpu.memory_space<vmem>>
      %dma_wait3A_1430 = tpu.memref_squeeze %dma_wait3A_1429 : memref<1x128x128xf32, #tpu.memory_space<vmem>> -> memref<128x128xf32, #tpu.memory_space<vmem>>
      %dma_wait3A_1431 = arith.constant 0 : i32
      %dma_wait3A_1432 = tpu.memref_slice %arg5[%add3A_1389, %dma_wait3A_1431] : memref<50x128xi32, #tpu.memory_space<vmem>> -> memref<1x128xi32, #tpu.memory_space<vmem>>
      %dma_wait3A_1433 = tpu.memref_squeeze %dma_wait3A_1432 : memref<1x128xi32, #tpu.memory_space<vmem>> -> memref<128xi32, #tpu.memory_space<vmem>>
      %dma_wait3A_1434 = arith.constant 0 : i32
      %dma_wait3A_1435 = arith.constant 0 : i32
      %dma_wait3A_1436 = tpu.memref_slice %arg3[%dma_wait3A_1434, %dma_wait3A_1435] : memref<100000x128xf32, #tpu.memory_space<hbm>> -> memref<100000x128xf32, #tpu.memory_space<hbm>>
      tpu.wait_indirect_dma semaphore(%arg12 : memref<!tpu.dma_semaphore, #tpu.memory_space<semaphore_mem>>) src(%dma_wait3A_1436 : memref<100000x128xf32, #tpu.memory_space<hbm>>) dst(%dma_wait3A_1430 : memref<128x128xf32, #tpu.memory_space<vmem>>)
      %dma_start3A_1437 = arith.constant 5 : i32
      %dma_start3A_1438 = arith.constant 0 : i32
      %dma_start3A_1439 = arith.constant 0 : i32
      %dma_start3A_1440 = tpu.memref_slice %arg6[%dma_start3A_1437, %dma_start3A_1438, %dma_start3A_1439] : memref<7x128x128xf32, #tpu.memory_space<vmem>> -> memref<1x128x128xf32, #tpu.memory_space<vmem>>
      %dma_start3A_1441 = tpu.memref_squeeze %dma_start3A_1440 : memref<1x128x128xf32, #tpu.memory_space<vmem>> -> memref<128x128xf32, #tpu.memory_space<vmem>>
      %dma_start3A_1442 = arith.constant 0 : i32
      %dma_start3A_1443 = arith.constant 0 : i32
      %dma_start3A_1444 = tpu.memref_slice %arg4[%add3A_1389, %dma_start3A_1442, %dma_start3A_1443] : memref<50x4096x128xf32, #tpu.memory_space<hbm>> -> memref<1x4096x128xf32, #tpu.memory_space<hbm>>
      %dma_start3A_1445 = tpu.memref_squeeze %dma_start3A_1444 : memref<1x4096x128xf32, #tpu.memory_space<hbm>> -> memref<4096x128xf32, #tpu.memory_space<hbm>>
      %dma_start3A_1446 = arith.constant 0 : i32
      %dma_start3A_1447 = tpu.memref_slice %dma_start3A_1445[%mul3A_2, %dma_start3A_1446] : memref<4096x128xf32, #tpu.memory_space<hbm>> -> memref<128x128xf32, #tpu.memory_space<hbm>>
      %dma_start3A_1448 = arith.constant 0 : i32
      %dma_start3A_1449 = arith.constant 0 : i32
      %dma_start3A_1450 = tpu.memref_slice %arg4[%add3A_1389, %dma_start3A_1448, %dma_start3A_1449] : memref<50x4096x128xf32, #tpu.memory_space<hbm>> -> memref<1x4096x128xf32, #tpu.memory_space<hbm>>
      %dma_start3A_1451 = tpu.memref_squeeze %dma_start3A_1450 : memref<1x4096x128xf32, #tpu.memory_space<hbm>> -> memref<4096x128xf32, #tpu.memory_space<hbm>>
      %dma_start3A_1452 = arith.constant 0 : i32
      %dma_start3A_1453 = tpu.memref_slice %dma_start3A_1451[%mul3A_2, %dma_start3A_1452] : memref<4096x128xf32, #tpu.memory_space<hbm>> -> memref<128x128xf32, #tpu.memory_space<hbm>>
      %dma_start3A_1454 = arith.constant 0 : i32
      %dma_start3A_1455 = arith.constant 0 : i32
      %dma_start3A_1456 = tpu.memref_slice %arg6[%dma_start3A_1437, %dma_start3A_1454, %dma_start3A_1455] : memref<7x128x128xf32, #tpu.memory_space<vmem>> -> memref<1x128x128xf32, #tpu.memory_space<vmem>>
      %dma_start3A_1457 = tpu.memref_squeeze %dma_start3A_1456 : memref<1x128x128xf32, #tpu.memory_space<vmem>> -> memref<128x128xf32, #tpu.memory_space<vmem>>
      tpu.enqueue_dma source(%dma_start3A_1457 : memref<128x128xf32, #tpu.memory_space<vmem>>) target(%dma_start3A_1453 : memref<128x128xf32, #tpu.memory_space<hbm>>) target_semaphore(%arg19 : memref<!tpu.dma_semaphore, #tpu.memory_space<semaphore_mem>>)
      %mul3A_1458 = arith.constant 7 : i32
      %mul3A_1459 = arith.muli %scan3A_1026, %mul3A_1458 : i32
      %add3A_1460 = arith.constant 6 : i32
      %add3A_1461 = arith.addi %mul3A_1459, %add3A_1460 : i32
      %add3A_1462 = arith.constant 4 : i32
      %add3A_1463 = arith.addi %add3A_1461, %add3A_1462 : i32
      %sub3A_1464 = arith.constant 7 : i32
      %sub3A_1465 = arith.subi %add3A_1463, %sub3A_1464 : i32
      %dma_wait3A_1466 = arith.constant 3 : i32
      %dma_wait3A_1467 = arith.constant 0 : i32
      %dma_wait3A_1468 = arith.constant 0 : i32
      %dma_wait3A_1469 = tpu.memref_slice %arg6[%dma_wait3A_1466, %dma_wait3A_1467, %dma_wait3A_1468] : memref<7x128x128xf32, #tpu.memory_space<vmem>> -> memref<1x128x128xf32, #tpu.memory_space<vmem>>
      %dma_wait3A_1470 = tpu.memref_squeeze %dma_wait3A_1469 : memref<1x128x128xf32, #tpu.memory_space<vmem>> -> memref<128x128xf32, #tpu.memory_space<vmem>>
      %dma_wait3A_1471 = arith.constant 0 : i32
      %dma_wait3A_1472 = arith.constant 0 : i32
      %dma_wait3A_1473 = tpu.memref_slice %arg4[%sub3A_1465, %dma_wait3A_1471, %dma_wait3A_1472] : memref<50x4096x128xf32, #tpu.memory_space<hbm>> -> memref<1x4096x128xf32, #tpu.memory_space<hbm>>
      %dma_wait3A_1474 = tpu.memref_squeeze %dma_wait3A_1473 : memref<1x4096x128xf32, #tpu.memory_space<hbm>> -> memref<4096x128xf32, #tpu.memory_space<hbm>>
      %dma_wait3A_1475 = arith.constant 0 : i32
      %dma_wait3A_1476 = tpu.memref_slice %dma_wait3A_1474[%mul3A_2, %dma_wait3A_1475] : memref<4096x128xf32, #tpu.memory_space<hbm>> -> memref<128x128xf32, #tpu.memory_space<hbm>>
      %dma_wait3A_1477 = arith.constant 0 : i32
      %dma_wait3A_1478 = arith.constant 0 : i32
      %dma_wait3A_1479 = tpu.memref_slice %arg4[%sub3A_1465, %dma_wait3A_1477, %dma_wait3A_1478] : memref<50x4096x128xf32, #tpu.memory_space<hbm>> -> memref<1x4096x128xf32, #tpu.memory_space<hbm>>
      %dma_wait3A_1480 = tpu.memref_squeeze %dma_wait3A_1479 : memref<1x4096x128xf32, #tpu.memory_space<hbm>> -> memref<4096x128xf32, #tpu.memory_space<hbm>>
      %dma_wait3A_1481 = arith.constant 0 : i32
      %dma_wait3A_1482 = tpu.memref_slice %dma_wait3A_1480[%mul3A_2, %dma_wait3A_1481] : memref<4096x128xf32, #tpu.memory_space<hbm>> -> memref<128x128xf32, #tpu.memory_space<hbm>>
      %dma_wait3A_1483 = arith.constant 0 : i32
      %dma_wait3A_1484 = arith.constant 0 : i32
      %dma_wait3A_1485 = tpu.memref_slice %arg6[%dma_wait3A_1466, %dma_wait3A_1483, %dma_wait3A_1484] : memref<7x128x128xf32, #tpu.memory_space<vmem>> -> memref<1x128x128xf32, #tpu.memory_space<vmem>>
      %dma_wait3A_1486 = tpu.memref_squeeze %dma_wait3A_1485 : memref<1x128x128xf32, #tpu.memory_space<vmem>> -> memref<128x128xf32, #tpu.memory_space<vmem>>
      tpu.wait_dma2 semaphore(%arg17 : memref<!tpu.dma_semaphore, #tpu.memory_space<semaphore_mem>>) src(%dma_wait3A_1486 : memref<128x128xf32, #tpu.memory_space<vmem>>) dst(%dma_wait3A_1482 : memref<128x128xf32, #tpu.memory_space<hbm>>)
      %dma_start3A_1487 = arith.constant 3 : i32
      %dma_start3A_1488 = arith.constant 0 : i32
      %dma_start3A_1489 = arith.constant 0 : i32
      %dma_start3A_1490 = tpu.memref_slice %arg6[%dma_start3A_1487, %dma_start3A_1488, %dma_start3A_1489] : memref<7x128x128xf32, #tpu.memory_space<vmem>> -> memref<1x128x128xf32, #tpu.memory_space<vmem>>
      %dma_start3A_1491 = tpu.memref_squeeze %dma_start3A_1490 : memref<1x128x128xf32, #tpu.memory_space<vmem>> -> memref<128x128xf32, #tpu.memory_space<vmem>>
      %dma_start3A_1492 = arith.constant 0 : i32
      %dma_start3A_1493 = tpu.memref_slice %arg5[%add3A_1463, %dma_start3A_1492] : memref<50x128xi32, #tpu.memory_space<vmem>> -> memref<1x128xi32, #tpu.memory_space<vmem>>
      %dma_start3A_1494 = tpu.memref_squeeze %dma_start3A_1493 : memref<1x128xi32, #tpu.memory_space<vmem>> -> memref<128xi32, #tpu.memory_space<vmem>>
      %dma_start3A_1495 = arith.constant 0 : i32
      %dma_start3A_1496 = arith.constant 0 : i32
      %dma_start3A_1497 = tpu.memref_slice %arg3[%dma_start3A_1495, %dma_start3A_1496] : memref<100000x128xf32, #tpu.memory_space<hbm>> -> memref<100000x128xf32, #tpu.memory_space<hbm>>
      tpu.enqueue_indirect_dma source(%dma_start3A_1497 : memref<100000x128xf32, #tpu.memory_space<hbm>>) target(%dma_start3A_1491 : memref<128x128xf32, #tpu.memory_space<vmem>>) offsets(%dma_start3A_1494 : memref<128xi32, #tpu.memory_space<vmem>>) semaphore(%arg10 : memref<!tpu.dma_semaphore, #tpu.memory_space<semaphore_mem>>)
      %dma_wait3A_1498 = arith.constant 6 : i32
      %dma_wait3A_1499 = arith.constant 0 : i32
      %dma_wait3A_1500 = arith.constant 0 : i32
      %dma_wait3A_1501 = tpu.memref_slice %arg6[%dma_wait3A_1498, %dma_wait3A_1499, %dma_wait3A_1500] : memref<7x128x128xf32, #tpu.memory_space<vmem>> -> memref<1x128x128xf32, #tpu.memory_space<vmem>>
      %dma_wait3A_1502 = tpu.memref_squeeze %dma_wait3A_1501 : memref<1x128x128xf32, #tpu.memory_space<vmem>> -> memref<128x128xf32, #tpu.memory_space<vmem>>
      %dma_wait3A_1503 = arith.constant 0 : i32
      %dma_wait3A_1504 = tpu.memref_slice %arg5[%add3A_1461, %dma_wait3A_1503] : memref<50x128xi32, #tpu.memory_space<vmem>> -> memref<1x128xi32, #tpu.memory_space<vmem>>
      %dma_wait3A_1505 = tpu.memref_squeeze %dma_wait3A_1504 : memref<1x128xi32, #tpu.memory_space<vmem>> -> memref<128xi32, #tpu.memory_space<vmem>>
      %dma_wait3A_1506 = arith.constant 0 : i32
      %dma_wait3A_1507 = arith.constant 0 : i32
      %dma_wait3A_1508 = tpu.memref_slice %arg3[%dma_wait3A_1506, %dma_wait3A_1507] : memref<100000x128xf32, #tpu.memory_space<hbm>> -> memref<100000x128xf32, #tpu.memory_space<hbm>>
      tpu.wait_indirect_dma semaphore(%arg13 : memref<!tpu.dma_semaphore, #tpu.memory_space<semaphore_mem>>) src(%dma_wait3A_1508 : memref<100000x128xf32, #tpu.memory_space<hbm>>) dst(%dma_wait3A_1502 : memref<128x128xf32, #tpu.memory_space<vmem>>)
      %dma_start3A_1509 = arith.constant 6 : i32
      %dma_start3A_1510 = arith.constant 0 : i32
      %dma_start3A_1511 = arith.constant 0 : i32
      %dma_start3A_1512 = tpu.memref_slice %arg6[%dma_start3A_1509, %dma_start3A_1510, %dma_start3A_1511] : memref<7x128x128xf32, #tpu.memory_space<vmem>> -> memref<1x128x128xf32, #tpu.memory_space<vmem>>
      %dma_start3A_1513 = tpu.memref_squeeze %dma_start3A_1512 : memref<1x128x128xf32, #tpu.memory_space<vmem>> -> memref<128x128xf32, #tpu.memory_space<vmem>>
      %dma_start3A_1514 = arith.constant 0 : i32
      %dma_start3A_1515 = arith.constant 0 : i32
      %dma_start3A_1516 = tpu.memref_slice %arg4[%add3A_1461, %dma_start3A_1514, %dma_start3A_1515] : memref<50x4096x128xf32, #tpu.memory_space<hbm>> -> memref<1x4096x128xf32, #tpu.memory_space<hbm>>
      %dma_start3A_1517 = tpu.memref_squeeze %dma_start3A_1516 : memref<1x4096x128xf32, #tpu.memory_space<hbm>> -> memref<4096x128xf32, #tpu.memory_space<hbm>>
      %dma_start3A_1518 = arith.constant 0 : i32
      %dma_start3A_1519 = tpu.memref_slice %dma_start3A_1517[%mul3A_2, %dma_start3A_1518] : memref<4096x128xf32, #tpu.memory_space<hbm>> -> memref<128x128xf32, #tpu.memory_space<hbm>>
      %dma_start3A_1520 = arith.constant 0 : i32
      %dma_start3A_1521 = arith.constant 0 : i32
      %dma_start3A_1522 = tpu.memref_slice %arg4[%add3A_1461, %dma_start3A_1520, %dma_start3A_1521] : memref<50x4096x128xf32, #tpu.memory_space<hbm>> -> memref<1x4096x128xf32, #tpu.memory_space<hbm>>
      %dma_start3A_1523 = tpu.memref_squeeze %dma_start3A_1522 : memref<1x4096x128xf32, #tpu.memory_space<hbm>> -> memref<4096x128xf32, #tpu.memory_space<hbm>>
      %dma_start3A_1524 = arith.constant 0 : i32
      %dma_start3A_1525 = tpu.memref_slice %dma_start3A_1523[%mul3A_2, %dma_start3A_1524] : memref<4096x128xf32, #tpu.memory_space<hbm>> -> memref<128x128xf32, #tpu.memory_space<hbm>>
      %dma_start3A_1526 = arith.constant 0 : i32
      %dma_start3A_1527 = arith.constant 0 : i32
      %dma_start3A_1528 = tpu.memref_slice %arg6[%dma_start3A_1509, %dma_start3A_1526, %dma_start3A_1527] : memref<7x128x128xf32, #tpu.memory_space<vmem>> -> memref<1x128x128xf32, #tpu.memory_space<vmem>>
      %dma_start3A_1529 = tpu.memref_squeeze %dma_start3A_1528 : memref<1x128x128xf32, #tpu.memory_space<vmem>> -> memref<128x128xf32, #tpu.memory_space<vmem>>
      tpu.enqueue_dma source(%dma_start3A_1529 : memref<128x128xf32, #tpu.memory_space<vmem>>) target(%dma_start3A_1525 : memref<128x128xf32, #tpu.memory_space<hbm>>) target_semaphore(%arg20 : memref<!tpu.dma_semaphore, #tpu.memory_space<semaphore_mem>>)
    }
    %scan3A_463 = arith.constant 5 : i32
    %dma_wait3A_464 = arith.constant 4 : i32
    %dma_wait3A_465 = arith.constant 39 : i32
    %dma_wait3A_466 = arith.constant 0 : i32
    %dma_wait3A_467 = arith.constant 0 : i32
    %dma_wait3A_468 = tpu.memref_slice %arg6[%dma_wait3A_464, %dma_wait3A_466, %dma_wait3A_467] : memref<7x128x128xf32, #tpu.memory_space<vmem>> -> memref<1x128x128xf32, #tpu.memory_space<vmem>>
    %dma_wait3A_469 = tpu.memref_squeeze %dma_wait3A_468 : memref<1x128x128xf32, #tpu.memory_space<vmem>> -> memref<128x128xf32, #tpu.memory_space<vmem>>
    %dma_wait3A_470 = arith.constant 0 : i32
    %dma_wait3A_471 = arith.constant 0 : i32
    %dma_wait3A_472 = tpu.memref_slice %arg4[%dma_wait3A_465, %dma_wait3A_470, %dma_wait3A_471] : memref<50x4096x128xf32, #tpu.memory_space<hbm>> -> memref<1x4096x128xf32, #tpu.memory_space<hbm>>
    %dma_wait3A_473 = tpu.memref_squeeze %dma_wait3A_472 : memref<1x4096x128xf32, #tpu.memory_space<hbm>> -> memref<4096x128xf32, #tpu.memory_space<hbm>>
    %dma_wait3A_474 = arith.constant 0 : i32
    %dma_wait3A_475 = tpu.memref_slice %dma_wait3A_473[%mul3A_2, %dma_wait3A_474] : memref<4096x128xf32, #tpu.memory_space<hbm>> -> memref<128x128xf32, #tpu.memory_space<hbm>>
    %dma_wait3A_476 = arith.constant 0 : i32
    %dma_wait3A_477 = arith.constant 0 : i32
    %dma_wait3A_478 = tpu.memref_slice %arg4[%dma_wait3A_465, %dma_wait3A_476, %dma_wait3A_477] : memref<50x4096x128xf32, #tpu.memory_space<hbm>> -> memref<1x4096x128xf32, #tpu.memory_space<hbm>>
    %dma_wait3A_479 = tpu.memref_squeeze %dma_wait3A_478 : memref<1x4096x128xf32, #tpu.memory_space<hbm>> -> memref<4096x128xf32, #tpu.memory_space<hbm>>
    %dma_wait3A_480 = arith.constant 0 : i32
    %dma_wait3A_481 = tpu.memref_slice %dma_wait3A_479[%mul3A_2, %dma_wait3A_480] : memref<4096x128xf32, #tpu.memory_space<hbm>> -> memref<128x128xf32, #tpu.memory_space<hbm>>
    %dma_wait3A_482 = arith.constant 0 : i32
    %dma_wait3A_483 = arith.constant 0 : i32
    %dma_wait3A_484 = tpu.memref_slice %arg6[%dma_wait3A_464, %dma_wait3A_482, %dma_wait3A_483] : memref<7x128x128xf32, #tpu.memory_space<vmem>> -> memref<1x128x128xf32, #tpu.memory_space<vmem>>
    %dma_wait3A_485 = tpu.memref_squeeze %dma_wait3A_484 : memref<1x128x128xf32, #tpu.memory_space<vmem>> -> memref<128x128xf32, #tpu.memory_space<vmem>>
    tpu.wait_dma2 semaphore(%arg18 : memref<!tpu.dma_semaphore, #tpu.memory_space<semaphore_mem>>) src(%dma_wait3A_485 : memref<128x128xf32, #tpu.memory_space<vmem>>) dst(%dma_wait3A_481 : memref<128x128xf32, #tpu.memory_space<hbm>>)
    %dma_start3A_486 = arith.constant 46 : i32
    %dma_start3A_487 = arith.constant 4 : i32
    %dma_start3A_488 = arith.constant 0 : i32
    %dma_start3A_489 = arith.constant 0 : i32
    %dma_start3A_490 = tpu.memref_slice %arg6[%dma_start3A_487, %dma_start3A_488, %dma_start3A_489] : memref<7x128x128xf32, #tpu.memory_space<vmem>> -> memref<1x128x128xf32, #tpu.memory_space<vmem>>
    %dma_start3A_491 = tpu.memref_squeeze %dma_start3A_490 : memref<1x128x128xf32, #tpu.memory_space<vmem>> -> memref<128x128xf32, #tpu.memory_space<vmem>>
    %dma_start3A_492 = arith.constant 0 : i32
    %dma_start3A_493 = tpu.memref_slice %arg5[%dma_start3A_486, %dma_start3A_492] : memref<50x128xi32, #tpu.memory_space<vmem>> -> memref<1x128xi32, #tpu.memory_space<vmem>>
    %dma_start3A_494 = tpu.memref_squeeze %dma_start3A_493 : memref<1x128xi32, #tpu.memory_space<vmem>> -> memref<128xi32, #tpu.memory_space<vmem>>
    %dma_start3A_495 = arith.constant 0 : i32
    %dma_start3A_496 = arith.constant 0 : i32
    %dma_start3A_497 = tpu.memref_slice %arg3[%dma_start3A_495, %dma_start3A_496] : memref<100000x128xf32, #tpu.memory_space<hbm>> -> memref<100000x128xf32, #tpu.memory_space<hbm>>
    tpu.enqueue_indirect_dma source(%dma_start3A_497 : memref<100000x128xf32, #tpu.memory_space<hbm>>) target(%dma_start3A_491 : memref<128x128xf32, #tpu.memory_space<vmem>>) offsets(%dma_start3A_494 : memref<128xi32, #tpu.memory_space<vmem>>) semaphore(%arg11 : memref<!tpu.dma_semaphore, #tpu.memory_space<semaphore_mem>>)
    %dma_wait3A_498 = arith.constant 42 : i32
    %dma_wait3A_499 = arith.constant 0 : i32
    %dma_wait3A_500 = arith.constant 0 : i32
    %dma_wait3A_501 = arith.constant 0 : i32
    %dma_wait3A_502 = tpu.memref_slice %arg6[%dma_wait3A_499, %dma_wait3A_500, %dma_wait3A_501] : memref<7x128x128xf32, #tpu.memory_space<vmem>> -> memref<1x128x128xf32, #tpu.memory_space<vmem>>
    %dma_wait3A_503 = tpu.memref_squeeze %dma_wait3A_502 : memref<1x128x128xf32, #tpu.memory_space<vmem>> -> memref<128x128xf32, #tpu.memory_space<vmem>>
    %dma_wait3A_504 = arith.constant 0 : i32
    %dma_wait3A_505 = tpu.memref_slice %arg5[%dma_wait3A_498, %dma_wait3A_504] : memref<50x128xi32, #tpu.memory_space<vmem>> -> memref<1x128xi32, #tpu.memory_space<vmem>>
    %dma_wait3A_506 = tpu.memref_squeeze %dma_wait3A_505 : memref<1x128xi32, #tpu.memory_space<vmem>> -> memref<128xi32, #tpu.memory_space<vmem>>
    %dma_wait3A_507 = arith.constant 0 : i32
    %dma_wait3A_508 = arith.constant 0 : i32
    %dma_wait3A_509 = tpu.memref_slice %arg3[%dma_wait3A_507, %dma_wait3A_508] : memref<100000x128xf32, #tpu.memory_space<hbm>> -> memref<100000x128xf32, #tpu.memory_space<hbm>>
    tpu.wait_indirect_dma semaphore(%arg7 : memref<!tpu.dma_semaphore, #tpu.memory_space<semaphore_mem>>) src(%dma_wait3A_509 : memref<100000x128xf32, #tpu.memory_space<hbm>>) dst(%dma_wait3A_503 : memref<128x128xf32, #tpu.memory_space<vmem>>)
    %dma_start3A_510 = arith.constant 0 : i32
    %dma_start3A_511 = arith.constant 42 : i32
    %dma_start3A_512 = arith.constant 0 : i32
    %dma_start3A_513 = arith.constant 0 : i32
    %dma_start3A_514 = tpu.memref_slice %arg6[%dma_start3A_510, %dma_start3A_512, %dma_start3A_513] : memref<7x128x128xf32, #tpu.memory_space<vmem>> -> memref<1x128x128xf32, #tpu.memory_space<vmem>>
    %dma_start3A_515 = tpu.memref_squeeze %dma_start3A_514 : memref<1x128x128xf32, #tpu.memory_space<vmem>> -> memref<128x128xf32, #tpu.memory_space<vmem>>
    %dma_start3A_516 = arith.constant 0 : i32
    %dma_start3A_517 = arith.constant 0 : i32
    %dma_start3A_518 = tpu.memref_slice %arg4[%dma_start3A_511, %dma_start3A_516, %dma_start3A_517] : memref<50x4096x128xf32, #tpu.memory_space<hbm>> -> memref<1x4096x128xf32, #tpu.memory_space<hbm>>
    %dma_start3A_519 = tpu.memref_squeeze %dma_start3A_518 : memref<1x4096x128xf32, #tpu.memory_space<hbm>> -> memref<4096x128xf32, #tpu.memory_space<hbm>>
    %dma_start3A_520 = arith.constant 0 : i32
    %dma_start3A_521 = tpu.memref_slice %dma_start3A_519[%mul3A_2, %dma_start3A_520] : memref<4096x128xf32, #tpu.memory_space<hbm>> -> memref<128x128xf32, #tpu.memory_space<hbm>>
    %dma_start3A_522 = arith.constant 0 : i32
    %dma_start3A_523 = arith.constant 0 : i32
    %dma_start3A_524 = tpu.memref_slice %arg4[%dma_start3A_511, %dma_start3A_522, %dma_start3A_523] : memref<50x4096x128xf32, #tpu.memory_space<hbm>> -> memref<1x4096x128xf32, #tpu.memory_space<hbm>>
    %dma_start3A_525 = tpu.memref_squeeze %dma_start3A_524 : memref<1x4096x128xf32, #tpu.memory_space<hbm>> -> memref<4096x128xf32, #tpu.memory_space<hbm>>
    %dma_start3A_526 = arith.constant 0 : i32
    %dma_start3A_527 = tpu.memref_slice %dma_start3A_525[%mul3A_2, %dma_start3A_526] : memref<4096x128xf32, #tpu.memory_space<hbm>> -> memref<128x128xf32, #tpu.memory_space<hbm>>
    %dma_start3A_528 = arith.constant 0 : i32
    %dma_start3A_529 = arith.constant 0 : i32
    %dma_start3A_530 = tpu.memref_slice %arg6[%dma_start3A_510, %dma_start3A_528, %dma_start3A_529] : memref<7x128x128xf32, #tpu.memory_space<vmem>> -> memref<1x128x128xf32, #tpu.memory_space<vmem>>
    %dma_start3A_531 = tpu.memref_squeeze %dma_start3A_530 : memref<1x128x128xf32, #tpu.memory_space<vmem>> -> memref<128x128xf32, #tpu.memory_space<vmem>>
    tpu.enqueue_dma source(%dma_start3A_531 : memref<128x128xf32, #tpu.memory_space<vmem>>) target(%dma_start3A_527 : memref<128x128xf32, #tpu.memory_space<hbm>>) target_semaphore(%arg14 : memref<!tpu.dma_semaphore, #tpu.memory_space<semaphore_mem>>)
    %dma_wait3A_532 = arith.constant 5 : i32
    %dma_wait3A_533 = arith.constant 40 : i32
    %dma_wait3A_534 = arith.constant 0 : i32
    %dma_wait3A_535 = arith.constant 0 : i32
    %dma_wait3A_536 = tpu.memref_slice %arg6[%dma_wait3A_532, %dma_wait3A_534, %dma_wait3A_535] : memref<7x128x128xf32, #tpu.memory_space<vmem>> -> memref<1x128x128xf32, #tpu.memory_space<vmem>>
    %dma_wait3A_537 = tpu.memref_squeeze %dma_wait3A_536 : memref<1x128x128xf32, #tpu.memory_space<vmem>> -> memref<128x128xf32, #tpu.memory_space<vmem>>
    %dma_wait3A_538 = arith.constant 0 : i32
    %dma_wait3A_539 = arith.constant 0 : i32
    %dma_wait3A_540 = tpu.memref_slice %arg4[%dma_wait3A_533, %dma_wait3A_538, %dma_wait3A_539] : memref<50x4096x128xf32, #tpu.memory_space<hbm>> -> memref<1x4096x128xf32, #tpu.memory_space<hbm>>
    %dma_wait3A_541 = tpu.memref_squeeze %dma_wait3A_540 : memref<1x4096x128xf32, #tpu.memory_space<hbm>> -> memref<4096x128xf32, #tpu.memory_space<hbm>>
    %dma_wait3A_542 = arith.constant 0 : i32
    %dma_wait3A_543 = tpu.memref_slice %dma_wait3A_541[%mul3A_2, %dma_wait3A_542] : memref<4096x128xf32, #tpu.memory_space<hbm>> -> memref<128x128xf32, #tpu.memory_space<hbm>>
    %dma_wait3A_544 = arith.constant 0 : i32
    %dma_wait3A_545 = arith.constant 0 : i32
    %dma_wait3A_546 = tpu.memref_slice %arg4[%dma_wait3A_533, %dma_wait3A_544, %dma_wait3A_545] : memref<50x4096x128xf32, #tpu.memory_space<hbm>> -> memref<1x4096x128xf32, #tpu.memory_space<hbm>>
    %dma_wait3A_547 = tpu.memref_squeeze %dma_wait3A_546 : memref<1x4096x128xf32, #tpu.memory_space<hbm>> -> memref<4096x128xf32, #tpu.memory_space<hbm>>
    %dma_wait3A_548 = arith.constant 0 : i32
    %dma_wait3A_549 = tpu.memref_slice %dma_wait3A_547[%mul3A_2, %dma_wait3A_548] : memref<4096x128xf32, #tpu.memory_space<hbm>> -> memref<128x128xf32, #tpu.memory_space<hbm>>
    %dma_wait3A_550 = arith.constant 0 : i32
    %dma_wait3A_551 = arith.constant 0 : i32
    %dma_wait3A_552 = tpu.memref_slice %arg6[%dma_wait3A_532, %dma_wait3A_550, %dma_wait3A_551] : memref<7x128x128xf32, #tpu.memory_space<vmem>> -> memref<1x128x128xf32, #tpu.memory_space<vmem>>
    %dma_wait3A_553 = tpu.memref_squeeze %dma_wait3A_552 : memref<1x128x128xf32, #tpu.memory_space<vmem>> -> memref<128x128xf32, #tpu.memory_space<vmem>>
    tpu.wait_dma2 semaphore(%arg19 : memref<!tpu.dma_semaphore, #tpu.memory_space<semaphore_mem>>) src(%dma_wait3A_553 : memref<128x128xf32, #tpu.memory_space<vmem>>) dst(%dma_wait3A_549 : memref<128x128xf32, #tpu.memory_space<hbm>>)
    %dma_start3A_554 = arith.constant 47 : i32
    %dma_start3A_555 = arith.constant 5 : i32
    %dma_start3A_556 = arith.constant 0 : i32
    %dma_start3A_557 = arith.constant 0 : i32
    %dma_start3A_558 = tpu.memref_slice %arg6[%dma_start3A_555, %dma_start3A_556, %dma_start3A_557] : memref<7x128x128xf32, #tpu.memory_space<vmem>> -> memref<1x128x128xf32, #tpu.memory_space<vmem>>
    %dma_start3A_559 = tpu.memref_squeeze %dma_start3A_558 : memref<1x128x128xf32, #tpu.memory_space<vmem>> -> memref<128x128xf32, #tpu.memory_space<vmem>>
    %dma_start3A_560 = arith.constant 0 : i32
    %dma_start3A_561 = tpu.memref_slice %arg5[%dma_start3A_554, %dma_start3A_560] : memref<50x128xi32, #tpu.memory_space<vmem>> -> memref<1x128xi32, #tpu.memory_space<vmem>>
    %dma_start3A_562 = tpu.memref_squeeze %dma_start3A_561 : memref<1x128xi32, #tpu.memory_space<vmem>> -> memref<128xi32, #tpu.memory_space<vmem>>
    %dma_start3A_563 = arith.constant 0 : i32
    %dma_start3A_564 = arith.constant 0 : i32
    %dma_start3A_565 = tpu.memref_slice %arg3[%dma_start3A_563, %dma_start3A_564] : memref<100000x128xf32, #tpu.memory_space<hbm>> -> memref<100000x128xf32, #tpu.memory_space<hbm>>
    tpu.enqueue_indirect_dma source(%dma_start3A_565 : memref<100000x128xf32, #tpu.memory_space<hbm>>) target(%dma_start3A_559 : memref<128x128xf32, #tpu.memory_space<vmem>>) offsets(%dma_start3A_562 : memref<128xi32, #tpu.memory_space<vmem>>) semaphore(%arg12 : memref<!tpu.dma_semaphore, #tpu.memory_space<semaphore_mem>>)
    %dma_wait3A_566 = arith.constant 43 : i32
    %dma_wait3A_567 = arith.constant 1 : i32
    %dma_wait3A_568 = arith.constant 0 : i32
    %dma_wait3A_569 = arith.constant 0 : i32
    %dma_wait3A_570 = tpu.memref_slice %arg6[%dma_wait3A_567, %dma_wait3A_568, %dma_wait3A_569] : memref<7x128x128xf32, #tpu.memory_space<vmem>> -> memref<1x128x128xf32, #tpu.memory_space<vmem>>
    %dma_wait3A_571 = tpu.memref_squeeze %dma_wait3A_570 : memref<1x128x128xf32, #tpu.memory_space<vmem>> -> memref<128x128xf32, #tpu.memory_space<vmem>>
    %dma_wait3A_572 = arith.constant 0 : i32
    %dma_wait3A_573 = tpu.memref_slice %arg5[%dma_wait3A_566, %dma_wait3A_572] : memref<50x128xi32, #tpu.memory_space<vmem>> -> memref<1x128xi32, #tpu.memory_space<vmem>>
    %dma_wait3A_574 = tpu.memref_squeeze %dma_wait3A_573 : memref<1x128xi32, #tpu.memory_space<vmem>> -> memref<128xi32, #tpu.memory_space<vmem>>
    %dma_wait3A_575 = arith.constant 0 : i32
    %dma_wait3A_576 = arith.constant 0 : i32
    %dma_wait3A_577 = tpu.memref_slice %arg3[%dma_wait3A_575, %dma_wait3A_576] : memref<100000x128xf32, #tpu.memory_space<hbm>> -> memref<100000x128xf32, #tpu.memory_space<hbm>>
    tpu.wait_indirect_dma semaphore(%arg8 : memref<!tpu.dma_semaphore, #tpu.memory_space<semaphore_mem>>) src(%dma_wait3A_577 : memref<100000x128xf32, #tpu.memory_space<hbm>>) dst(%dma_wait3A_571 : memref<128x128xf32, #tpu.memory_space<vmem>>)
    %dma_start3A_578 = arith.constant 1 : i32
    %dma_start3A_579 = arith.constant 43 : i32
    %dma_start3A_580 = arith.constant 0 : i32
    %dma_start3A_581 = arith.constant 0 : i32
    %dma_start3A_582 = tpu.memref_slice %arg6[%dma_start3A_578, %dma_start3A_580, %dma_start3A_581] : memref<7x128x128xf32, #tpu.memory_space<vmem>> -> memref<1x128x128xf32, #tpu.memory_space<vmem>>
    %dma_start3A_583 = tpu.memref_squeeze %dma_start3A_582 : memref<1x128x128xf32, #tpu.memory_space<vmem>> -> memref<128x128xf32, #tpu.memory_space<vmem>>
    %dma_start3A_584 = arith.constant 0 : i32
    %dma_start3A_585 = arith.constant 0 : i32
    %dma_start3A_586 = tpu.memref_slice %arg4[%dma_start3A_579, %dma_start3A_584, %dma_start3A_585] : memref<50x4096x128xf32, #tpu.memory_space<hbm>> -> memref<1x4096x128xf32, #tpu.memory_space<hbm>>
    %dma_start3A_587 = tpu.memref_squeeze %dma_start3A_586 : memref<1x4096x128xf32, #tpu.memory_space<hbm>> -> memref<4096x128xf32, #tpu.memory_space<hbm>>
    %dma_start3A_588 = arith.constant 0 : i32
    %dma_start3A_589 = tpu.memref_slice %dma_start3A_587[%mul3A_2, %dma_start3A_588] : memref<4096x128xf32, #tpu.memory_space<hbm>> -> memref<128x128xf32, #tpu.memory_space<hbm>>
    %dma_start3A_590 = arith.constant 0 : i32
    %dma_start3A_591 = arith.constant 0 : i32
    %dma_start3A_592 = tpu.memref_slice %arg4[%dma_start3A_579, %dma_start3A_590, %dma_start3A_591] : memref<50x4096x128xf32, #tpu.memory_space<hbm>> -> memref<1x4096x128xf32, #tpu.memory_space<hbm>>
    %dma_start3A_593 = tpu.memref_squeeze %dma_start3A_592 : memref<1x4096x128xf32, #tpu.memory_space<hbm>> -> memref<4096x128xf32, #tpu.memory_space<hbm>>
    %dma_start3A_594 = arith.constant 0 : i32
    %dma_start3A_595 = tpu.memref_slice %dma_start3A_593[%mul3A_2, %dma_start3A_594] : memref<4096x128xf32, #tpu.memory_space<hbm>> -> memref<128x128xf32, #tpu.memory_space<hbm>>
    %dma_start3A_596 = arith.constant 0 : i32
    %dma_start3A_597 = arith.constant 0 : i32
    %dma_start3A_598 = tpu.memref_slice %arg6[%dma_start3A_578, %dma_start3A_596, %dma_start3A_597] : memref<7x128x128xf32, #tpu.memory_space<vmem>> -> memref<1x128x128xf32, #tpu.memory_space<vmem>>
    %dma_start3A_599 = tpu.memref_squeeze %dma_start3A_598 : memref<1x128x128xf32, #tpu.memory_space<vmem>> -> memref<128x128xf32, #tpu.memory_space<vmem>>
    tpu.enqueue_dma source(%dma_start3A_599 : memref<128x128xf32, #tpu.memory_space<vmem>>) target(%dma_start3A_595 : memref<128x128xf32, #tpu.memory_space<hbm>>) target_semaphore(%arg15 : memref<!tpu.dma_semaphore, #tpu.memory_space<semaphore_mem>>)
    %dma_wait3A_600 = arith.constant 6 : i32
    %dma_wait3A_601 = arith.constant 41 : i32
    %dma_wait3A_602 = arith.constant 0 : i32
    %dma_wait3A_603 = arith.constant 0 : i32
    %dma_wait3A_604 = tpu.memref_slice %arg6[%dma_wait3A_600, %dma_wait3A_602, %dma_wait3A_603] : memref<7x128x128xf32, #tpu.memory_space<vmem>> -> memref<1x128x128xf32, #tpu.memory_space<vmem>>
    %dma_wait3A_605 = tpu.memref_squeeze %dma_wait3A_604 : memref<1x128x128xf32, #tpu.memory_space<vmem>> -> memref<128x128xf32, #tpu.memory_space<vmem>>
    %dma_wait3A_606 = arith.constant 0 : i32
    %dma_wait3A_607 = arith.constant 0 : i32
    %dma_wait3A_608 = tpu.memref_slice %arg4[%dma_wait3A_601, %dma_wait3A_606, %dma_wait3A_607] : memref<50x4096x128xf32, #tpu.memory_space<hbm>> -> memref<1x4096x128xf32, #tpu.memory_space<hbm>>
    %dma_wait3A_609 = tpu.memref_squeeze %dma_wait3A_608 : memref<1x4096x128xf32, #tpu.memory_space<hbm>> -> memref<4096x128xf32, #tpu.memory_space<hbm>>
    %dma_wait3A_610 = arith.constant 0 : i32
    %dma_wait3A_611 = tpu.memref_slice %dma_wait3A_609[%mul3A_2, %dma_wait3A_610] : memref<4096x128xf32, #tpu.memory_space<hbm>> -> memref<128x128xf32, #tpu.memory_space<hbm>>
    %dma_wait3A_612 = arith.constant 0 : i32
    %dma_wait3A_613 = arith.constant 0 : i32
    %dma_wait3A_614 = tpu.memref_slice %arg4[%dma_wait3A_601, %dma_wait3A_612, %dma_wait3A_613] : memref<50x4096x128xf32, #tpu.memory_space<hbm>> -> memref<1x4096x128xf32, #tpu.memory_space<hbm>>
    %dma_wait3A_615 = tpu.memref_squeeze %dma_wait3A_614 : memref<1x4096x128xf32, #tpu.memory_space<hbm>> -> memref<4096x128xf32, #tpu.memory_space<hbm>>
    %dma_wait3A_616 = arith.constant 0 : i32
    %dma_wait3A_617 = tpu.memref_slice %dma_wait3A_615[%mul3A_2, %dma_wait3A_616] : memref<4096x128xf32, #tpu.memory_space<hbm>> -> memref<128x128xf32, #tpu.memory_space<hbm>>
    %dma_wait3A_618 = arith.constant 0 : i32
    %dma_wait3A_619 = arith.constant 0 : i32
    %dma_wait3A_620 = tpu.memref_slice %arg6[%dma_wait3A_600, %dma_wait3A_618, %dma_wait3A_619] : memref<7x128x128xf32, #tpu.memory_space<vmem>> -> memref<1x128x128xf32, #tpu.memory_space<vmem>>
    %dma_wait3A_621 = tpu.memref_squeeze %dma_wait3A_620 : memref<1x128x128xf32, #tpu.memory_space<vmem>> -> memref<128x128xf32, #tpu.memory_space<vmem>>
    tpu.wait_dma2 semaphore(%arg20 : memref<!tpu.dma_semaphore, #tpu.memory_space<semaphore_mem>>) src(%dma_wait3A_621 : memref<128x128xf32, #tpu.memory_space<vmem>>) dst(%dma_wait3A_617 : memref<128x128xf32, #tpu.memory_space<hbm>>)
    %dma_start3A_622 = arith.constant 48 : i32
    %dma_start3A_623 = arith.constant 6 : i32
    %dma_start3A_624 = arith.constant 0 : i32
    %dma_start3A_625 = arith.constant 0 : i32
    %dma_start3A_626 = tpu.memref_slice %arg6[%dma_start3A_623, %dma_start3A_624, %dma_start3A_625] : memref<7x128x128xf32, #tpu.memory_space<vmem>> -> memref<1x128x128xf32, #tpu.memory_space<vmem>>
    %dma_start3A_627 = tpu.memref_squeeze %dma_start3A_626 : memref<1x128x128xf32, #tpu.memory_space<vmem>> -> memref<128x128xf32, #tpu.memory_space<vmem>>
    %dma_start3A_628 = arith.constant 0 : i32
    %dma_start3A_629 = tpu.memref_slice %arg5[%dma_start3A_622, %dma_start3A_628] : memref<50x128xi32, #tpu.memory_space<vmem>> -> memref<1x128xi32, #tpu.memory_space<vmem>>
    %dma_start3A_630 = tpu.memref_squeeze %dma_start3A_629 : memref<1x128xi32, #tpu.memory_space<vmem>> -> memref<128xi32, #tpu.memory_space<vmem>>
    %dma_start3A_631 = arith.constant 0 : i32
    %dma_start3A_632 = arith.constant 0 : i32
    %dma_start3A_633 = tpu.memref_slice %arg3[%dma_start3A_631, %dma_start3A_632] : memref<100000x128xf32, #tpu.memory_space<hbm>> -> memref<100000x128xf32, #tpu.memory_space<hbm>>
    tpu.enqueue_indirect_dma source(%dma_start3A_633 : memref<100000x128xf32, #tpu.memory_space<hbm>>) target(%dma_start3A_627 : memref<128x128xf32, #tpu.memory_space<vmem>>) offsets(%dma_start3A_630 : memref<128xi32, #tpu.memory_space<vmem>>) semaphore(%arg13 : memref<!tpu.dma_semaphore, #tpu.memory_space<semaphore_mem>>)
    %dma_wait3A_634 = arith.constant 44 : i32
    %dma_wait3A_635 = arith.constant 2 : i32
    %dma_wait3A_636 = arith.constant 0 : i32
    %dma_wait3A_637 = arith.constant 0 : i32
    %dma_wait3A_638 = tpu.memref_slice %arg6[%dma_wait3A_635, %dma_wait3A_636, %dma_wait3A_637] : memref<7x128x128xf32, #tpu.memory_space<vmem>> -> memref<1x128x128xf32, #tpu.memory_space<vmem>>
    %dma_wait3A_639 = tpu.memref_squeeze %dma_wait3A_638 : memref<1x128x128xf32, #tpu.memory_space<vmem>> -> memref<128x128xf32, #tpu.memory_space<vmem>>
    %dma_wait3A_640 = arith.constant 0 : i32
    %dma_wait3A_641 = tpu.memref_slice %arg5[%dma_wait3A_634, %dma_wait3A_640] : memref<50x128xi32, #tpu.memory_space<vmem>> -> memref<1x128xi32, #tpu.memory_space<vmem>>
    %dma_wait3A_642 = tpu.memref_squeeze %dma_wait3A_641 : memref<1x128xi32, #tpu.memory_space<vmem>> -> memref<128xi32, #tpu.memory_space<vmem>>
    %dma_wait3A_643 = arith.constant 0 : i32
    %dma_wait3A_644 = arith.constant 0 : i32
    %dma_wait3A_645 = tpu.memref_slice %arg3[%dma_wait3A_643, %dma_wait3A_644] : memref<100000x128xf32, #tpu.memory_space<hbm>> -> memref<100000x128xf32, #tpu.memory_space<hbm>>
    tpu.wait_indirect_dma semaphore(%arg9 : memref<!tpu.dma_semaphore, #tpu.memory_space<semaphore_mem>>) src(%dma_wait3A_645 : memref<100000x128xf32, #tpu.memory_space<hbm>>) dst(%dma_wait3A_639 : memref<128x128xf32, #tpu.memory_space<vmem>>)
    %dma_start3A_646 = arith.constant 2 : i32
    %dma_start3A_647 = arith.constant 44 : i32
    %dma_start3A_648 = arith.constant 0 : i32
    %dma_start3A_649 = arith.constant 0 : i32
    %dma_start3A_650 = tpu.memref_slice %arg6[%dma_start3A_646, %dma_start3A_648, %dma_start3A_649] : memref<7x128x128xf32, #tpu.memory_space<vmem>> -> memref<1x128x128xf32, #tpu.memory_space<vmem>>
    %dma_start3A_651 = tpu.memref_squeeze %dma_start3A_650 : memref<1x128x128xf32, #tpu.memory_space<vmem>> -> memref<128x128xf32, #tpu.memory_space<vmem>>
    %dma_start3A_652 = arith.constant 0 : i32
    %dma_start3A_653 = arith.constant 0 : i32
    %dma_start3A_654 = tpu.memref_slice %arg4[%dma_start3A_647, %dma_start3A_652, %dma_start3A_653] : memref<50x4096x128xf32, #tpu.memory_space<hbm>> -> memref<1x4096x128xf32, #tpu.memory_space<hbm>>
    %dma_start3A_655 = tpu.memref_squeeze %dma_start3A_654 : memref<1x4096x128xf32, #tpu.memory_space<hbm>> -> memref<4096x128xf32, #tpu.memory_space<hbm>>
    %dma_start3A_656 = arith.constant 0 : i32
    %dma_start3A_657 = tpu.memref_slice %dma_start3A_655[%mul3A_2, %dma_start3A_656] : memref<4096x128xf32, #tpu.memory_space<hbm>> -> memref<128x128xf32, #tpu.memory_space<hbm>>
    %dma_start3A_658 = arith.constant 0 : i32
    %dma_start3A_659 = arith.constant 0 : i32
    %dma_start3A_660 = tpu.memref_slice %arg4[%dma_start3A_647, %dma_start3A_658, %dma_start3A_659] : memref<50x4096x128xf32, #tpu.memory_space<hbm>> -> memref<1x4096x128xf32, #tpu.memory_space<hbm>>
    %dma_start3A_661 = tpu.memref_squeeze %dma_start3A_660 : memref<1x4096x128xf32, #tpu.memory_space<hbm>> -> memref<4096x128xf32, #tpu.memory_space<hbm>>
    %dma_start3A_662 = arith.constant 0 : i32
    %dma_start3A_663 = tpu.memref_slice %dma_start3A_661[%mul3A_2, %dma_start3A_662] : memref<4096x128xf32, #tpu.memory_space<hbm>> -> memref<128x128xf32, #tpu.memory_space<hbm>>
    %dma_start3A_664 = arith.constant 0 : i32
    %dma_start3A_665 = arith.constant 0 : i32
    %dma_start3A_666 = tpu.memref_slice %arg6[%dma_start3A_646, %dma_start3A_664, %dma_start3A_665] : memref<7x128x128xf32, #tpu.memory_space<vmem>> -> memref<1x128x128xf32, #tpu.memory_space<vmem>>
    %dma_start3A_667 = tpu.memref_squeeze %dma_start3A_666 : memref<1x128x128xf32, #tpu.memory_space<vmem>> -> memref<128x128xf32, #tpu.memory_space<vmem>>
    tpu.enqueue_dma source(%dma_start3A_667 : memref<128x128xf32, #tpu.memory_space<vmem>>) target(%dma_start3A_663 : memref<128x128xf32, #tpu.memory_space<hbm>>) target_semaphore(%arg16 : memref<!tpu.dma_semaphore, #tpu.memory_space<semaphore_mem>>)
    %dma_wait3A_668 = arith.constant 0 : i32
    %dma_wait3A_669 = arith.constant 42 : i32
    %dma_wait3A_670 = arith.constant 0 : i32
    %dma_wait3A_671 = arith.constant 0 : i32
    %dma_wait3A_672 = tpu.memref_slice %arg6[%dma_wait3A_668, %dma_wait3A_670, %dma_wait3A_671] : memref<7x128x128xf32, #tpu.memory_space<vmem>> -> memref<1x128x128xf32, #tpu.memory_space<vmem>>
    %dma_wait3A_673 = tpu.memref_squeeze %dma_wait3A_672 : memref<1x128x128xf32, #tpu.memory_space<vmem>> -> memref<128x128xf32, #tpu.memory_space<vmem>>
    %dma_wait3A_674 = arith.constant 0 : i32
    %dma_wait3A_675 = arith.constant 0 : i32
    %dma_wait3A_676 = tpu.memref_slice %arg4[%dma_wait3A_669, %dma_wait3A_674, %dma_wait3A_675] : memref<50x4096x128xf32, #tpu.memory_space<hbm>> -> memref<1x4096x128xf32, #tpu.memory_space<hbm>>
    %dma_wait3A_677 = tpu.memref_squeeze %dma_wait3A_676 : memref<1x4096x128xf32, #tpu.memory_space<hbm>> -> memref<4096x128xf32, #tpu.memory_space<hbm>>
    %dma_wait3A_678 = arith.constant 0 : i32
    %dma_wait3A_679 = tpu.memref_slice %dma_wait3A_677[%mul3A_2, %dma_wait3A_678] : memref<4096x128xf32, #tpu.memory_space<hbm>> -> memref<128x128xf32, #tpu.memory_space<hbm>>
    %dma_wait3A_680 = arith.constant 0 : i32
    %dma_wait3A_681 = arith.constant 0 : i32
    %dma_wait3A_682 = tpu.memref_slice %arg4[%dma_wait3A_669, %dma_wait3A_680, %dma_wait3A_681] : memref<50x4096x128xf32, #tpu.memory_space<hbm>> -> memref<1x4096x128xf32, #tpu.memory_space<hbm>>
    %dma_wait3A_683 = tpu.memref_squeeze %dma_wait3A_682 : memref<1x4096x128xf32, #tpu.memory_space<hbm>> -> memref<4096x128xf32, #tpu.memory_space<hbm>>
    %dma_wait3A_684 = arith.constant 0 : i32
    %dma_wait3A_685 = tpu.memref_slice %dma_wait3A_683[%mul3A_2, %dma_wait3A_684] : memref<4096x128xf32, #tpu.memory_space<hbm>> -> memref<128x128xf32, #tpu.memory_space<hbm>>
    %dma_wait3A_686 = arith.constant 0 : i32
    %dma_wait3A_687 = arith.constant 0 : i32
    %dma_wait3A_688 = tpu.memref_slice %arg6[%dma_wait3A_668, %dma_wait3A_686, %dma_wait3A_687] : memref<7x128x128xf32, #tpu.memory_space<vmem>> -> memref<1x128x128xf32, #tpu.memory_space<vmem>>
    %dma_wait3A_689 = tpu.memref_squeeze %dma_wait3A_688 : memref<1x128x128xf32, #tpu.memory_space<vmem>> -> memref<128x128xf32, #tpu.memory_space<vmem>>
    tpu.wait_dma2 semaphore(%arg14 : memref<!tpu.dma_semaphore, #tpu.memory_space<semaphore_mem>>) src(%dma_wait3A_689 : memref<128x128xf32, #tpu.memory_space<vmem>>) dst(%dma_wait3A_685 : memref<128x128xf32, #tpu.memory_space<hbm>>)
    %dma_start3A_690 = arith.constant 49 : i32
    %dma_start3A_691 = arith.constant 0 : i32
    %dma_start3A_692 = arith.constant 0 : i32
    %dma_start3A_693 = arith.constant 0 : i32
    %dma_start3A_694 = tpu.memref_slice %arg6[%dma_start3A_691, %dma_start3A_692, %dma_start3A_693] : memref<7x128x128xf32, #tpu.memory_space<vmem>> -> memref<1x128x128xf32, #tpu.memory_space<vmem>>
    %dma_start3A_695 = tpu.memref_squeeze %dma_start3A_694 : memref<1x128x128xf32, #tpu.memory_space<vmem>> -> memref<128x128xf32, #tpu.memory_space<vmem>>
    %dma_start3A_696 = arith.constant 0 : i32
    %dma_start3A_697 = tpu.memref_slice %arg5[%dma_start3A_690, %dma_start3A_696] : memref<50x128xi32, #tpu.memory_space<vmem>> -> memref<1x128xi32, #tpu.memory_space<vmem>>
    %dma_start3A_698 = tpu.memref_squeeze %dma_start3A_697 : memref<1x128xi32, #tpu.memory_space<vmem>> -> memref<128xi32, #tpu.memory_space<vmem>>
    %dma_start3A_699 = arith.constant 0 : i32
    %dma_start3A_700 = arith.constant 0 : i32
    %dma_start3A_701 = tpu.memref_slice %arg3[%dma_start3A_699, %dma_start3A_700] : memref<100000x128xf32, #tpu.memory_space<hbm>> -> memref<100000x128xf32, #tpu.memory_space<hbm>>
    tpu.enqueue_indirect_dma source(%dma_start3A_701 : memref<100000x128xf32, #tpu.memory_space<hbm>>) target(%dma_start3A_695 : memref<128x128xf32, #tpu.memory_space<vmem>>) offsets(%dma_start3A_698 : memref<128xi32, #tpu.memory_space<vmem>>) semaphore(%arg7 : memref<!tpu.dma_semaphore, #tpu.memory_space<semaphore_mem>>)
    %dma_wait3A_702 = arith.constant 45 : i32
    %dma_wait3A_703 = arith.constant 3 : i32
    %dma_wait3A_704 = arith.constant 0 : i32
    %dma_wait3A_705 = arith.constant 0 : i32
    %dma_wait3A_706 = tpu.memref_slice %arg6[%dma_wait3A_703, %dma_wait3A_704, %dma_wait3A_705] : memref<7x128x128xf32, #tpu.memory_space<vmem>> -> memref<1x128x128xf32, #tpu.memory_space<vmem>>
    %dma_wait3A_707 = tpu.memref_squeeze %dma_wait3A_706 : memref<1x128x128xf32, #tpu.memory_space<vmem>> -> memref<128x128xf32, #tpu.memory_space<vmem>>
    %dma_wait3A_708 = arith.constant 0 : i32
    %dma_wait3A_709 = tpu.memref_slice %arg5[%dma_wait3A_702, %dma_wait3A_708] : memref<50x128xi32, #tpu.memory_space<vmem>> -> memref<1x128xi32, #tpu.memory_space<vmem>>
    %dma_wait3A_710 = tpu.memref_squeeze %dma_wait3A_709 : memref<1x128xi32, #tpu.memory_space<vmem>> -> memref<128xi32, #tpu.memory_space<vmem>>
    %dma_wait3A_711 = arith.constant 0 : i32
    %dma_wait3A_712 = arith.constant 0 : i32
    %dma_wait3A_713 = tpu.memref_slice %arg3[%dma_wait3A_711, %dma_wait3A_712] : memref<100000x128xf32, #tpu.memory_space<hbm>> -> memref<100000x128xf32, #tpu.memory_space<hbm>>
    tpu.wait_indirect_dma semaphore(%arg10 : memref<!tpu.dma_semaphore, #tpu.memory_space<semaphore_mem>>) src(%dma_wait3A_713 : memref<100000x128xf32, #tpu.memory_space<hbm>>) dst(%dma_wait3A_707 : memref<128x128xf32, #tpu.memory_space<vmem>>)
    %dma_start3A_714 = arith.constant 3 : i32
    %dma_start3A_715 = arith.constant 45 : i32
    %dma_start3A_716 = arith.constant 0 : i32
    %dma_start3A_717 = arith.constant 0 : i32
    %dma_start3A_718 = tpu.memref_slice %arg6[%dma_start3A_714, %dma_start3A_716, %dma_start3A_717] : memref<7x128x128xf32, #tpu.memory_space<vmem>> -> memref<1x128x128xf32, #tpu.memory_space<vmem>>
    %dma_start3A_719 = tpu.memref_squeeze %dma_start3A_718 : memref<1x128x128xf32, #tpu.memory_space<vmem>> -> memref<128x128xf32, #tpu.memory_space<vmem>>
    %dma_start3A_720 = arith.constant 0 : i32
    %dma_start3A_721 = arith.constant 0 : i32
    %dma_start3A_722 = tpu.memref_slice %arg4[%dma_start3A_715, %dma_start3A_720, %dma_start3A_721] : memref<50x4096x128xf32, #tpu.memory_space<hbm>> -> memref<1x4096x128xf32, #tpu.memory_space<hbm>>
    %dma_start3A_723 = tpu.memref_squeeze %dma_start3A_722 : memref<1x4096x128xf32, #tpu.memory_space<hbm>> -> memref<4096x128xf32, #tpu.memory_space<hbm>>
    %dma_start3A_724 = arith.constant 0 : i32
    %dma_start3A_725 = tpu.memref_slice %dma_start3A_723[%mul3A_2, %dma_start3A_724] : memref<4096x128xf32, #tpu.memory_space<hbm>> -> memref<128x128xf32, #tpu.memory_space<hbm>>
    %dma_start3A_726 = arith.constant 0 : i32
    %dma_start3A_727 = arith.constant 0 : i32
    %dma_start3A_728 = tpu.memref_slice %arg4[%dma_start3A_715, %dma_start3A_726, %dma_start3A_727] : memref<50x4096x128xf32, #tpu.memory_space<hbm>> -> memref<1x4096x128xf32, #tpu.memory_space<hbm>>
    %dma_start3A_729 = tpu.memref_squeeze %dma_start3A_728 : memref<1x4096x128xf32, #tpu.memory_space<hbm>> -> memref<4096x128xf32, #tpu.memory_space<hbm>>
    %dma_start3A_730 = arith.constant 0 : i32
    %dma_start3A_731 = tpu.memref_slice %dma_start3A_729[%mul3A_2, %dma_start3A_730] : memref<4096x128xf32, #tpu.memory_space<hbm>> -> memref<128x128xf32, #tpu.memory_space<hbm>>
    %dma_start3A_732 = arith.constant 0 : i32
    %dma_start3A_733 = arith.constant 0 : i32
    %dma_start3A_734 = tpu.memref_slice %arg6[%dma_start3A_714, %dma_start3A_732, %dma_start3A_733] : memref<7x128x128xf32, #tpu.memory_space<vmem>> -> memref<1x128x128xf32, #tpu.memory_space<vmem>>
    %dma_start3A_735 = tpu.memref_squeeze %dma_start3A_734 : memref<1x128x128xf32, #tpu.memory_space<vmem>> -> memref<128x128xf32, #tpu.memory_space<vmem>>
    tpu.enqueue_dma source(%dma_start3A_735 : memref<128x128xf32, #tpu.memory_space<vmem>>) target(%dma_start3A_731 : memref<128x128xf32, #tpu.memory_space<hbm>>) target_semaphore(%arg17 : memref<!tpu.dma_semaphore, #tpu.memory_space<semaphore_mem>>)
    %dma_wait3A_736 = arith.constant 46 : i32
    %dma_wait3A_737 = arith.constant 4 : i32
    %dma_wait3A_738 = arith.constant 0 : i32
    %dma_wait3A_739 = arith.constant 0 : i32
    %dma_wait3A_740 = tpu.memref_slice %arg6[%dma_wait3A_737, %dma_wait3A_738, %dma_wait3A_739] : memref<7x128x128xf32, #tpu.memory_space<vmem>> -> memref<1x128x128xf32, #tpu.memory_space<vmem>>
    %dma_wait3A_741 = tpu.memref_squeeze %dma_wait3A_740 : memref<1x128x128xf32, #tpu.memory_space<vmem>> -> memref<128x128xf32, #tpu.memory_space<vmem>>
    %dma_wait3A_742 = arith.constant 0 : i32
    %dma_wait3A_743 = tpu.memref_slice %arg5[%dma_wait3A_736, %dma_wait3A_742] : memref<50x128xi32, #tpu.memory_space<vmem>> -> memref<1x128xi32, #tpu.memory_space<vmem>>
    %dma_wait3A_744 = tpu.memref_squeeze %dma_wait3A_743 : memref<1x128xi32, #tpu.memory_space<vmem>> -> memref<128xi32, #tpu.memory_space<vmem>>
    %dma_wait3A_745 = arith.constant 0 : i32
    %dma_wait3A_746 = arith.constant 0 : i32
    %dma_wait3A_747 = tpu.memref_slice %arg3[%dma_wait3A_745, %dma_wait3A_746] : memref<100000x128xf32, #tpu.memory_space<hbm>> -> memref<100000x128xf32, #tpu.memory_space<hbm>>
    tpu.wait_indirect_dma semaphore(%arg11 : memref<!tpu.dma_semaphore, #tpu.memory_space<semaphore_mem>>) src(%dma_wait3A_747 : memref<100000x128xf32, #tpu.memory_space<hbm>>) dst(%dma_wait3A_741 : memref<128x128xf32, #tpu.memory_space<vmem>>)
    %dma_start3A_748 = arith.constant 4 : i32
    %dma_start3A_749 = arith.constant 46 : i32
    %dma_start3A_750 = arith.constant 0 : i32
    %dma_start3A_751 = arith.constant 0 : i32
    %dma_start3A_752 = tpu.memref_slice %arg6[%dma_start3A_748, %dma_start3A_750, %dma_start3A_751] : memref<7x128x128xf32, #tpu.memory_space<vmem>> -> memref<1x128x128xf32, #tpu.memory_space<vmem>>
    %dma_start3A_753 = tpu.memref_squeeze %dma_start3A_752 : memref<1x128x128xf32, #tpu.memory_space<vmem>> -> memref<128x128xf32, #tpu.memory_space<vmem>>
    %dma_start3A_754 = arith.constant 0 : i32
    %dma_start3A_755 = arith.constant 0 : i32
    %dma_start3A_756 = tpu.memref_slice %arg4[%dma_start3A_749, %dma_start3A_754, %dma_start3A_755] : memref<50x4096x128xf32, #tpu.memory_space<hbm>> -> memref<1x4096x128xf32, #tpu.memory_space<hbm>>
    %dma_start3A_757 = tpu.memref_squeeze %dma_start3A_756 : memref<1x4096x128xf32, #tpu.memory_space<hbm>> -> memref<4096x128xf32, #tpu.memory_space<hbm>>
    %dma_start3A_758 = arith.constant 0 : i32
    %dma_start3A_759 = tpu.memref_slice %dma_start3A_757[%mul3A_2, %dma_start3A_758] : memref<4096x128xf32, #tpu.memory_space<hbm>> -> memref<128x128xf32, #tpu.memory_space<hbm>>
    %dma_start3A_760 = arith.constant 0 : i32
    %dma_start3A_761 = arith.constant 0 : i32
    %dma_start3A_762 = tpu.memref_slice %arg4[%dma_start3A_749, %dma_start3A_760, %dma_start3A_761] : memref<50x4096x128xf32, #tpu.memory_space<hbm>> -> memref<1x4096x128xf32, #tpu.memory_space<hbm>>
    %dma_start3A_763 = tpu.memref_squeeze %dma_start3A_762 : memref<1x4096x128xf32, #tpu.memory_space<hbm>> -> memref<4096x128xf32, #tpu.memory_space<hbm>>
    %dma_start3A_764 = arith.constant 0 : i32
    %dma_start3A_765 = tpu.memref_slice %dma_start3A_763[%mul3A_2, %dma_start3A_764] : memref<4096x128xf32, #tpu.memory_space<hbm>> -> memref<128x128xf32, #tpu.memory_space<hbm>>
    %dma_start3A_766 = arith.constant 0 : i32
    %dma_start3A_767 = arith.constant 0 : i32
    %dma_start3A_768 = tpu.memref_slice %arg6[%dma_start3A_748, %dma_start3A_766, %dma_start3A_767] : memref<7x128x128xf32, #tpu.memory_space<vmem>> -> memref<1x128x128xf32, #tpu.memory_space<vmem>>
    %dma_start3A_769 = tpu.memref_squeeze %dma_start3A_768 : memref<1x128x128xf32, #tpu.memory_space<vmem>> -> memref<128x128xf32, #tpu.memory_space<vmem>>
    tpu.enqueue_dma source(%dma_start3A_769 : memref<128x128xf32, #tpu.memory_space<vmem>>) target(%dma_start3A_765 : memref<128x128xf32, #tpu.memory_space<hbm>>) target_semaphore(%arg18 : memref<!tpu.dma_semaphore, #tpu.memory_space<semaphore_mem>>)
    %dma_wait3A_770 = arith.constant 47 : i32
    %dma_wait3A_771 = arith.constant 5 : i32
    %dma_wait3A_772 = arith.constant 0 : i32
    %dma_wait3A_773 = arith.constant 0 : i32
    %dma_wait3A_774 = tpu.memref_slice %arg6[%dma_wait3A_771, %dma_wait3A_772, %dma_wait3A_773] : memref<7x128x128xf32, #tpu.memory_space<vmem>> -> memref<1x128x128xf32, #tpu.memory_space<vmem>>
    %dma_wait3A_775 = tpu.memref_squeeze %dma_wait3A_774 : memref<1x128x128xf32, #tpu.memory_space<vmem>> -> memref<128x128xf32, #tpu.memory_space<vmem>>
    %dma_wait3A_776 = arith.constant 0 : i32
    %dma_wait3A_777 = tpu.memref_slice %arg5[%dma_wait3A_770, %dma_wait3A_776] : memref<50x128xi32, #tpu.memory_space<vmem>> -> memref<1x128xi32, #tpu.memory_space<vmem>>
    %dma_wait3A_778 = tpu.memref_squeeze %dma_wait3A_777 : memref<1x128xi32, #tpu.memory_space<vmem>> -> memref<128xi32, #tpu.memory_space<vmem>>
    %dma_wait3A_779 = arith.constant 0 : i32
    %dma_wait3A_780 = arith.constant 0 : i32
    %dma_wait3A_781 = tpu.memref_slice %arg3[%dma_wait3A_779, %dma_wait3A_780] : memref<100000x128xf32, #tpu.memory_space<hbm>> -> memref<100000x128xf32, #tpu.memory_space<hbm>>
    tpu.wait_indirect_dma semaphore(%arg12 : memref<!tpu.dma_semaphore, #tpu.memory_space<semaphore_mem>>) src(%dma_wait3A_781 : memref<100000x128xf32, #tpu.memory_space<hbm>>) dst(%dma_wait3A_775 : memref<128x128xf32, #tpu.memory_space<vmem>>)
    %dma_start3A_782 = arith.constant 5 : i32
    %dma_start3A_783 = arith.constant 47 : i32
    %dma_start3A_784 = arith.constant 0 : i32
    %dma_start3A_785 = arith.constant 0 : i32
    %dma_start3A_786 = tpu.memref_slice %arg6[%dma_start3A_782, %dma_start3A_784, %dma_start3A_785] : memref<7x128x128xf32, #tpu.memory_space<vmem>> -> memref<1x128x128xf32, #tpu.memory_space<vmem>>
    %dma_start3A_787 = tpu.memref_squeeze %dma_start3A_786 : memref<1x128x128xf32, #tpu.memory_space<vmem>> -> memref<128x128xf32, #tpu.memory_space<vmem>>
    %dma_start3A_788 = arith.constant 0 : i32
    %dma_start3A_789 = arith.constant 0 : i32
    %dma_start3A_790 = tpu.memref_slice %arg4[%dma_start3A_783, %dma_start3A_788, %dma_start3A_789] : memref<50x4096x128xf32, #tpu.memory_space<hbm>> -> memref<1x4096x128xf32, #tpu.memory_space<hbm>>
    %dma_start3A_791 = tpu.memref_squeeze %dma_start3A_790 : memref<1x4096x128xf32, #tpu.memory_space<hbm>> -> memref<4096x128xf32, #tpu.memory_space<hbm>>
    %dma_start3A_792 = arith.constant 0 : i32
    %dma_start3A_793 = tpu.memref_slice %dma_start3A_791[%mul3A_2, %dma_start3A_792] : memref<4096x128xf32, #tpu.memory_space<hbm>> -> memref<128x128xf32, #tpu.memory_space<hbm>>
    %dma_start3A_794 = arith.constant 0 : i32
    %dma_start3A_795 = arith.constant 0 : i32
    %dma_start3A_796 = tpu.memref_slice %arg4[%dma_start3A_783, %dma_start3A_794, %dma_start3A_795] : memref<50x4096x128xf32, #tpu.memory_space<hbm>> -> memref<1x4096x128xf32, #tpu.memory_space<hbm>>
    %dma_start3A_797 = tpu.memref_squeeze %dma_start3A_796 : memref<1x4096x128xf32, #tpu.memory_space<hbm>> -> memref<4096x128xf32, #tpu.memory_space<hbm>>
    %dma_start3A_798 = arith.constant 0 : i32
    %dma_start3A_799 = tpu.memref_slice %dma_start3A_797[%mul3A_2, %dma_start3A_798] : memref<4096x128xf32, #tpu.memory_space<hbm>> -> memref<128x128xf32, #tpu.memory_space<hbm>>
    %dma_start3A_800 = arith.constant 0 : i32
    %dma_start3A_801 = arith.constant 0 : i32
    %dma_start3A_802 = tpu.memref_slice %arg6[%dma_start3A_782, %dma_start3A_800, %dma_start3A_801] : memref<7x128x128xf32, #tpu.memory_space<vmem>> -> memref<1x128x128xf32, #tpu.memory_space<vmem>>
    %dma_start3A_803 = tpu.memref_squeeze %dma_start3A_802 : memref<1x128x128xf32, #tpu.memory_space<vmem>> -> memref<128x128xf32, #tpu.memory_space<vmem>>
    tpu.enqueue_dma source(%dma_start3A_803 : memref<128x128xf32, #tpu.memory_space<vmem>>) target(%dma_start3A_799 : memref<128x128xf32, #tpu.memory_space<hbm>>) target_semaphore(%arg19 : memref<!tpu.dma_semaphore, #tpu.memory_space<semaphore_mem>>)
    %dma_wait3A_804 = arith.constant 48 : i32
    %dma_wait3A_805 = arith.constant 6 : i32
    %dma_wait3A_806 = arith.constant 0 : i32
    %dma_wait3A_807 = arith.constant 0 : i32
    %dma_wait3A_808 = tpu.memref_slice %arg6[%dma_wait3A_805, %dma_wait3A_806, %dma_wait3A_807] : memref<7x128x128xf32, #tpu.memory_space<vmem>> -> memref<1x128x128xf32, #tpu.memory_space<vmem>>
    %dma_wait3A_809 = tpu.memref_squeeze %dma_wait3A_808 : memref<1x128x128xf32, #tpu.memory_space<vmem>> -> memref<128x128xf32, #tpu.memory_space<vmem>>
    %dma_wait3A_810 = arith.constant 0 : i32
    %dma_wait3A_811 = tpu.memref_slice %arg5[%dma_wait3A_804, %dma_wait3A_810] : memref<50x128xi32, #tpu.memory_space<vmem>> -> memref<1x128xi32, #tpu.memory_space<vmem>>
    %dma_wait3A_812 = tpu.memref_squeeze %dma_wait3A_811 : memref<1x128xi32, #tpu.memory_space<vmem>> -> memref<128xi32, #tpu.memory_space<vmem>>
    %dma_wait3A_813 = arith.constant 0 : i32
    %dma_wait3A_814 = arith.constant 0 : i32
    %dma_wait3A_815 = tpu.memref_slice %arg3[%dma_wait3A_813, %dma_wait3A_814] : memref<100000x128xf32, #tpu.memory_space<hbm>> -> memref<100000x128xf32, #tpu.memory_space<hbm>>
    tpu.wait_indirect_dma semaphore(%arg13 : memref<!tpu.dma_semaphore, #tpu.memory_space<semaphore_mem>>) src(%dma_wait3A_815 : memref<100000x128xf32, #tpu.memory_space<hbm>>) dst(%dma_wait3A_809 : memref<128x128xf32, #tpu.memory_space<vmem>>)
    %dma_start3A_816 = arith.constant 6 : i32
    %dma_start3A_817 = arith.constant 48 : i32
    %dma_start3A_818 = arith.constant 0 : i32
    %dma_start3A_819 = arith.constant 0 : i32
    %dma_start3A_820 = tpu.memref_slice %arg6[%dma_start3A_816, %dma_start3A_818, %dma_start3A_819] : memref<7x128x128xf32, #tpu.memory_space<vmem>> -> memref<1x128x128xf32, #tpu.memory_space<vmem>>
    %dma_start3A_821 = tpu.memref_squeeze %dma_start3A_820 : memref<1x128x128xf32, #tpu.memory_space<vmem>> -> memref<128x128xf32, #tpu.memory_space<vmem>>
    %dma_start3A_822 = arith.constant 0 : i32
    %dma_start3A_823 = arith.constant 0 : i32
    %dma_start3A_824 = tpu.memref_slice %arg4[%dma_start3A_817, %dma_start3A_822, %dma_start3A_823] : memref<50x4096x128xf32, #tpu.memory_space<hbm>> -> memref<1x4096x128xf32, #tpu.memory_space<hbm>>
    %dma_start3A_825 = tpu.memref_squeeze %dma_start3A_824 : memref<1x4096x128xf32, #tpu.memory_space<hbm>> -> memref<4096x128xf32, #tpu.memory_space<hbm>>
    %dma_start3A_826 = arith.constant 0 : i32
    %dma_start3A_827 = tpu.memref_slice %dma_start3A_825[%mul3A_2, %dma_start3A_826] : memref<4096x128xf32, #tpu.memory_space<hbm>> -> memref<128x128xf32, #tpu.memory_space<hbm>>
    %dma_start3A_828 = arith.constant 0 : i32
    %dma_start3A_829 = arith.constant 0 : i32
    %dma_start3A_830 = tpu.memref_slice %arg4[%dma_start3A_817, %dma_start3A_828, %dma_start3A_829] : memref<50x4096x128xf32, #tpu.memory_space<hbm>> -> memref<1x4096x128xf32, #tpu.memory_space<hbm>>
    %dma_start3A_831 = tpu.memref_squeeze %dma_start3A_830 : memref<1x4096x128xf32, #tpu.memory_space<hbm>> -> memref<4096x128xf32, #tpu.memory_space<hbm>>
    %dma_start3A_832 = arith.constant 0 : i32
    %dma_start3A_833 = tpu.memref_slice %dma_start3A_831[%mul3A_2, %dma_start3A_832] : memref<4096x128xf32, #tpu.memory_space<hbm>> -> memref<128x128xf32, #tpu.memory_space<hbm>>
    %dma_start3A_834 = arith.constant 0 : i32
    %dma_start3A_835 = arith.constant 0 : i32
    %dma_start3A_836 = tpu.memref_slice %arg6[%dma_start3A_816, %dma_start3A_834, %dma_start3A_835] : memref<7x128x128xf32, #tpu.memory_space<vmem>> -> memref<1x128x128xf32, #tpu.memory_space<vmem>>
    %dma_start3A_837 = tpu.memref_squeeze %dma_start3A_836 : memref<1x128x128xf32, #tpu.memory_space<vmem>> -> memref<128x128xf32, #tpu.memory_space<vmem>>
    tpu.enqueue_dma source(%dma_start3A_837 : memref<128x128xf32, #tpu.memory_space<vmem>>) target(%dma_start3A_833 : memref<128x128xf32, #tpu.memory_space<hbm>>) target_semaphore(%arg20 : memref<!tpu.dma_semaphore, #tpu.memory_space<semaphore_mem>>)
    %dma_wait3A_838 = arith.constant 49 : i32
    %dma_wait3A_839 = arith.constant 0 : i32
    %dma_wait3A_840 = arith.constant 0 : i32
    %dma_wait3A_841 = arith.constant 0 : i32
    %dma_wait3A_842 = tpu.memref_slice %arg6[%dma_wait3A_839, %dma_wait3A_840, %dma_wait3A_841] : memref<7x128x128xf32, #tpu.memory_space<vmem>> -> memref<1x128x128xf32, #tpu.memory_space<vmem>>
    %dma_wait3A_843 = tpu.memref_squeeze %dma_wait3A_842 : memref<1x128x128xf32, #tpu.memory_space<vmem>> -> memref<128x128xf32, #tpu.memory_space<vmem>>
    %dma_wait3A_844 = arith.constant 0 : i32
    %dma_wait3A_845 = tpu.memref_slice %arg5[%dma_wait3A_838, %dma_wait3A_844] : memref<50x128xi32, #tpu.memory_space<vmem>> -> memref<1x128xi32, #tpu.memory_space<vmem>>
    %dma_wait3A_846 = tpu.memref_squeeze %dma_wait3A_845 : memref<1x128xi32, #tpu.memory_space<vmem>> -> memref<128xi32, #tpu.memory_space<vmem>>
    %dma_wait3A_847 = arith.constant 0 : i32
    %dma_wait3A_848 = arith.constant 0 : i32
    %dma_wait3A_849 = tpu.memref_slice %arg3[%dma_wait3A_847, %dma_wait3A_848] : memref<100000x128xf32, #tpu.memory_space<hbm>> -> memref<100000x128xf32, #tpu.memory_space<hbm>>
    tpu.wait_indirect_dma semaphore(%arg7 : memref<!tpu.dma_semaphore, #tpu.memory_space<semaphore_mem>>) src(%dma_wait3A_849 : memref<100000x128xf32, #tpu.memory_space<hbm>>) dst(%dma_wait3A_843 : memref<128x128xf32, #tpu.memory_space<vmem>>)
    %dma_start3A_850 = arith.constant 0 : i32
    %dma_start3A_851 = arith.constant 49 : i32
    %dma_start3A_852 = arith.constant 0 : i32
    %dma_start3A_853 = arith.constant 0 : i32
    %dma_start3A_854 = tpu.memref_slice %arg6[%dma_start3A_850, %dma_start3A_852, %dma_start3A_853] : memref<7x128x128xf32, #tpu.memory_space<vmem>> -> memref<1x128x128xf32, #tpu.memory_space<vmem>>
    %dma_start3A_855 = tpu.memref_squeeze %dma_start3A_854 : memref<1x128x128xf32, #tpu.memory_space<vmem>> -> memref<128x128xf32, #tpu.memory_space<vmem>>
    %dma_start3A_856 = arith.constant 0 : i32
    %dma_start3A_857 = arith.constant 0 : i32
    %dma_start3A_858 = tpu.memref_slice %arg4[%dma_start3A_851, %dma_start3A_856, %dma_start3A_857] : memref<50x4096x128xf32, #tpu.memory_space<hbm>> -> memref<1x4096x128xf32, #tpu.memory_space<hbm>>
    %dma_start3A_859 = tpu.memref_squeeze %dma_start3A_858 : memref<1x4096x128xf32, #tpu.memory_space<hbm>> -> memref<4096x128xf32, #tpu.memory_space<hbm>>
    %dma_start3A_860 = arith.constant 0 : i32
    %dma_start3A_861 = tpu.memref_slice %dma_start3A_859[%mul3A_2, %dma_start3A_860] : memref<4096x128xf32, #tpu.memory_space<hbm>> -> memref<128x128xf32, #tpu.memory_space<hbm>>
    %dma_start3A_862 = arith.constant 0 : i32
    %dma_start3A_863 = arith.constant 0 : i32
    %dma_start3A_864 = tpu.memref_slice %arg4[%dma_start3A_851, %dma_start3A_862, %dma_start3A_863] : memref<50x4096x128xf32, #tpu.memory_space<hbm>> -> memref<1x4096x128xf32, #tpu.memory_space<hbm>>
    %dma_start3A_865 = tpu.memref_squeeze %dma_start3A_864 : memref<1x4096x128xf32, #tpu.memory_space<hbm>> -> memref<4096x128xf32, #tpu.memory_space<hbm>>
    %dma_start3A_866 = arith.constant 0 : i32
    %dma_start3A_867 = tpu.memref_slice %dma_start3A_865[%mul3A_2, %dma_start3A_866] : memref<4096x128xf32, #tpu.memory_space<hbm>> -> memref<128x128xf32, #tpu.memory_space<hbm>>
    %dma_start3A_868 = arith.constant 0 : i32
    %dma_start3A_869 = arith.constant 0 : i32
    %dma_start3A_870 = tpu.memref_slice %arg6[%dma_start3A_850, %dma_start3A_868, %dma_start3A_869] : memref<7x128x128xf32, #tpu.memory_space<vmem>> -> memref<1x128x128xf32, #tpu.memory_space<vmem>>
    %dma_start3A_871 = tpu.memref_squeeze %dma_start3A_870 : memref<1x128x128xf32, #tpu.memory_space<vmem>> -> memref<128x128xf32, #tpu.memory_space<vmem>>
    tpu.enqueue_dma source(%dma_start3A_871 : memref<128x128xf32, #tpu.memory_space<vmem>>) target(%dma_start3A_867 : memref<128x128xf32, #tpu.memory_space<hbm>>) target_semaphore(%arg14 : memref<!tpu.dma_semaphore, #tpu.memory_space<semaphore_mem>>)
    %dma_wait3A_872 = arith.constant 1 : i32
    %dma_wait3A_873 = arith.constant 43 : i32
    %dma_wait3A_874 = arith.constant 0 : i32
    %dma_wait3A_875 = arith.constant 0 : i32
    %dma_wait3A_876 = tpu.memref_slice %arg6[%dma_wait3A_872, %dma_wait3A_874, %dma_wait3A_875] : memref<7x128x128xf32, #tpu.memory_space<vmem>> -> memref<1x128x128xf32, #tpu.memory_space<vmem>>
    %dma_wait3A_877 = tpu.memref_squeeze %dma_wait3A_876 : memref<1x128x128xf32, #tpu.memory_space<vmem>> -> memref<128x128xf32, #tpu.memory_space<vmem>>
    %dma_wait3A_878 = arith.constant 0 : i32
    %dma_wait3A_879 = arith.constant 0 : i32
    %dma_wait3A_880 = tpu.memref_slice %arg4[%dma_wait3A_873, %dma_wait3A_878, %dma_wait3A_879] : memref<50x4096x128xf32, #tpu.memory_space<hbm>> -> memref<1x4096x128xf32, #tpu.memory_space<hbm>>
    %dma_wait3A_881 = tpu.memref_squeeze %dma_wait3A_880 : memref<1x4096x128xf32, #tpu.memory_space<hbm>> -> memref<4096x128xf32, #tpu.memory_space<hbm>>
    %dma_wait3A_882 = arith.constant 0 : i32
    %dma_wait3A_883 = tpu.memref_slice %dma_wait3A_881[%mul3A_2, %dma_wait3A_882] : memref<4096x128xf32, #tpu.memory_space<hbm>> -> memref<128x128xf32, #tpu.memory_space<hbm>>
    %dma_wait3A_884 = arith.constant 0 : i32
    %dma_wait3A_885 = arith.constant 0 : i32
    %dma_wait3A_886 = tpu.memref_slice %arg4[%dma_wait3A_873, %dma_wait3A_884, %dma_wait3A_885] : memref<50x4096x128xf32, #tpu.memory_space<hbm>> -> memref<1x4096x128xf32, #tpu.memory_space<hbm>>
    %dma_wait3A_887 = tpu.memref_squeeze %dma_wait3A_886 : memref<1x4096x128xf32, #tpu.memory_space<hbm>> -> memref<4096x128xf32, #tpu.memory_space<hbm>>
    %dma_wait3A_888 = arith.constant 0 : i32
    %dma_wait3A_889 = tpu.memref_slice %dma_wait3A_887[%mul3A_2, %dma_wait3A_888] : memref<4096x128xf32, #tpu.memory_space<hbm>> -> memref<128x128xf32, #tpu.memory_space<hbm>>
    %dma_wait3A_890 = arith.constant 0 : i32
    %dma_wait3A_891 = arith.constant 0 : i32
    %dma_wait3A_892 = tpu.memref_slice %arg6[%dma_wait3A_872, %dma_wait3A_890, %dma_wait3A_891] : memref<7x128x128xf32, #tpu.memory_space<vmem>> -> memref<1x128x128xf32, #tpu.memory_space<vmem>>
    %dma_wait3A_893 = tpu.memref_squeeze %dma_wait3A_892 : memref<1x128x128xf32, #tpu.memory_space<vmem>> -> memref<128x128xf32, #tpu.memory_space<vmem>>
    tpu.wait_dma2 semaphore(%arg15 : memref<!tpu.dma_semaphore, #tpu.memory_space<semaphore_mem>>) src(%dma_wait3A_893 : memref<128x128xf32, #tpu.memory_space<vmem>>) dst(%dma_wait3A_889 : memref<128x128xf32, #tpu.memory_space<hbm>>)
    %dma_wait3A_894 = arith.constant 2 : i32
    %dma_wait3A_895 = arith.constant 44 : i32
    %dma_wait3A_896 = arith.constant 0 : i32
    %dma_wait3A_897 = arith.constant 0 : i32
    %dma_wait3A_898 = tpu.memref_slice %arg6[%dma_wait3A_894, %dma_wait3A_896, %dma_wait3A_897] : memref<7x128x128xf32, #tpu.memory_space<vmem>> -> memref<1x128x128xf32, #tpu.memory_space<vmem>>
    %dma_wait3A_899 = tpu.memref_squeeze %dma_wait3A_898 : memref<1x128x128xf32, #tpu.memory_space<vmem>> -> memref<128x128xf32, #tpu.memory_space<vmem>>
    %dma_wait3A_900 = arith.constant 0 : i32
    %dma_wait3A_901 = arith.constant 0 : i32
    %dma_wait3A_902 = tpu.memref_slice %arg4[%dma_wait3A_895, %dma_wait3A_900, %dma_wait3A_901] : memref<50x4096x128xf32, #tpu.memory_space<hbm>> -> memref<1x4096x128xf32, #tpu.memory_space<hbm>>
    %dma_wait3A_903 = tpu.memref_squeeze %dma_wait3A_902 : memref<1x4096x128xf32, #tpu.memory_space<hbm>> -> memref<4096x128xf32, #tpu.memory_space<hbm>>
    %dma_wait3A_904 = arith.constant 0 : i32
    %dma_wait3A_905 = tpu.memref_slice %dma_wait3A_903[%mul3A_2, %dma_wait3A_904] : memref<4096x128xf32, #tpu.memory_space<hbm>> -> memref<128x128xf32, #tpu.memory_space<hbm>>
    %dma_wait3A_906 = arith.constant 0 : i32
    %dma_wait3A_907 = arith.constant 0 : i32
    %dma_wait3A_908 = tpu.memref_slice %arg4[%dma_wait3A_895, %dma_wait3A_906, %dma_wait3A_907] : memref<50x4096x128xf32, #tpu.memory_space<hbm>> -> memref<1x4096x128xf32, #tpu.memory_space<hbm>>
    %dma_wait3A_909 = tpu.memref_squeeze %dma_wait3A_908 : memref<1x4096x128xf32, #tpu.memory_space<hbm>> -> memref<4096x128xf32, #tpu.memory_space<hbm>>
    %dma_wait3A_910 = arith.constant 0 : i32
    %dma_wait3A_911 = tpu.memref_slice %dma_wait3A_909[%mul3A_2, %dma_wait3A_910] : memref<4096x128xf32, #tpu.memory_space<hbm>> -> memref<128x128xf32, #tpu.memory_space<hbm>>
    %dma_wait3A_912 = arith.constant 0 : i32
    %dma_wait3A_913 = arith.constant 0 : i32
    %dma_wait3A_914 = tpu.memref_slice %arg6[%dma_wait3A_894, %dma_wait3A_912, %dma_wait3A_913] : memref<7x128x128xf32, #tpu.memory_space<vmem>> -> memref<1x128x128xf32, #tpu.memory_space<vmem>>
    %dma_wait3A_915 = tpu.memref_squeeze %dma_wait3A_914 : memref<1x128x128xf32, #tpu.memory_space<vmem>> -> memref<128x128xf32, #tpu.memory_space<vmem>>
    tpu.wait_dma2 semaphore(%arg16 : memref<!tpu.dma_semaphore, #tpu.memory_space<semaphore_mem>>) src(%dma_wait3A_915 : memref<128x128xf32, #tpu.memory_space<vmem>>) dst(%dma_wait3A_911 : memref<128x128xf32, #tpu.memory_space<hbm>>)
    %dma_wait3A_916 = arith.constant 3 : i32
    %dma_wait3A_917 = arith.constant 45 : i32
    %dma_wait3A_918 = arith.constant 0 : i32
    %dma_wait3A_919 = arith.constant 0 : i32
    %dma_wait3A_920 = tpu.memref_slice %arg6[%dma_wait3A_916, %dma_wait3A_918, %dma_wait3A_919] : memref<7x128x128xf32, #tpu.memory_space<vmem>> -> memref<1x128x128xf32, #tpu.memory_space<vmem>>
    %dma_wait3A_921 = tpu.memref_squeeze %dma_wait3A_920 : memref<1x128x128xf32, #tpu.memory_space<vmem>> -> memref<128x128xf32, #tpu.memory_space<vmem>>
    %dma_wait3A_922 = arith.constant 0 : i32
    %dma_wait3A_923 = arith.constant 0 : i32
    %dma_wait3A_924 = tpu.memref_slice %arg4[%dma_wait3A_917, %dma_wait3A_922, %dma_wait3A_923] : memref<50x4096x128xf32, #tpu.memory_space<hbm>> -> memref<1x4096x128xf32, #tpu.memory_space<hbm>>
    %dma_wait3A_925 = tpu.memref_squeeze %dma_wait3A_924 : memref<1x4096x128xf32, #tpu.memory_space<hbm>> -> memref<4096x128xf32, #tpu.memory_space<hbm>>
    %dma_wait3A_926 = arith.constant 0 : i32
    %dma_wait3A_927 = tpu.memref_slice %dma_wait3A_925[%mul3A_2, %dma_wait3A_926] : memref<4096x128xf32, #tpu.memory_space<hbm>> -> memref<128x128xf32, #tpu.memory_space<hbm>>
    %dma_wait3A_928 = arith.constant 0 : i32
    %dma_wait3A_929 = arith.constant 0 : i32
    %dma_wait3A_930 = tpu.memref_slice %arg4[%dma_wait3A_917, %dma_wait3A_928, %dma_wait3A_929] : memref<50x4096x128xf32, #tpu.memory_space<hbm>> -> memref<1x4096x128xf32, #tpu.memory_space<hbm>>
    %dma_wait3A_931 = tpu.memref_squeeze %dma_wait3A_930 : memref<1x4096x128xf32, #tpu.memory_space<hbm>> -> memref<4096x128xf32, #tpu.memory_space<hbm>>
    %dma_wait3A_932 = arith.constant 0 : i32
    %dma_wait3A_933 = tpu.memref_slice %dma_wait3A_931[%mul3A_2, %dma_wait3A_932] : memref<4096x128xf32, #tpu.memory_space<hbm>> -> memref<128x128xf32, #tpu.memory_space<hbm>>
    %dma_wait3A_934 = arith.constant 0 : i32
    %dma_wait3A_935 = arith.constant 0 : i32
    %dma_wait3A_936 = tpu.memref_slice %arg6[%dma_wait3A_916, %dma_wait3A_934, %dma_wait3A_935] : memref<7x128x128xf32, #tpu.memory_space<vmem>> -> memref<1x128x128xf32, #tpu.memory_space<vmem>>
    %dma_wait3A_937 = tpu.memref_squeeze %dma_wait3A_936 : memref<1x128x128xf32, #tpu.memory_space<vmem>> -> memref<128x128xf32, #tpu.memory_space<vmem>>
    tpu.wait_dma2 semaphore(%arg17 : memref<!tpu.dma_semaphore, #tpu.memory_space<semaphore_mem>>) src(%dma_wait3A_937 : memref<128x128xf32, #tpu.memory_space<vmem>>) dst(%dma_wait3A_933 : memref<128x128xf32, #tpu.memory_space<hbm>>)
    %dma_wait3A_938 = arith.constant 4 : i32
    %dma_wait3A_939 = arith.constant 46 : i32
    %dma_wait3A_940 = arith.constant 0 : i32
    %dma_wait3A_941 = arith.constant 0 : i32
    %dma_wait3A_942 = tpu.memref_slice %arg6[%dma_wait3A_938, %dma_wait3A_940, %dma_wait3A_941] : memref<7x128x128xf32, #tpu.memory_space<vmem>> -> memref<1x128x128xf32, #tpu.memory_space<vmem>>
    %dma_wait3A_943 = tpu.memref_squeeze %dma_wait3A_942 : memref<1x128x128xf32, #tpu.memory_space<vmem>> -> memref<128x128xf32, #tpu.memory_space<vmem>>
    %dma_wait3A_944 = arith.constant 0 : i32
    %dma_wait3A_945 = arith.constant 0 : i32
    %dma_wait3A_946 = tpu.memref_slice %arg4[%dma_wait3A_939, %dma_wait3A_944, %dma_wait3A_945] : memref<50x4096x128xf32, #tpu.memory_space<hbm>> -> memref<1x4096x128xf32, #tpu.memory_space<hbm>>
    %dma_wait3A_947 = tpu.memref_squeeze %dma_wait3A_946 : memref<1x4096x128xf32, #tpu.memory_space<hbm>> -> memref<4096x128xf32, #tpu.memory_space<hbm>>
    %dma_wait3A_948 = arith.constant 0 : i32
    %dma_wait3A_949 = tpu.memref_slice %dma_wait3A_947[%mul3A_2, %dma_wait3A_948] : memref<4096x128xf32, #tpu.memory_space<hbm>> -> memref<128x128xf32, #tpu.memory_space<hbm>>
    %dma_wait3A_950 = arith.constant 0 : i32
    %dma_wait3A_951 = arith.constant 0 : i32
    %dma_wait3A_952 = tpu.memref_slice %arg4[%dma_wait3A_939, %dma_wait3A_950, %dma_wait3A_951] : memref<50x4096x128xf32, #tpu.memory_space<hbm>> -> memref<1x4096x128xf32, #tpu.memory_space<hbm>>
    %dma_wait3A_953 = tpu.memref_squeeze %dma_wait3A_952 : memref<1x4096x128xf32, #tpu.memory_space<hbm>> -> memref<4096x128xf32, #tpu.memory_space<hbm>>
    %dma_wait3A_954 = arith.constant 0 : i32
    %dma_wait3A_955 = tpu.memref_slice %dma_wait3A_953[%mul3A_2, %dma_wait3A_954] : memref<4096x128xf32, #tpu.memory_space<hbm>> -> memref<128x128xf32, #tpu.memory_space<hbm>>
    %dma_wait3A_956 = arith.constant 0 : i32
    %dma_wait3A_957 = arith.constant 0 : i32
    %dma_wait3A_958 = tpu.memref_slice %arg6[%dma_wait3A_938, %dma_wait3A_956, %dma_wait3A_957] : memref<7x128x128xf32, #tpu.memory_space<vmem>> -> memref<1x128x128xf32, #tpu.memory_space<vmem>>
    %dma_wait3A_959 = tpu.memref_squeeze %dma_wait3A_958 : memref<1x128x128xf32, #tpu.memory_space<vmem>> -> memref<128x128xf32, #tpu.memory_space<vmem>>
    tpu.wait_dma2 semaphore(%arg18 : memref<!tpu.dma_semaphore, #tpu.memory_space<semaphore_mem>>) src(%dma_wait3A_959 : memref<128x128xf32, #tpu.memory_space<vmem>>) dst(%dma_wait3A_955 : memref<128x128xf32, #tpu.memory_space<hbm>>)
    %dma_wait3A_960 = arith.constant 5 : i32
    %dma_wait3A_961 = arith.constant 47 : i32
    %dma_wait3A_962 = arith.constant 0 : i32
    %dma_wait3A_963 = arith.constant 0 : i32
    %dma_wait3A_964 = tpu.memref_slice %arg6[%dma_wait3A_960, %dma_wait3A_962, %dma_wait3A_963] : memref<7x128x128xf32, #tpu.memory_space<vmem>> -> memref<1x128x128xf32, #tpu.memory_space<vmem>>
    %dma_wait3A_965 = tpu.memref_squeeze %dma_wait3A_964 : memref<1x128x128xf32, #tpu.memory_space<vmem>> -> memref<128x128xf32, #tpu.memory_space<vmem>>
    %dma_wait3A_966 = arith.constant 0 : i32
    %dma_wait3A_967 = arith.constant 0 : i32
    %dma_wait3A_968 = tpu.memref_slice %arg4[%dma_wait3A_961, %dma_wait3A_966, %dma_wait3A_967] : memref<50x4096x128xf32, #tpu.memory_space<hbm>> -> memref<1x4096x128xf32, #tpu.memory_space<hbm>>
    %dma_wait3A_969 = tpu.memref_squeeze %dma_wait3A_968 : memref<1x4096x128xf32, #tpu.memory_space<hbm>> -> memref<4096x128xf32, #tpu.memory_space<hbm>>
    %dma_wait3A_970 = arith.constant 0 : i32
    %dma_wait3A_971 = tpu.memref_slice %dma_wait3A_969[%mul3A_2, %dma_wait3A_970] : memref<4096x128xf32, #tpu.memory_space<hbm>> -> memref<128x128xf32, #tpu.memory_space<hbm>>
    %dma_wait3A_972 = arith.constant 0 : i32
    %dma_wait3A_973 = arith.constant 0 : i32
    %dma_wait3A_974 = tpu.memref_slice %arg4[%dma_wait3A_961, %dma_wait3A_972, %dma_wait3A_973] : memref<50x4096x128xf32, #tpu.memory_space<hbm>> -> memref<1x4096x128xf32, #tpu.memory_space<hbm>>
    %dma_wait3A_975 = tpu.memref_squeeze %dma_wait3A_974 : memref<1x4096x128xf32, #tpu.memory_space<hbm>> -> memref<4096x128xf32, #tpu.memory_space<hbm>>
    %dma_wait3A_976 = arith.constant 0 : i32
    %dma_wait3A_977 = tpu.memref_slice %dma_wait3A_975[%mul3A_2, %dma_wait3A_976] : memref<4096x128xf32, #tpu.memory_space<hbm>> -> memref<128x128xf32, #tpu.memory_space<hbm>>
    %dma_wait3A_978 = arith.constant 0 : i32
    %dma_wait3A_979 = arith.constant 0 : i32
    %dma_wait3A_980 = tpu.memref_slice %arg6[%dma_wait3A_960, %dma_wait3A_978, %dma_wait3A_979] : memref<7x128x128xf32, #tpu.memory_space<vmem>> -> memref<1x128x128xf32, #tpu.memory_space<vmem>>
    %dma_wait3A_981 = tpu.memref_squeeze %dma_wait3A_980 : memref<1x128x128xf32, #tpu.memory_space<vmem>> -> memref<128x128xf32, #tpu.memory_space<vmem>>
    tpu.wait_dma2 semaphore(%arg19 : memref<!tpu.dma_semaphore, #tpu.memory_space<semaphore_mem>>) src(%dma_wait3A_981 : memref<128x128xf32, #tpu.memory_space<vmem>>) dst(%dma_wait3A_977 : memref<128x128xf32, #tpu.memory_space<hbm>>)
    %dma_wait3A_982 = arith.constant 6 : i32
    %dma_wait3A_983 = arith.constant 48 : i32
    %dma_wait3A_984 = arith.constant 0 : i32
    %dma_wait3A_985 = arith.constant 0 : i32
    %dma_wait3A_986 = tpu.memref_slice %arg6[%dma_wait3A_982, %dma_wait3A_984, %dma_wait3A_985] : memref<7x128x128xf32, #tpu.memory_space<vmem>> -> memref<1x128x128xf32, #tpu.memory_space<vmem>>
    %dma_wait3A_987 = tpu.memref_squeeze %dma_wait3A_986 : memref<1x128x128xf32, #tpu.memory_space<vmem>> -> memref<128x128xf32, #tpu.memory_space<vmem>>
    %dma_wait3A_988 = arith.constant 0 : i32
    %dma_wait3A_989 = arith.constant 0 : i32
    %dma_wait3A_990 = tpu.memref_slice %arg4[%dma_wait3A_983, %dma_wait3A_988, %dma_wait3A_989] : memref<50x4096x128xf32, #tpu.memory_space<hbm>> -> memref<1x4096x128xf32, #tpu.memory_space<hbm>>
    %dma_wait3A_991 = tpu.memref_squeeze %dma_wait3A_990 : memref<1x4096x128xf32, #tpu.memory_space<hbm>> -> memref<4096x128xf32, #tpu.memory_space<hbm>>
    %dma_wait3A_992 = arith.constant 0 : i32
    %dma_wait3A_993 = tpu.memref_slice %dma_wait3A_991[%mul3A_2, %dma_wait3A_992] : memref<4096x128xf32, #tpu.memory_space<hbm>> -> memref<128x128xf32, #tpu.memory_space<hbm>>
    %dma_wait3A_994 = arith.constant 0 : i32
    %dma_wait3A_995 = arith.constant 0 : i32
    %dma_wait3A_996 = tpu.memref_slice %arg4[%dma_wait3A_983, %dma_wait3A_994, %dma_wait3A_995] : memref<50x4096x128xf32, #tpu.memory_space<hbm>> -> memref<1x4096x128xf32, #tpu.memory_space<hbm>>
    %dma_wait3A_997 = tpu.memref_squeeze %dma_wait3A_996 : memref<1x4096x128xf32, #tpu.memory_space<hbm>> -> memref<4096x128xf32, #tpu.memory_space<hbm>>
    %dma_wait3A_998 = arith.constant 0 : i32
    %dma_wait3A_999 = tpu.memref_slice %dma_wait3A_997[%mul3A_2, %dma_wait3A_998] : memref<4096x128xf32, #tpu.memory_space<hbm>> -> memref<128x128xf32, #tpu.memory_space<hbm>>
    %dma_wait3A_1000 = arith.constant 0 : i32
    %dma_wait3A_1001 = arith.constant 0 : i32
    %dma_wait3A_1002 = tpu.memref_slice %arg6[%dma_wait3A_982, %dma_wait3A_1000, %dma_wait3A_1001] : memref<7x128x128xf32, #tpu.memory_space<vmem>> -> memref<1x128x128xf32, #tpu.memory_space<vmem>>
    %dma_wait3A_1003 = tpu.memref_squeeze %dma_wait3A_1002 : memref<1x128x128xf32, #tpu.memory_space<vmem>> -> memref<128x128xf32, #tpu.memory_space<vmem>>
    tpu.wait_dma2 semaphore(%arg20 : memref<!tpu.dma_semaphore, #tpu.memory_space<semaphore_mem>>) src(%dma_wait3A_1003 : memref<128x128xf32, #tpu.memory_space<vmem>>) dst(%dma_wait3A_999 : memref<128x128xf32, #tpu.memory_space<hbm>>)
    %dma_wait3A_1004 = arith.constant 0 : i32
    %dma_wait3A_1005 = arith.constant 49 : i32
    %dma_wait3A_1006 = arith.constant 0 : i32
    %dma_wait3A_1007 = arith.constant 0 : i32
    %dma_wait3A_1008 = tpu.memref_slice %arg6[%dma_wait3A_1004, %dma_wait3A_1006, %dma_wait3A_1007] : memref<7x128x128xf32, #tpu.memory_space<vmem>> -> memref<1x128x128xf32, #tpu.memory_space<vmem>>
    %dma_wait3A_1009 = tpu.memref_squeeze %dma_wait3A_1008 : memref<1x128x128xf32, #tpu.memory_space<vmem>> -> memref<128x128xf32, #tpu.memory_space<vmem>>
    %dma_wait3A_1010 = arith.constant 0 : i32
    %dma_wait3A_1011 = arith.constant 0 : i32
    %dma_wait3A_1012 = tpu.memref_slice %arg4[%dma_wait3A_1005, %dma_wait3A_1010, %dma_wait3A_1011] : memref<50x4096x128xf32, #tpu.memory_space<hbm>> -> memref<1x4096x128xf32, #tpu.memory_space<hbm>>
    %dma_wait3A_1013 = tpu.memref_squeeze %dma_wait3A_1012 : memref<1x4096x128xf32, #tpu.memory_space<hbm>> -> memref<4096x128xf32, #tpu.memory_space<hbm>>
    %dma_wait3A_1014 = arith.constant 0 : i32
    %dma_wait3A_1015 = tpu.memref_slice %dma_wait3A_1013[%mul3A_2, %dma_wait3A_1014] : memref<4096x128xf32, #tpu.memory_space<hbm>> -> memref<128x128xf32, #tpu.memory_space<hbm>>
    %dma_wait3A_1016 = arith.constant 0 : i32
    %dma_wait3A_1017 = arith.constant 0 : i32
    %dma_wait3A_1018 = tpu.memref_slice %arg4[%dma_wait3A_1005, %dma_wait3A_1016, %dma_wait3A_1017] : memref<50x4096x128xf32, #tpu.memory_space<hbm>> -> memref<1x4096x128xf32, #tpu.memory_space<hbm>>
    %dma_wait3A_1019 = tpu.memref_squeeze %dma_wait3A_1018 : memref<1x4096x128xf32, #tpu.memory_space<hbm>> -> memref<4096x128xf32, #tpu.memory_space<hbm>>
    %dma_wait3A_1020 = arith.constant 0 : i32
    %dma_wait3A_1021 = tpu.memref_slice %dma_wait3A_1019[%mul3A_2, %dma_wait3A_1020] : memref<4096x128xf32, #tpu.memory_space<hbm>> -> memref<128x128xf32, #tpu.memory_space<hbm>>
    %dma_wait3A_1022 = arith.constant 0 : i32
    %dma_wait3A_1023 = arith.constant 0 : i32
    %dma_wait3A_1024 = tpu.memref_slice %arg6[%dma_wait3A_1004, %dma_wait3A_1022, %dma_wait3A_1023] : memref<7x128x128xf32, #tpu.memory_space<vmem>> -> memref<1x128x128xf32, #tpu.memory_space<vmem>>
    %dma_wait3A_1025 = tpu.memref_squeeze %dma_wait3A_1024 : memref<1x128x128xf32, #tpu.memory_space<vmem>> -> memref<128x128xf32, #tpu.memory_space<vmem>>
    tpu.wait_dma2 semaphore(%arg14 : memref<!tpu.dma_semaphore, #tpu.memory_space<semaphore_mem>>) src(%dma_wait3A_1025 : memref<128x128xf32, #tpu.memory_space<vmem>>) dst(%dma_wait3A_1021 : memref<128x128xf32, #tpu.memory_space<hbm>>)
    return
  }
}

</mosaic_0001>

<sc_bundles>
// kernel: kernel.3.cloned.1.call-start
scs
__scs_entry_jumppad:
0x0: {  	(pc) =	sbr.rel $0x88, $3  }
0x1: {  	(tag) =	ssettag $0x0;
	lr =	simm.s32 $0x1  }
0x2: {  	[smem:$0x3F9F] =	sst lr;
	_ =	strace $0xD0000000  }
0x3: {  	_ = 	snop  }
0x4: {  	_ = 	snop  }
0x5: {  	_ = 	snop  }
0x6: {  	_ = 	snop  }
0x7: {  	_ = 	snop  }
__scs_overlays_trampoline_lowered:
0x8: {  	[smem:$0x3FAE] =	sst s0  }
0x9: {  	[smem:$0x3FAF] =	sst s1  }
0xa: {  	[smem:$0x3FB0] =	sst s2  }
0xb: {  	[smem:$0x3FB1] =	sst s3  }
0xc: {  	[smem:$0x3FB2] =	sst s4  }
0xd: {  	[smem:$0x3FB3] =	sst s5  }
0xe: {  	[smem:$0x3FB4] =	sst s6  }
0xf: {  	[smem:$0x3FB5] =	sst s7  }
0x10: {  	[smem:$0x3FB6] =	sst s8  }
0x11: {  	[smem:$0x3FB7] =	sst s9;
	s0 =	simm.s32 @!p0 $0x0  }
0x12: {  	s1 =	sld [smem:$0x3F9D];
	s0 =	simm.s32 @p0 $0x1  }
0x13: {  	[smem:$0x3FB8] =	sst s0;
	s0 =	simm.s32 @!p1 $0x0  }
0x14: {  	s2 =	sld [smem:$0x3F9C];
	s0 =	simm.s32 @p1 $0x1  }
0x15: {  	[smem:$0x3FB9] =	sst s0;
	s0 =	simm.s32 @!p2 $0x0  }
0x16: {  	s3 =	sld [smem:$0x3FDB];
	s0 =	simm.s32 @p2 $0x1  }
0x17: {  	s4 =	simm.s32 $0x1BF5;
	[smem:$0x3FBB] =	sst s0  }
0x18: {  	s0 =	sld [smem:$0x3F9E];
	_ =	swait.ge [sflag:s4], $0x0  }
0x19: {  	s7 =	sld [smem:$0x3F9F]  }
0x1a: {  	s8 =	sadd.s32 $0xFFFFE003, lr  }
0x1b: {  	s9 =	sadd.s32 $0xFFFFFEF7, lr;
	s5 =	simm.s32 $0xFFFFFFFF;
	p2 =	slt.u32 s8, $0xFFFFF086  }
0x1c: {  	p1 =	slt.u32 s9, $0xF7A;
	s5 =	simm.s32 @!p2 $0x0  }
0x1d: {  	s5 =	simm.s32 @p1 $0x1;
	p0 =	seq.s32 s7, s2  }
0x1e: {  	s7 =	smul.u32 @!p0 $0xF7A, s2;
	p2 =	seq.s32 @!p0 s5, $0x0  }
0x1f: {  	s9 =	smul.u32 $0xF7A, s1;
	s8 =	simm.s32 @!p0 $0x1BF5;
	p2 =	por !p2, p0  }
0x20: {  	[sflag:s8] =	ssyncset.s32 @!p0 $0xFFFFF086;
	s6 =	sadd.s32 @!p0 s3, s7;
	s7 =	simm.s32 @!p0 $0x108  }
0x21: {  	s3 =	sadd.s32 s3, s9;
	s6 =	sadd.s32 @!p0 $0x88, s6;
	s7 =	simm.s32 @p2 $0x1082  }
0x22: {  	[simem:s7], [sflag:s8] =	dma.local @!p0 [hbm:s6], $0xF7A  }
0x23: {  	s9 =	sor.u32 $0xD0000000, s2;
	s6 =	simm.s32 $0x108;
	_ =	swait.ge @!p0 [sflag:s8], $0x0  }
0x24: {  	s3 =	sadd.s32 $0x88, s3;
	s6 =	simm.s32 @!p1 $0x1082;
	[sflag:s4] =	ssyncset.s32 $0xFFFFF086  }
0x25: {  	[simem:s6], [sflag:s4] =	dma.local [hbm:s3], $0xF7A  }
0x26: {  	[smem:$0x3F9F] =	sst s1;
	(tag) =	ssettag s2;
	_ =	strace s9  }
0x27: {  	s1 =	sld [smem:$0x3FAF]  }
0x28: {  	s2 =	sld [smem:$0x3FB0]  }
0x29: {  	s4 =	sld [smem:$0x3FB2]  }
0x2a: {  	p0 =	seq.s32 s5, $0x0;
	s5 =	sld [smem:$0x3FB3]  }
0x2b: {  	s6 =	sld [smem:$0x3FB4]  }
0x2c: {  	s7 =	sld [smem:$0x3FB5]  }
0x2d: {  	s3 =	simm.s32 $0x108;
	s8 =	sld [smem:$0x3FB6]  }
0x2e: {  	s3 =	simm.s32 @!p0 $0x1082;
	s9 =	sld [smem:$0x3FB7]  }
0x2f: {  	lr =	sadd.s32 s0, s3;
	s0 =	sld [smem:$0x3FAE]  }
0x30: {  	s3 =	sld [smem:$0x3FB1]  }
0x31: {  	[smem:$0x3FBA] =	sst s10  }
0x32: {  	s10 =	sld [smem:$0x3FB8];
	_ =	sdelay $0x3  }
0x33: {  	p0 =	seq.s32 s10, $0x1;
	s10 =	sld [smem:$0x3FBA];
	_ =	sdelay $0x3  }
0x34: {  	[smem:$0x3FBA] =	sst s10  }
0x35: {  	s10 =	sld [smem:$0x3FB9];
	_ =	sdelay $0x3  }
0x36: {  	p1 =	seq.s32 s10, $0x1;
	s10 =	sld [smem:$0x3FBA];
	_ =	sdelay $0x3  }
0x37: {  	[smem:$0x3FBA] =	sst s10  }
0x38: {  	s10 =	sld [smem:$0x3FBB]  }
0x39: {  	_ = 	snop;
	(pc) =	sbr.ind lr, $3  }
0x3a: {  	_ = 	snop  }
0x3b: {  	_ = 	snop  }
0x3c: {  	p2 =	seq.s32 s10, $0x1;
	s10 =	sld [smem:$0x3FBA]  }
0x3d: {  	_ =	shalt  }
0x3e: {  	_ =	shalt  }
0x3f: {  	_ =	shalt  }
0x40: {  	_ =	shalt  }
0x41: {  	_ =	shalt  }
0x42: {  	_ =	shalt  }
0x43: {  	_ =	shalt  }
0x44: {  	_ =	shalt  }
0x45: {  	_ =	shalt  }
0x46: {  	_ =	shalt  }
0x47: {  	_ =	shalt  }
0x48: {  	_ =	shalt  }
0x49: {  	_ =	shalt  }
0x4a: {  	_ =	shalt  }
0x4b: {  	_ =	shalt  }
0x4c: {  	_ =	shalt  }
0x4d: {  	_ =	shalt  }
0x4e: {  	_ =	shalt  }
0x4f: {  	_ =	shalt  }
0x50: {  	_ =	shalt  }
0x51: {  	_ =	shalt  }
0x52: {  	_ =	shalt  }
0x53: {  	_ =	shalt  }
0x54: {  	_ =	shalt  }
0x55: {  	_ =	shalt  }
0x56: {  	_ =	shalt  }
0x57: {  	_ =	shalt  }
0x58: {  	_ =	shalt  }
0x59: {  	_ =	shalt  }
0x5a: {  	_ =	shalt  }
0x5b: {  	_ =	shalt  }
0x5c: {  	_ =	shalt  }
0x5d: {  	_ =	shalt  }
0x5e: {  	_ =	shalt  }
0x5f: {  	_ =	shalt  }
0x60: {  	_ =	shalt  }
0x61: {  	_ =	shalt  }
0x62: {  	_ =	shalt  }
0x63: {  	_ =	shalt  }
0x64: {  	_ =	shalt  }
0x65: {  	_ =	shalt  }
0x66: {  	_ =	shalt  }
0x67: {  	_ =	shalt  }
0x68: {  	_ =	shalt  }
0x69: {  	_ =	shalt  }
0x6a: {  	_ =	shalt  }
0x6b: {  	_ =	shalt  }
0x6c: {  	_ =	shalt  }
0x6d: {  	_ =	shalt  }
0x6e: {  	_ =	shalt  }
0x6f: {  	_ =	shalt  }
0x70: {  	_ =	shalt  }
0x71: {  	_ =	shalt  }
0x72: {  	_ =	shalt  }
0x73: {  	_ =	shalt  }
0x74: {  	_ =	shalt  }
0x75: {  	_ =	shalt  }
0x76: {  	_ =	shalt  }
0x77: {  	_ =	shalt  }
0x78: {  	_ =	shalt  }
0x79: {  	_ =	shalt  }
0x7a: {  	_ =	shalt  }
0x7b: {  	_ =	shalt  }
0x7c: {  	_ =	shalt  }
0x7d: {  	_ =	shalt  }
0x7e: {  	_ =	shalt  }
0x7f: {  	_ =	shalt  }
0x80: {  	_ =	shalt  }
0x81: {  	_ =	shalt  }
0x82: {  	_ =	shalt  }
0x83: {  	_ =	shalt  }
0x84: {  	_ =	shalt  }
0x85: {  	_ =	shalt  }
0x86: {  	_ =	shalt  }
0x87: {  	_ =	shalt  }
.Lfunc_end0:
.L_simem_size_0:
called_computation_lowered:
.L_overlay_start_0:
0x88: {  	s2 =	sld [smem:$0x3FD9]  }
0x89: {  	s3 =	sld [smem:$0x3FFE];
	_ =	sdelay $0x1  }
0x8a: {  	s1 =	srdreg.scid  }
0x8b: {  	s0 =	sand.u32 $0x1, s1  }
0x8c: {  	s18 =	sshll.u32 s0, $0xA;
	s2 =	sadd.s32 s3, s2  }
0x8d: {  	s2 =	sadd.s32 s2, s18  }
0x8e: {  	[smem:$0x3FC6] =	sst s2  }
0x8f: {  	_ = 	snop  }
0x90: {  	s2 =	sld [smem:$0x3FC9]  }
0x91: {  	s19 =	sld [smem:$0x3FC8]  }
0x92: {  	s4 =	sld [smem:$0x3FD0];
	(tm) =	ssettm $0x1  }
0x93: {  	s5 =	sld [smem:$0x3FFB];
	_ =	sdelay $0x3  }
0x94: {  	_ =	strace s5  }
0x95: {  	s5 =	sld [smem:$0x3FFC];
	_ =	sdelay $0x3  }
0x96: {  	_ =	strace s5  }
0x97: {  	s5 =	sld [smem:$0x3FFD];
	_ =	sdelay $0x3  }
0x98: {  	_ =	strace s5  }
0x99: {  	_ =	strace $0x8FFFFFFF  }
0x9a: {  	s20 =	sld [smem:$0x3FDB];
	_ =	sdelay $0x1  }
0x9b: {  	s6 =	simm.s32 $_scs_section_size  }
0x9c: {  	s7 =	simm.s32 $_size__tile_overlayer_lowered;
	s8 =	simm.s32 $_tile_overlayer_lowered  }
0x9d: {  	s23 =	simm.s32 $0x1BFF;
	s22 =	sshll.u32 s8, $0x1;
	s5 =	sadd.s32 s6, s20  }
0x9e: {  	s9 =	simm.s32 $0x0;
	s21 =	sshll.u32 s7, $0x1;
	s7 =	sadd.s32 s22, s5  }
0x9f: {  	[timem:s9], [sflag:s23] =	dma.local [hbm:s7], s21  }
0xa0: {  	_ =	swait.ge [sflag:s23], s21  }
0xa1: {  	s6 =	ssub.s32 $0x0, s21;
	[sflag:s23] =	ssyncset.done $0x0  }
0xa2: {  	[sflag:s23] =	ssyncadd.s32 s6;
	_ =	sdelay $0x1  }
0xa3: {  	s24 =	simm.s32 $0x1B8B  }
0xa4: {  	_ =	swait.ge [sflag:s24], $0x1  }
0xa5: {  	[sflag:s24] =	ssyncset.done $0x0  }
0xa6: {  	s25 =	simm.s32 $0x1B8E;
	[sflag:s24] =	ssyncadd.s32 $0xFFFFFFFF  }
0xa7: {  	s26 =	simm.s32 $execute0_lowered;
	[smem:$0x3FD2] =	sst s25  }
0xa8: {  	s6 =	sshll.u32 s26, $0x1;
	_ =	strace $0x80000046;
	[dreg:$0x1] =	wrdreg $0xFFFFFFFF  }
0xa9: {  	s28 =	simm.s32 $_size_execute0_lowered;
	s5 =	sadd.s32 s5, s6;
	[dreg:$0x0] =	wrdreg $0x0  }
0xaa: {  	s6 =	sshll.u32 s28, $0x1;
	[dreg:$0x2] =	wrdreg s5  }
0xab: {  	[dreg:$0x3] =	wrdreg s6  }
0xac: {  	[dreg:$0x4] =	wrdreg $0xC0  }
0xad: {  	_ =	task [dreg:s9], $0x5FFFF  }
0xae: {  	[dreg:$0x1] =	wrdreg $0xFFFFFFFF  }
0xaf: {  	[dreg:$0x0] =	wrdreg $0x60  }
0xb0: {  	[dreg:$0x2] =	wrdreg s2  }
0xb1: {  	[dreg:$0x3] =	wrdreg s19  }
0xb2: {  	[dreg:$0x4] =	wrdreg s4  }
0xb3: {  	[dreg:$0x5] =	wrdreg $0x9  }
0xb4: {  	_ =	task.clear_ibuf [dreg:s9], $0x6FFFF;
	_ =	strace $0x90000046  }
0xb5: {  	s29 =	simm.s32 $0x9;
	_ =	strace $0x80000048  }
0xb6: {  	_ =	swait.ge [sflag:s29], $0x1  }
0xb7: {  	[sflag:s29] =	ssyncadd.s32 $0xFFFFFFFF  }
0xb8: {  	_ =	strace $0x90000048  }
0xb9: {  	_ =	sfence  }
0xba: {  	s30 =	sld [smem:$0x0];
	_ =	sdelay $0x2  }
0xbb: {  	s31 =	sshll.u32 s1, $0xD;
	s1 =	sshrl.u32 s1, $0x2  }
0xbc: {  	s3 =	sand.u32 $0x4000, s31;
	s1 =	sadd.s32 s1, s30  }
0xbd: {  	s0 =	sor.u32 s3, s0;
	s1 =	sshll.u32 s1, $0x11  }
0xbe: {  	s0 =	sor.u32 s1, s0  }
0xbf: {  	s0 =	sadd.s32 $0x8F2B, s0  }
0xc0: {  	[sflag:s0] =	ssyncadd.remote.s32 $0x1  }
0xc1: {  	_ =	sfence.sel $0xFFFF  }
0xc2: {  	[dreg:$0x0] =	wrdreg $0xFFFFFFFF;
	(pc) =	sbr.abs _section_cstart, $3  }
0xc3: {  	[dreg:$0x1] =	wrdreg $0xFFFFFFFF  }
0xc4: {  	_ =	task.clear_ibuf [dreg:s9], $0x2FFFF;
	_ =	strace $0x9FFFFFFF  }
0xc5: {  	(tm) =	ssettm $0x7FFFFFFF  }
tec
execute0_lowered:
.L_overlay_start_1:
0x0: {  	(tag) =	ssettag $0x1  }
0x1: {  	s0 =	rddreg [dreg:$0x0]  }
0x2: {  	s2 =	rddreg [dreg:$0x1];
	s3 =	srdreg.scid  }
0x3: {  	s1 =	rddreg [dreg:$0x2];
	s6 =	stileid.u32;
	s4 =	sand.u32 $0x1, s3  }
0x4: {  	s3 =	simm.s32 $0x0;
	s6 =	sshll.u32 s6, $0x7;
	s25 =	sadd.s32 $0x10000, s1  }
0x5: {  	s26 =	sadd.s32 $0x20000, s1;
	s28 =	sadd.s32 $0x30000, s1;
	s8 =	sadd.s32 $0x40000, s1  }
0x6: {  	s10 =	sadd.s32 $0x50000, s1;
	s11 =	sadd.s32 $0x60000, s1;
	s12 =	sadd.s32 $0x2A0000, s1  }
0x7: {  	s13 =	sadd.s32 $0x2B0000, s1;
	s14 =	sadd.s32 $0x2C0000, s1;
	s15 =	sadd.s32 $0x2D0000, s1  }
0x8: {  	s16 =	sadd.s32 $0x2E0000, s1;
	s17 =	sadd.s32 $0x2F0000, s1;
	s5 =	sshll.u32 s4, $0xB  }
0x9: {  	[smem:$0x7FF] =	sst s3;
	s4 =	ssub.s32 $0x2, s4;
	s5 =	sor.u32 s6, s5  }
0xa: {  	_ =	strace $0x80000047;
	s21 =	sshrl.u32 s4, $0x1;
	s7 =	sadd.s32 s0, s5  }
0xb: {  	s6 =	sshll.u32 s5, $0x4;
	[dreg:$0x4] =	wrdreg s7;
	s23 =	sadd.s32 $0x6000, s7  }
0xc: {  	s22 =	ssub.s32 s4, s21;
	s24 =	sadd.s32 s1, s6;
	[dreg:$0x5] =	wrdreg s23  }
0xd: {  	s18 =	sadd.s32 $0x300000, s1;
	s0 =	smax.u32 s22, $0x1;
	[dreg:$0x6] =	wrdreg s24  }
0xe: {  	s19 =	sadd.s32 $0x310000, s1;
	s1 =	sadd.s32 $0xD0000, s1;
	[dreg:$0x7] =	wrdreg s0  }
0xf: {  	s4 =	sadd.s32 s6, s25;
	[dreg:$0x8] =	wrdreg s1  }
0x10: {  	s29 =	simm.s32 $0x80;
	s5 =	sadd.s32 s6, s26;
	[dreg:$0x9] =	wrdreg s4  }
0x11: {  	s30 =	simm.s32 $0x1C00;
	s7 =	sadd.s32 s6, s28;
	[dreg:$0xa] =	wrdreg s5  }
0x12: {  	s31 =	simm.s32 $0x5C00;
	s9 =	sadd.s32 s6, s8;
	[dreg:$0xb] =	wrdreg s7  }
0x13: {  	s10 =	sadd.s32 s6, s10;
	s11 =	sadd.s32 s6, s11;
	[dreg:$0xc] =	wrdreg s9  }
0x14: {  	s20 =	sadd.s32 s6, s12;
	s21 =	sadd.s32 s6, s13;
	[dreg:$0xd] =	wrdreg s10  }
0x15: {  	s22 =	sadd.s32 s6, s14;
	s25 =	sadd.s32 s6, s17;
	[dreg:$0xe] =	wrdreg s11  }
0x16: {  	s26 =	sadd.s32 s6, s18;
	s28 =	sadd.s32 s6, s19;
	[dreg:$0xf] =	wrdreg s20  }
0x17: {  	s8 =	simm.s32 $0x3;
	s12 =	simm.s32 $0x8;
	[dreg:$0x10] =	wrdreg s21  }
0x18: {  	s13 =	simm.s32 $0x4;
	s14 =	simm.s32 $0x9;
	[dreg:$0x11] =	wrdreg s22  }
0x19: {  	s17 =	simm.s32 $0x6;
	s18 =	simm.s32 $0xB;
	[dreg:$0x14] =	wrdreg s25  }
0x1a: {  	s19 =	simm.s32 $0x7;
	s23 =	sadd.s32 s6, s15;
	[dreg:$0x15] =	wrdreg s26  }
0x1b: {  	s24 =	sadd.s32 s6, s16;
	[dreg:$0x16] =	wrdreg s28;
	s25 =	simm.s32 $0x1800  }
0x1c: {  	s1 =	simm.s32 $0x9C00;
	s0 =	simm.s32 $0xDC00;
	s11 =	simm.s32 $0x11C00  }
0x1d: {  	s5 =	simm.s32 $0x1;
	s7 =	simm.s32 $0x15C00;
	s4 =	simm.s32 $0x2  }
0x1e: {  	s10 =	simm.s32 $0x19C00;
	s15 =	simm.s32 $0x5;
	s16 =	simm.s32 $0xA  }
0x1f: {  	s26 =	simm.s32 $0xC;
	s20 =	simm.s32 $0xD;
	[dreg:$0x12] =	wrdreg s23  }
0x20: {  	s21 =	simm.s32 $0xE;
	s22 =	simm.s32 $0x0;
	[dreg:$0x13] =	wrdreg s24  }
.LBB2_1:
0x21: {  	s9 =	rddreg [dreg:$0x4];
	s23 =	simm.s32 $0x400;
	s24 =	simm.s32 $0x8000  }
0x22: {  	[tilespmem:s3], [sflag:$0xF] =	stream.strided.gather [hbm4b:s9+s23], $0x1800, s24, s23, $0x38;
	[tilespmem:$0x1DC00] =	vst v63  }
0x23: {  	s24 =	rddreg [dreg:$0x5]  }
0x24: {  	[tilespmem:s25], [sflag:$0xF] =	stream.linear.gather [hbm4b:s24+s3], $0x100, $0x38;
	[tilespmem:$0x1DC00] =	vst v63  }
0x25: {  	s25 =	simm.s32 $0xF  }
0x26: {  	_ =	swait.ge [sflag:s25], $0x1900  }
0x27: {  	[sflag:s25] =	ssyncset.done $0x0  }
0x28: {  	[sflag:s25] =	ssyncadd.s32 $0xFFFFE700  }
0x29: {  	[tilespmem:s30], [sflag:$0x1] =	stream.indirect.gather [hbm4b:s2+s29], $0x80, s3, s29, $0xb8;
	[tilespmem:$0x1DC00] =	vst v63  }
0x2a: {  	_ = 	snop  }
0x2b: {  	[tilespmem:s31], [sflag:$0x2] =	stream.indirect.gather [hbm4b:s2+s29], $0x80, s29, s29, $0xb8;
	[tilespmem:$0x1DC00] =	vst v63  }
0x2c: {  	s28 =	simm.s32 $0x100  }
0x2d: {  	[tilespmem:s1], [sflag:$0x3] =	stream.indirect.gather [hbm4b:s2+s29], $0x80, s28, s29, $0xb8;
	[tilespmem:$0x1DC00] =	vst v63  }
0x2e: {  	s24 =	simm.s32 $0x180  }
0x2f: {  	[tilespmem:s0], [sflag:$0x4] =	stream.indirect.gather [hbm4b:s2+s29], $0x80, s24, s29, $0xb8;
	[tilespmem:$0x1DC00] =	vst v63  }
0x30: {  	s25 =	simm.s32 $0x200  }
0x31: {  	[tilespmem:s11], [sflag:$0x5] =	stream.indirect.gather [hbm4b:s2+s29], $0x80, s25, s29, $0xb8;
	[tilespmem:$0x1DC00] =	vst v63  }
0x32: {  	_ =	swait.ge [sflag:s5], $0x4000  }
0x33: {  	[sflag:s5] =	ssyncset.done $0x0  }
0x34: {  	s28 =	rddreg [dreg:$0x6];
	[sflag:s5] =	ssyncadd.s32 $0xFFFFC000  }
0x35: {  	[hbm4b:s28+s3] =	stream.linear.scatter [tilespmem:s30], [sflag:$0x8], $0x4000, $0x38;
	[tilespmem:$0x1DC00] =	vst v63  }
0x36: {  	s24 =	simm.s32 $0x280  }
0x37: {  	[tilespmem:s7], [sflag:$0x6] =	stream.indirect.gather [hbm4b:s2+s29], $0x80, s24, s29, $0xb8;
	[tilespmem:$0x1DC00] =	vst v63  }
0x38: {  	_ =	swait.ge [sflag:s4], $0x4000  }
0x39: {  	[sflag:s4] =	ssyncset.done $0x0  }
0x3a: {  	s25 =	rddreg [dreg:$0x9];
	[sflag:s4] =	ssyncadd.s32 $0xFFFFC000  }
0x3b: {  	[hbm4b:s25+s3] =	stream.linear.scatter [tilespmem:s31], [sflag:$0x9], $0x4000, $0x38;
	[tilespmem:$0x1DC00] =	vst v63  }
0x3c: {  	s28 =	simm.s32 $0x300  }
0x3d: {  	[tilespmem:s10], [sflag:$0x7] =	stream.indirect.gather [hbm4b:s2+s29], $0x80, s28, s29, $0xb8;
	[tilespmem:$0x1DC00] =	vst v63  }
0x3e: {  	_ =	swait.ge [sflag:s8], $0x4000  }
0x3f: {  	[sflag:s8] =	ssyncset.done $0x0  }
0x40: {  	s24 =	rddreg [dreg:$0xa];
	[sflag:s8] =	ssyncadd.s32 $0xFFFFC000  }
0x41: {  	[hbm4b:s24+s3] =	stream.linear.scatter [tilespmem:s1], [sflag:$0xA], $0x4000, $0x38;
	[tilespmem:$0x1DC00] =	vst v63  }
0x42: {  	_ =	swait.ge [sflag:s12], $0x4000  }
0x43: {  	[sflag:s12] =	ssyncset.done $0x0  }
0x44: {  	s25 =	simm.s32 $0x380;
	[sflag:s12] =	ssyncadd.s32 $0xFFFFC000  }
0x45: {  	[tilespmem:s30], [sflag:$0x1] =	stream.indirect.gather [hbm4b:s2+s29], $0x80, s25, s29, $0xb8;
	[tilespmem:$0x1DC00] =	vst v63  }
0x46: {  	_ =	swait.ge [sflag:s13], $0x4000  }
0x47: {  	[sflag:s13] =	ssyncset.done $0x0  }
0x48: {  	s28 =	rddreg [dreg:$0xb];
	[sflag:s13] =	ssyncadd.s32 $0xFFFFC000  }
0x49: {  	[hbm4b:s28+s3] =	stream.linear.scatter [tilespmem:s0], [sflag:$0xB], $0x4000, $0x38;
	[tilespmem:$0x1DC00] =	vst v63  }
0x4a: {  	_ =	swait.ge [sflag:s14], $0x4000  }
0x4b: {  	[sflag:s14] =	ssyncset.done $0x0  }
0x4c: {  	[sflag:s14] =	ssyncadd.s32 $0xFFFFC000  }
0x4d: {  	[tilespmem:s31], [sflag:$0x2] =	stream.indirect.gather [hbm4b:s2+s29], $0x80, s23, s29, $0xb8;
	[tilespmem:$0x1DC00] =	vst v63  }
0x4e: {  	_ =	swait.ge [sflag:s15], $0x4000  }
0x4f: {  	[sflag:s15] =	ssyncset.done $0x0  }
0x50: {  	s23 =	rddreg [dreg:$0xc];
	[sflag:s15] =	ssyncadd.s32 $0xFFFFC000  }
0x51: {  	[hbm4b:s23+s3] =	stream.linear.scatter [tilespmem:s11], [sflag:$0xC], $0x4000, $0x38;
	[tilespmem:$0x1DC00] =	vst v63  }
0x52: {  	_ =	swait.ge [sflag:s16], $0x4000  }
0x53: {  	[sflag:s16] =	ssyncset.done $0x0  }
0x54: {  	s24 =	simm.s32 $0x480;
	[sflag:s16] =	ssyncadd.s32 $0xFFFFC000  }
0x55: {  	[tilespmem:s1], [sflag:$0x3] =	stream.indirect.gather [hbm4b:s2+s29], $0x80, s24, s29, $0xb8;
	[tilespmem:$0x1DC00] =	vst v63  }
0x56: {  	_ =	swait.ge [sflag:s17], $0x4000  }
0x57: {  	[sflag:s17] =	ssyncset.done $0x0  }
0x58: {  	s25 =	rddreg [dreg:$0xd];
	[sflag:s17] =	ssyncadd.s32 $0xFFFFC000  }
0x59: {  	[hbm4b:s25+s3] =	stream.linear.scatter [tilespmem:s7], [sflag:$0xD], $0x4000, $0x38;
	[tilespmem:$0x1DC00] =	vst v63  }
0x5a: {  	_ =	swait.ge [sflag:s18], $0x4000  }
0x5b: {  	[sflag:s18] =	ssyncset.done $0x0  }
0x5c: {  	s28 =	simm.s32 $0x500;
	[sflag:s18] =	ssyncadd.s32 $0xFFFFC000  }
0x5d: {  	[tilespmem:s0], [sflag:$0x4] =	stream.indirect.gather [hbm4b:s2+s29], $0x80, s28, s29, $0xb8;
	[tilespmem:$0x1DC00] =	vst v63  }
0x5e: {  	_ =	swait.ge [sflag:s19], $0x4000  }
0x5f: {  	[sflag:s19] =	ssyncset.done $0x0  }
0x60: {  	s23 =	rddreg [dreg:$0xe];
	[sflag:s19] =	ssyncadd.s32 $0xFFFFC000  }
0x61: {  	[hbm4b:s23+s3] =	stream.linear.scatter [tilespmem:s10], [sflag:$0xE], $0x4000, $0x38;
	[tilespmem:$0x1DC00] =	vst v63  }
0x62: {  	_ =	swait.ge [sflag:s26], $0x4000  }
0x63: {  	[sflag:s26] =	ssyncset.done $0x0  }
0x64: {  	s24 =	simm.s32 $0x580;
	[sflag:s26] =	ssyncadd.s32 $0xFFFFC000  }
0x65: {  	[tilespmem:s11], [sflag:$0x5] =	stream.indirect.gather [hbm4b:s2+s29], $0x80, s24, s29, $0xb8;
	[tilespmem:$0x1DC00] =	vst v63  }
0x66: {  	_ =	swait.ge [sflag:s5], $0x4000  }
0x67: {  	s9 =	rddreg [dreg:$0x8]  }
0x68: {  	[sflag:s5] =	ssyncset.done $0x0;
	s23 =	sadd.s32 s6, s9  }
0x69: {  	[sflag:s5] =	ssyncadd.s32 $0xFFFFC000;
	s25 =	sadd.s32 $0xFFFA0000, s23  }
0x6a: {  	[hbm4b:s25+s3] =	stream.linear.scatter [tilespmem:s30], [sflag:$0x8], $0x4000, $0x38;
	[tilespmem:$0x1DC00] =	vst v63  }
0x6b: {  	_ =	swait.ge [sflag:s20], $0x4000  }
0x6c: {  	[sflag:s20] =	ssyncset.done $0x0  }
0x6d: {  	s28 =	simm.s32 $0x600;
	[sflag:s20] =	ssyncadd.s32 $0xFFFFC000  }
0x6e: {  	[tilespmem:s7], [sflag:$0x6] =	stream.indirect.gather [hbm4b:s2+s29], $0x80, s28, s29, $0xb8;
	[tilespmem:$0x1DC00] =	vst v63  }
0x6f: {  	_ =	swait.ge [sflag:s4], $0x4000  }
0x70: {  	[sflag:s4] =	ssyncset.done $0x0  }
0x71: {  	s25 =	sadd.s32 $0xFFFB0000, s23;
	[sflag:s4] =	ssyncadd.s32 $0xFFFFC000  }
0x72: {  	[hbm4b:s25+s3] =	stream.linear.scatter [tilespmem:s31], [sflag:$0x9], $0x4000, $0x38;
	[tilespmem:$0x1DC00] =	vst v63  }
0x73: {  	_ =	swait.ge [sflag:s21], $0x4000  }
0x74: {  	[sflag:s21] =	ssyncset.done $0x0  }
0x75: {  	s28 =	simm.s32 $0x680;
	[sflag:s21] =	ssyncadd.s32 $0xFFFFC000  }
0x76: {  	[tilespmem:s10], [sflag:$0x7] =	stream.indirect.gather [hbm4b:s2+s29], $0x80, s28, s29, $0xb8;
	[tilespmem:$0x1DC00] =	vst v63  }
0x77: {  	_ =	swait.ge [sflag:s8], $0x4000  }
0x78: {  	[sflag:s8] =	ssyncset.done $0x0  }
0x79: {  	s25 =	sadd.s32 $0xFFFC0000, s23;
	[sflag:s8] =	ssyncadd.s32 $0xFFFFC000  }
0x7a: {  	[hbm4b:s25+s3] =	stream.linear.scatter [tilespmem:s1], [sflag:$0xA], $0x4000, $0x38;
	[tilespmem:$0x1DC00] =	vst v63  }
0x7b: {  	_ =	swait.ge [sflag:s12], $0x4000  }
0x7c: {  	[sflag:s12] =	ssyncset.done $0x0  }
0x7d: {  	s28 =	simm.s32 $0x700;
	[sflag:s12] =	ssyncadd.s32 $0xFFFFC000  }
0x7e: {  	[tilespmem:s30], [sflag:$0x1] =	stream.indirect.gather [hbm4b:s2+s29], $0x80, s28, s29, $0xb8;
	[tilespmem:$0x1DC00] =	vst v63  }
0x7f: {  	_ =	swait.ge [sflag:s13], $0x4000  }
0x80: {  	[sflag:s13] =	ssyncset.done $0x0  }
0x81: {  	s25 =	sadd.s32 $0xFFFD0000, s23;
	[sflag:s13] =	ssyncadd.s32 $0xFFFFC000  }
0x82: {  	[hbm4b:s25+s3] =	stream.linear.scatter [tilespmem:s0], [sflag:$0xB], $0x4000, $0x38;
	[tilespmem:$0x1DC00] =	vst v63  }
0x83: {  	_ =	swait.ge [sflag:s14], $0x4000  }
0x84: {  	[sflag:s14] =	ssyncset.done $0x0  }
0x85: {  	s28 =	simm.s32 $0x780;
	[sflag:s14] =	ssyncadd.s32 $0xFFFFC000  }
0x86: {  	[tilespmem:s31], [sflag:$0x2] =	stream.indirect.gather [hbm4b:s2+s29], $0x80, s28, s29, $0xb8;
	[tilespmem:$0x1DC00] =	vst v63  }
0x87: {  	_ =	swait.ge [sflag:s15], $0x4000  }
0x88: {  	[sflag:s15] =	ssyncset.done $0x0  }
0x89: {  	s25 =	sadd.s32 $0xFFFE0000, s23;
	[sflag:s15] =	ssyncadd.s32 $0xFFFFC000  }
0x8a: {  	[hbm4b:s25+s3] =	stream.linear.scatter [tilespmem:s11], [sflag:$0xC], $0x4000, $0x38;
	[tilespmem:$0x1DC00] =	vst v63  }
0x8b: {  	_ =	swait.ge [sflag:s16], $0x4000  }
0x8c: {  	[sflag:s16] =	ssyncset.done $0x0  }
0x8d: {  	s28 =	simm.s32 $0x800;
	[sflag:s16] =	ssyncadd.s32 $0xFFFFC000  }
0x8e: {  	[tilespmem:s1], [sflag:$0x3] =	stream.indirect.gather [hbm4b:s2+s29], $0x80, s28, s29, $0xb8;
	[tilespmem:$0x1DC00] =	vst v63  }
0x8f: {  	_ =	swait.ge [sflag:s17], $0x4000  }
0x90: {  	[sflag:s17] =	ssyncset.done $0x0  }
0x91: {  	s25 =	sadd.s32 $0xFFFF0000, s23;
	[sflag:s17] =	ssyncadd.s32 $0xFFFFC000  }
0x92: {  	[hbm4b:s25+s3] =	stream.linear.scatter [tilespmem:s7], [sflag:$0xD], $0x4000, $0x38;
	[tilespmem:$0x1DC00] =	vst v63  }
0x93: {  	_ =	swait.ge [sflag:s18], $0x4000  }
0x94: {  	[sflag:s18] =	ssyncset.done $0x0  }
0x95: {  	s28 =	simm.s32 $0x880;
	[sflag:s18] =	ssyncadd.s32 $0xFFFFC000  }
0x96: {  	[tilespmem:s0], [sflag:$0x4] =	stream.indirect.gather [hbm4b:s2+s29], $0x80, s28, s29, $0xb8;
	[tilespmem:$0x1DC00] =	vst v63  }
0x97: {  	_ =	swait.ge [sflag:s19], $0x4000  }
0x98: {  	[sflag:s19] =	ssyncset.done $0x0  }
0x99: {  	s24 =	simm.s32 $0xE00;
	s25 =	sadd.s32 $0x70000, s9;
	[sflag:s19] =	ssyncadd.s32 $0xFFFFC000  }
.LBB2_2:
0x9a: {  	[hbm4b:s23+s3] =	stream.linear.scatter [tilespmem:s10], [sflag:$0xE], $0x4000, $0x38;
	[tilespmem:$0x1DC00] =	vst v63  }
0x9b: {  	s23 =	smov.u32 s24  }
0x9c: {  	p0 =	sne.s32 s24, $0x3800;
	s24 =	sadd.s32 $0xE00, s24;
	_ =	swait.ge [sflag:s26], $0x4000  }
0x9d: {  	s28 =	sshra.s32 s23, $0x2;
	[sflag:s26] =	ssyncset.done $0x0  }
0x9e: {  	s23 =	sadd.s32 $0x580, s28;
	[sflag:s26] =	ssyncadd.s32 $0xFFFFC000  }
0x9f: {  	[tilespmem:s11], [sflag:$0x5] =	stream.indirect.gather [hbm4b:s2+s29], $0x80, s23, s29, $0xb8;
	[tilespmem:$0x1DC00] =	vst v63  }
0xa0: {  	_ =	swait.ge [sflag:s5], $0x4000  }
0xa1: {  	s23 =	sadd.s32 s6, s25;
	[sflag:s5] =	ssyncset.done $0x0  }
0xa2: {  	s9 =	sadd.s32 $0xFFFA0000, s23;
	[sflag:s5] =	ssyncadd.s32 $0xFFFFC000  }
0xa3: {  	[hbm4b:s9+s3] =	stream.linear.scatter [tilespmem:s30], [sflag:$0x8], $0x4000, $0x38;
	[tilespmem:$0x1DC00] =	vst v63  }
0xa4: {  	_ =	swait.ge [sflag:s20], $0x4000  }
0xa5: {  	[sflag:s20] =	ssyncset.done $0x0  }
0xa6: {  	s9 =	sadd.s32 $0x600, s28;
	[sflag:s20] =	ssyncadd.s32 $0xFFFFC000  }
0xa7: {  	[tilespmem:s7], [sflag:$0x6] =	stream.indirect.gather [hbm4b:s2+s29], $0x80, s9, s29, $0xb8;
	[tilespmem:$0x1DC00] =	vst v63  }
0xa8: {  	_ =	swait.ge [sflag:s4], $0x4000  }
0xa9: {  	[sflag:s4] =	ssyncset.done $0x0  }
0xaa: {  	s9 =	sadd.s32 $0xFFFB0000, s23;
	[sflag:s4] =	ssyncadd.s32 $0xFFFFC000  }
0xab: {  	[hbm4b:s9+s3] =	stream.linear.scatter [tilespmem:s31], [sflag:$0x9], $0x4000, $0x38;
	[tilespmem:$0x1DC00] =	vst v63  }
0xac: {  	_ =	swait.ge [sflag:s21], $0x4000  }
0xad: {  	[sflag:s21] =	ssyncset.done $0x0  }
0xae: {  	s9 =	sadd.s32 $0x680, s28;
	[sflag:s21] =	ssyncadd.s32 $0xFFFFC000  }
0xaf: {  	[tilespmem:s10], [sflag:$0x7] =	stream.indirect.gather [hbm4b:s2+s29], $0x80, s9, s29, $0xb8;
	[tilespmem:$0x1DC00] =	vst v63  }
0xb0: {  	_ =	swait.ge [sflag:s8], $0x4000  }
0xb1: {  	[sflag:s8] =	ssyncset.done $0x0  }
0xb2: {  	s9 =	sadd.s32 $0xFFFC0000, s23;
	[sflag:s8] =	ssyncadd.s32 $0xFFFFC000  }
0xb3: {  	[hbm4b:s9+s3] =	stream.linear.scatter [tilespmem:s1], [sflag:$0xA], $0x4000, $0x38;
	[tilespmem:$0x1DC00] =	vst v63  }
0xb4: {  	_ =	swait.ge [sflag:s12], $0x4000  }
0xb5: {  	[sflag:s12] =	ssyncset.done $0x0  }
0xb6: {  	s9 =	sadd.s32 $0x700, s28;
	[sflag:s12] =	ssyncadd.s32 $0xFFFFC000  }
0xb7: {  	[tilespmem:s30], [sflag:$0x1] =	stream.indirect.gather [hbm4b:s2+s29], $0x80, s9, s29, $0xb8;
	[tilespmem:$0x1DC00] =	vst v63  }
0xb8: {  	_ =	swait.ge [sflag:s13], $0x4000  }
0xb9: {  	[sflag:s13] =	ssyncset.done $0x0  }
0xba: {  	s9 =	sadd.s32 $0xFFFD0000, s23;
	[sflag:s13] =	ssyncadd.s32 $0xFFFFC000  }
0xbb: {  	[hbm4b:s9+s3] =	stream.linear.scatter [tilespmem:s0], [sflag:$0xB], $0x4000, $0x38;
	[tilespmem:$0x1DC00] =	vst v63  }
0xbc: {  	_ =	swait.ge [sflag:s14], $0x4000  }
0xbd: {  	[sflag:s14] =	ssyncset.done $0x0  }
0xbe: {  	s9 =	sadd.s32 $0x780, s28;
	[sflag:s14] =	ssyncadd.s32 $0xFFFFC000  }
0xbf: {  	[tilespmem:s31], [sflag:$0x2] =	stream.indirect.gather [hbm4b:s2+s29], $0x80, s9, s29, $0xb8;
	[tilespmem:$0x1DC00] =	vst v63  }
0xc0: {  	_ =	swait.ge [sflag:s15], $0x4000  }
0xc1: {  	[sflag:s15] =	ssyncset.done $0x0  }
0xc2: {  	s9 =	sadd.s32 $0xFFFE0000, s23;
	[sflag:s15] =	ssyncadd.s32 $0xFFFFC000  }
0xc3: {  	[hbm4b:s9+s3] =	stream.linear.scatter [tilespmem:s11], [sflag:$0xC], $0x4000, $0x38;
	[tilespmem:$0x1DC00] =	vst v63  }
0xc4: {  	_ =	swait.ge [sflag:s16], $0x4000  }
0xc5: {  	[sflag:s16] =	ssyncset.done $0x0  }
0xc6: {  	s9 =	sadd.s32 $0x800, s28;
	[sflag:s16] =	ssyncadd.s32 $0xFFFFC000  }
0xc7: {  	[tilespmem:s1], [sflag:$0x3] =	stream.indirect.gather [hbm4b:s2+s29], $0x80, s9, s29, $0xb8;
	[tilespmem:$0x1DC00] =	vst v63  }
0xc8: {  	_ =	swait.ge [sflag:s17], $0x4000  }
0xc9: {  	[sflag:s17] =	ssyncset.done $0x0  }
0xca: {  	s9 =	sadd.s32 $0xFFFF0000, s23;
	[sflag:s17] =	ssyncadd.s32 $0xFFFFC000  }
0xcb: {  	[hbm4b:s9+s3] =	stream.linear.scatter [tilespmem:s7], [sflag:$0xD], $0x4000, $0x38;
	[tilespmem:$0x1DC00] =	vst v63  }
0xcc: {  	_ =	swait.ge [sflag:s18], $0x4000  }
0xcd: {  	[sflag:s18] =	ssyncset.done $0x0  }
.Ltmp0:
0xce: {  	s9 =	sadd.s32 $0x880, s28;
	[sflag:s18] =	ssyncadd.s32 $0xFFFFC000;
	(pc) =	sbr.rel @p0 .LBB2_2-.Ltmp0, $4  }
0xcf: {  	[tilespmem:s0], [sflag:$0x4] =	stream.indirect.gather [hbm4b:s2+s29], $0x80, s9, s29, $0xb8;
	[tilespmem:$0x1DC00] =	vst v63  }
0xd0: {  	_ =	swait.ge [sflag:s19], $0x4000  }
0xd1: {  	[sflag:s19] =	ssyncset.done $0x0  }
0xd2: {  	s25 =	sadd.s32 $0x70000, s25;
	[sflag:s19] =	ssyncadd.s32 $0xFFFFC000  }
0xd3: {  	[hbm4b:s23+s3] =	stream.linear.scatter [tilespmem:s10], [sflag:$0xE], $0x4000, $0x38;
	[tilespmem:$0x1DC00] =	vst v63  }
0xd4: {  	_ =	swait.ge [sflag:s26], $0x4000  }
0xd5: {  	[sflag:s26] =	ssyncset.done $0x0  }
0xd6: {  	s9 =	simm.s32 $0x1700;
	[sflag:s26] =	ssyncadd.s32 $0xFFFFC000  }
0xd7: {  	[tilespmem:s11], [sflag:$0x5] =	stream.indirect.gather [hbm4b:s2+s29], $0x80, s9, s29, $0xb8;
	[tilespmem:$0x1DC00] =	vst v63  }
0xd8: {  	_ =	swait.ge [sflag:s5], $0x4000  }
0xd9: {  	[sflag:s5] =	ssyncset.done $0x0  }
0xda: {  	s25 =	rddreg [dreg:$0xf];
	[sflag:s5] =	ssyncadd.s32 $0xFFFFC000  }
0xdb: {  	[hbm4b:s25+s3] =	stream.linear.scatter [tilespmem:s30], [sflag:$0x8], $0x4000, $0x38;
	[tilespmem:$0x1DC00] =	vst v63  }
0xdc: {  	_ =	swait.ge [sflag:s20], $0x4000  }
0xdd: {  	[sflag:s20] =	ssyncset.done $0x0  }
0xde: {  	s28 =	simm.s32 $0x1780;
	[sflag:s20] =	ssyncadd.s32 $0xFFFFC000  }
0xdf: {  	[tilespmem:s7], [sflag:$0x6] =	stream.indirect.gather [hbm4b:s2+s29], $0x80, s28, s29, $0xb8;
	[tilespmem:$0x1DC00] =	vst v63  }
0xe0: {  	_ =	swait.ge [sflag:s4], $0x4000  }
0xe1: {  	[sflag:s4] =	ssyncset.done $0x0  }
0xe2: {  	s23 =	rddreg [dreg:$0x10];
	[sflag:s4] =	ssyncadd.s32 $0xFFFFC000  }
0xe3: {  	[hbm4b:s23+s3] =	stream.linear.scatter [tilespmem:s31], [sflag:$0x9], $0x4000, $0x38;
	[tilespmem:$0x1DC00] =	vst v63  }
0xe4: {  	_ =	swait.ge [sflag:s21], $0x4000  }
0xe5: {  	[sflag:s21] =	ssyncset.done $0x0  }
0xe6: {  	s25 =	simm.s32 $0x1800;
	[sflag:s21] =	ssyncadd.s32 $0xFFFFC000  }
0xe7: {  	[tilespmem:s10], [sflag:$0x7] =	stream.indirect.gather [hbm4b:s2+s29], $0x80, s25, s29, $0xb8;
	[tilespmem:$0x1DC00] =	vst v63  }
0xe8: {  	_ =	swait.ge [sflag:s8], $0x4000  }
0xe9: {  	[sflag:s8] =	ssyncset.done $0x0  }
0xea: {  	s24 =	rddreg [dreg:$0x11];
	[sflag:s8] =	ssyncadd.s32 $0xFFFFC000  }
0xeb: {  	[hbm4b:s24+s3] =	stream.linear.scatter [tilespmem:s1], [sflag:$0xA], $0x4000, $0x38;
	[tilespmem:$0x1DC00] =	vst v63  }
0xec: {  	_ =	swait.ge [sflag:s12], $0x4000  }
0xed: {  	[sflag:s12] =	ssyncset.done $0x0  }
0xee: {  	s28 =	simm.s32 $0x1880;
	[sflag:s12] =	ssyncadd.s32 $0xFFFFC000  }
0xef: {  	[tilespmem:s30], [sflag:$0x1] =	stream.indirect.gather [hbm4b:s2+s29], $0x80, s28, s29, $0xb8;
	[tilespmem:$0x1DC00] =	vst v63  }
0xf0: {  	_ =	swait.ge [sflag:s13], $0x4000  }
0xf1: {  	[sflag:s13] =	ssyncset.done $0x0  }
0xf2: {  	s23 =	rddreg [dreg:$0x12];
	[sflag:s13] =	ssyncadd.s32 $0xFFFFC000  }
0xf3: {  	[hbm4b:s23+s3] =	stream.linear.scatter [tilespmem:s0], [sflag:$0xB], $0x4000, $0x38;
	[tilespmem:$0x1DC00] =	vst v63  }
0xf4: {  	_ =	swait.ge [sflag:s15], $0x4000  }
0xf5: {  	[sflag:s15] =	ssyncset.done $0x0  }
0xf6: {  	s24 =	rddreg [dreg:$0x13];
	[sflag:s15] =	ssyncadd.s32 $0xFFFFC000  }
0xf7: {  	[hbm4b:s24+s3] =	stream.linear.scatter [tilespmem:s11], [sflag:$0xC], $0x4000, $0x38;
	[tilespmem:$0x1DC00] =	vst v63  }
0xf8: {  	_ =	swait.ge [sflag:s17], $0x4000  }
0xf9: {  	[sflag:s17] =	ssyncset.done $0x0  }
0xfa: {  	s28 =	rddreg [dreg:$0x14];
	[sflag:s17] =	ssyncadd.s32 $0xFFFFC000  }
0xfb: {  	[hbm4b:s28+s3] =	stream.linear.scatter [tilespmem:s7], [sflag:$0xD], $0x4000, $0x38;
	[tilespmem:$0x1DC00] =	vst v63  }
0xfc: {  	_ =	swait.ge [sflag:s19], $0x4000  }
0xfd: {  	[sflag:s19] =	ssyncset.done $0x0  }
0xfe: {  	s23 =	rddreg [dreg:$0x15];
	[sflag:s19] =	ssyncadd.s32 $0xFFFFC000  }
0xff: {  	[hbm4b:s23+s3] =	stream.linear.scatter [tilespmem:s10], [sflag:$0xE], $0x4000, $0x38;
	[tilespmem:$0x1DC00] =	vst v63  }
0x100: {  	_ =	swait.ge [sflag:s5], $0x4000  }
0x101: {  	[sflag:s5] =	ssyncset.done $0x0  }
0x102: {  	s24 =	rddreg [dreg:$0x16];
	[sflag:s5] =	ssyncadd.s32 $0xFFFFC000  }
0x103: {  	[hbm4b:s24+s3] =	stream.linear.scatter [tilespmem:s30], [sflag:$0x8], $0x4000, $0x38;
	[tilespmem:$0x1DC00] =	vst v63  }
0x104: {  	_ =	swait.ge [sflag:s14], $0x4000  }
0x105: {  	[sflag:s14] =	ssyncset.done $0x0  }
0x106: {  	[sflag:s14] =	ssyncadd.s32 $0xFFFFC000  }
0x107: {  	_ =	swait.ge [sflag:s16], $0x4000  }
0x108: {  	[sflag:s16] =	ssyncset.done $0x0  }
0x109: {  	[sflag:s16] =	ssyncadd.s32 $0xFFFFC000  }
0x10a: {  	_ =	swait.ge [sflag:s18], $0x4000  }
0x10b: {  	[sflag:s18] =	ssyncset.done $0x0  }
0x10c: {  	[sflag:s18] =	ssyncadd.s32 $0xFFFFC000  }
0x10d: {  	_ =	swait.ge [sflag:s26], $0x4000  }
0x10e: {  	[sflag:s26] =	ssyncset.done $0x0  }
0x10f: {  	[sflag:s26] =	ssyncadd.s32 $0xFFFFC000  }
0x110: {  	_ =	swait.ge [sflag:s20], $0x4000  }
0x111: {  	[sflag:s20] =	ssyncset.done $0x0  }
0x112: {  	[sflag:s20] =	ssyncadd.s32 $0xFFFFC000  }
0x113: {  	_ =	swait.ge [sflag:s21], $0x4000  }
0x114: {  	[sflag:s21] =	ssyncset.done $0x0  }
0x115: {  	[sflag:s21] =	ssyncadd.s32 $0xFFFFC000  }
0x116: {  	_ =	swait.ge [sflag:s12], $0x4000  }
0x117: {  	s22 =	sadd.s32 $0x1, s22;
	s28 =	rddreg [dreg:$0x7]  }
0x118: {  	p0 =	sne.s32 s22, s28  }
.Ltmp1:
0x119: {  	_ = 	snop;
	(pc) =	sbr.rel @p0 .LBB2_1-.Ltmp1, $3  }
0x11a: {  	_ =	sdelay $0x1  }
0x11b: {  	[sflag:s12] =	ssyncset.done $0x0  }
0x11c: {  	[sflag:s12] =	ssyncadd.s32 $0xFFFFC000  }
0x11d: {  	_ =	sfence.sel $0x180000  }
0x11e: {  	[bflag:$0x0] =	sbarrier.arrive $0xFFFF  }
0x11f: {  	_ =	strace $0x90000047  }
0x120: {  	s0 =	stileid.u32;
	[bflag:$0x2] =	sbarrier.arrive $0xFFFF  }
0x121: {  	p0 =	sne.s32 s0, $0x0;
	s0 =	rddreg [dreg:$0x3]  }
0x122: {  	s0 =	sadd.s32 @!p0 $0x100000, s0  }
0x123: {  	[sflag:s0] =	ssyncadd.tile.s32 @!p0 $0x1;
	_ =	shalt  }
.Lfunc_end2:
_tile_overlayer_lowered:
.L_overlay_start_2:
0x124: {  	(tag) =	ssettag $0x2  }
0x125: {  	s0 =	rddreg [dreg:$0x0];
	s2 =	stileid.u32  }
0x126: {  	s1 =	rddreg [dreg:$0x1];
	p0 =	sne.s32 s2, $0x0  }
0x127: {  	s3 =	rddreg [dreg:$0x2];
	[bflag:$0x3] =	sbarrier.arrive $0xFFFF;
	s2 =	simm.s32 @!p0 $0x1C0F  }
0x128: {  	[timem:s3], [sflag:s2] =	dma.local @!p0 [hbm:s0], s1  }
0x129: {  	s0 =	simm.s32 @!p0 $0xF  }
0x12a: {  	_ =	swait.ge @!p0 [sflag:s0], s1  }
0x12b: {  	s1 =	ssub.s32 @!p0 $0x0, s1;
	[sflag:s0] =	ssyncset.done @!p0 $0x0  }
0x12c: {  	[sflag:s0] =	ssyncadd.s32 @!p0 s1  }
0x12d: {  	[bflag:$0x3] =	sbarrier.arrive $0xFFFF  }
0x12e: {  	_ =	shalt  }

</sc_bundles>
